<compile_context>
chip_gen: v7x
topology: tpu7x:2x2x1
jax: 0.10.2.dev20260603
libtpu: 0.0.44.dev20260713+nightly
codegen_flags: <defaults>
</compile_context>

<pallas_src>
import functools

import jax
import jax.numpy as jnp
from jax import lax
from jax.experimental import pallas as pl
from jax.experimental.pallas import tpu as pltpu
from jax.experimental.pallas import tpu_sc as plsc

_M_LO_BITS = 0x3A83126F
_M_HI_BITS = 0x3F7FFFFF
_MASK_RANGE = _M_HI_BITS - (_M_LO_BITS + 1)

_B = 8
_H = 384
_W = 384
_N = _H * _W
_NW = 32
_CPS = _NW // _B
_ROWS = _H // _CPS
_NBINS = 8192


def _sc_hist_body(gt_hbm, out_hbm, data_v, h0):
    wid = lax.axis_index("c") * 16 + lax.axis_index("s")
    sample = wid // _CPS
    chunk = wid % _CPS
    pltpu.sync_copy(gt_hbm.at[sample, pl.ds(chunk * _ROWS, _ROWS)], data_v)

    zeros16 = jnp.zeros((16,), jnp.int32)

    @plsc.parallel_loop(0, _NBINS // 16, unroll=8)
    def _(i):
        h0[pl.ds(i * 16, 16)] = zeros16

    ones16 = jnp.ones((16,), jnp.int32)
    scale = jnp.float32(_NBINS)

    @plsc.parallel_loop(0, _ROWS, unroll=2)
    def _(i):
        for j in range(_W // 16):
            v = data_v[i, pl.ds(j * 16, 16)]
            bins = jnp.minimum((v * scale).astype(jnp.int32),
                               jnp.int32(_NBINS - 1))
            plsc.addupdate_scatter(h0, [bins], ones16, mask=v > 0.0)

    pltpu.sync_copy(h0, out_hbm.at[wid])


@functools.cache
def _sc_hist():
    return pl.kernel(
        _sc_hist_body,
        out_type=jax.ShapeDtypeStruct((_NW, _NBINS), jnp.int32),
        mesh=plsc.VectorSubcoreMesh(core_axis_name="c", subcore_axis_name="s"),
        scratch_types=[
            pltpu.VMEM((_ROWS, _W), jnp.float32),
            pltpu.VMEM((_NBINS,), jnp.int32),
        ],
        compiler_params=pltpu.CompilerParams(needs_layout_passes=False),
    )


def _loss_body(pred_ref, gt_ref, hist_ref, out_ref):
    g = gt_ref[...]
    h = jnp.sum(hist_ref[...], axis=1)
    npos = jnp.sum(h, axis=1)

    lo_trim = npos // 10
    r_lo = jnp.maximum(lo_trim, 1)
    r_hi = npos - lo_trim + 1

    bin_iota = lax.broadcasted_iota(jnp.int32, h.shape, 1)

    def cum_le(b):
        c = jnp.where(bin_iota <= b[:, None], h, 0)
        return jnp.sum(c, axis=1)

    def step(_, carry):
        lo1, hi1, lo2, hi2 = carry
        m1 = lo1 + (hi1 - lo1) // 2
        m2 = lo2 + (hi2 - lo2) // 2
        c1 = cum_le(m1)
        c2 = cum_le(m2)
        ok1 = c1 >= r_lo
        ok2 = c2 >= r_hi
        return (jnp.where(ok1, lo1, m1 + 1), jnp.where(ok1, m1, hi1),
                jnp.where(ok2, lo2, m2 + 1), jnp.where(ok2, m2, hi2))

    B = g.shape[0]
    z = jnp.zeros((B,), jnp.int32)
    f = jnp.full((B,), _NBINS - 1, jnp.int32)
    b1, _, b2, _ = lax.fori_loop(0, 13, step, (z, f, z, f))
    binw = jnp.float32(1.0 / _NBINS)
    t1 = (b1 + 1).astype(jnp.float32) * binw
    t2 = (b2 + 1).astype(jnp.float32) * binw

    gg = g * g
    t1e = t1[:, None, None]
    t2e = t2[:, None, None]
    zero = jnp.float32(0.0)
    rb = jnp.sum(jnp.maximum(t1e - g, zero), axis=(1, 2))
    rbq = jnp.sum(jnp.maximum(t1e * t1e - gg, zero), axis=(1, 2))
    rt = jnp.sum(jnp.maximum(g - t2e, zero), axis=(1, 2))
    rtq = jnp.sum(jnp.maximum(gg - t2e * t2e, zero), axis=(1, 2))
    s_all = jnp.sum(g, axis=(1, 2))
    q_all = jnp.sum(gg, axis=(1, 2))

    lof = lo_trim.astype(jnp.float32)
    nzero = (jnp.float32(g.shape[1] * g.shape[2]) - npos.astype(jnp.float32))
    lz = lof + nzero
    has_trim = lo_trim > 0
    sum_bot = jnp.where(has_trim, lz * t1 - rb, 0.0)
    sq_bot = jnp.where(has_trim, lz * t1 * t1 - rbq, 0.0)
    sum_top = jnp.where(has_trim, lof * t2 + rt, 0.0)
    sq_top = jnp.where(has_trim, lof * t2 * t2 + rtq, 0.0)

    m = npos - 2 * lo_trim
    mf = m.astype(jnp.float32)
    kept_sum = s_all - sum_bot - sum_top
    kept_sq = q_all - sq_bot - sq_top
    mean_t = kept_sum / mf
    var_t = (kept_sq - mf * mean_t * mean_t) / jnp.maximum(mf - 1.0, 1.0)
    std_t = jnp.sqrt(jnp.maximum(var_t, 0.0))
    has_enough = npos >= 10
    mean = jnp.where(has_enough, mean_t, 0.0)
    std = jnp.where(has_enough, std_t, 1.0)

    p = pred_ref[...]
    gu1 = lax.bitcast_convert_type(g, jnp.uint32) - jnp.uint32(1)
    inv = (1.0 / (std + 1e-8))[:, None, None]
    gtr = (g - mean[:, None, None]) * inv
    d = jnp.abs(gtr - p)
    d2 = jnp.abs(jnp.tanh(0.1 * gtr) - jnp.tanh(0.1 * p))
    msk = (gu1 - jnp.uint32(_M_LO_BITS)) <= jnp.uint32(_MASK_RANGE)
    tot = jnp.sum(jnp.where(msk, d + d2, 0.0), axis=(1, 2))
    msum = jnp.sum(msk.astype(jnp.int32), axis=(1, 2))
    loss = tot / msum.astype(jnp.float32)
    out_ref[...] = jnp.broadcast_to(loss[:, None], out_ref.shape)


def kernel(pred, gt):
    B = gt.shape[0]
    H, W = gt.shape[-2], gt.shape[-1]
    g3 = gt.reshape(B, H, W)
    p3 = pred.reshape(B, H, W)
    hist = _sc_hist()(g3)
    h3 = hist.reshape(B, _CPS, _NBINS)
    out = pl.pallas_call(
        _loss_body,
        out_shape=jax.ShapeDtypeStruct((B, 128), jnp.float32),
    )(p3, g3, h3)
    return out[:, 0]

# --- scband reference (transcript-rebuilt; emitter-appended) ---
"""Pipeline reference for scband-meadstd-tanh-norm-loss-53171695125345 (READ-ONLY COPY).

The authoritative reference and input builder live on the scoring server;
editing this copy changes nothing except your own understanding.
"""

import jax, jax.numpy as jnp
import numpy as np

def setup_inputs(seed: int = 0) -> dict:
    key = jax.random.key(seed)
    k1, k2 = jax.random.split(key)
    pred = jax.random.normal(k1, (8, 1, 384, 384), dtype=jnp.float32)
    gt = jax.random.uniform(k2, (8, 1, 384, 384), dtype=jnp.float32)
    return {"pred": pred, "gt": gt}

def reference(pred, gt):
    valid_threshold = 0.001
    max_threshold = 1.0
    mask = (gt > valid_threshold) & (gt < max_threshold)
    mask_sum = jnp.sum(mask, axis=(1, 2, 3))
    B = gt.shape[0]
    N = gt.shape[1] * gt.shape[2] * gt.shape[3]
    gt_flat = gt.reshape(B, N)
    pred_flat = pred.reshape(B, N)
    mask_flat = mask.reshape(B, N)
    # transform: per-sample trimmed mean/std of positive depths
    pos = gt_flat > 0
    n_pos = jnp.sum(pos, axis=1)
    dvs = jnp.sort(jnp.where(pos, gt_flat, jnp.inf), axis=1)
    lo = n_pos // 10
    col = jnp.arange(N)
    trim_w = (col[None, :] >= lo[:, None]) & (col[None, :] < (n_pos - lo)[:, None])
    m = n_pos - 2 * lo
    trim_mean = jnp.sum(jnp.where(trim_w, dvs, 0.0), axis=1) / m
    trim_var = jnp.sum(jnp.where(trim_w, (dvs - trim_mean[:, None]) ** 2, 0.0), axis=1) / (m - 1)
    trim_std = jnp.sqrt(trim_var)
    has_enough = n_pos >= 10
    gt_mean = jnp.where(has_enough, trim_mean, jnp.float32(0.0))
    gt_std = jnp.where(has_enough, trim_std, jnp.float32(1.0))
    gt_trans = (gt_flat - gt_mean[:, None]) / (gt_std[:, None] + 1e-08)
    depth_diff = jnp.abs(gt_trans - pred_flat)
    loss = jnp.sum(jnp.where(mask_flat, depth_diff, 0.0), axis=1) / mask_sum
    tanh_norm_gt = jnp.tanh(0.1 * gt_trans)
    tanh_norm_pred = jnp.tanh(0.1 * pred_flat)
    tanh_diff = jnp.abs(tanh_norm_gt - tanh_norm_pred)
    loss_tanh = jnp.sum(jnp.where(mask_flat, tanh_diff, 0.0), axis=1) / mask_sum
    return loss + loss_tanh

if __name__ == "__main__":
    import jax
    _d = setup_inputs()
    print(jax.jit(kernel)(*tuple(_d.values())))

</pallas_src>

<mosaic_0001>
#map = affine_map<(d0, d1) -> (0, 0, 0)>
#map1 = affine_map<(d0, d1) -> (0, 0)>
module attributes {stable_mosaic.version = 14 : i64} {
  func.func @_sc_hist_body(%arg0: i32, %arg1: i32, %arg2: memref<8x384x384xf32, #tpu.memory_space<hbm>>, %arg3: memref<32x8192xi32, #tpu.memory_space<hbm>>, %arg4: memref<96x384xf32, #tpu.memory_space<vmem>>, %arg5: memref<8192xi32, #tpu.memory_space<vmem>>) attributes {dimension_semantics = [#tpu.dimension_semantics<core_parallel>, #tpu.dimension_semantics<subcore_parallel>], iteration_bounds = array<i64: 2, 16>, scalar_prefetch = 0 : i64, scratch_operands = 2 : i64, tpu.core_type = #tpu.core_type<sc_vector_subcore>, window_params = [{transform_indices = #map}, {transform_indices = #map1}]} {
    %mul3A = arith.constant 16 : i32
    %mul3A_0 = arith.muli %arg0, %mul3A : i32
    %add3A = arith.addi %mul3A_0, %arg1 : i32
    %jit3A = arith.constant 4 : i32
    %div3A = arith.divsi %add3A, %jit3A : i32
    %sign3A = arith.constant 0 : i32
    %sign3A_1 = arith.cmpi sgt, %add3A, %sign3A : i32
    %sign3A_2 = arith.extui %sign3A_1 : i1 to i32
    %sign3A_3 = arith.constant 0 : i32
    %sign3A_4 = arith.cmpi slt, %add3A, %sign3A_3 : i32
    %sign3A_5 = arith.extui %sign3A_4 : i1 to i32
    %sign3A_6 = arith.subi %sign3A_2, %sign3A_5 : i32
    %sign3A_7 = arith.constant 0 : i32
    %sign3A_8 = arith.cmpi sgt, %jit3A, %sign3A_7 : i32
    %sign3A_9 = arith.extui %sign3A_8 : i1 to i32
    %sign3A_10 = arith.constant 0 : i32
    %sign3A_11 = arith.cmpi slt, %jit3A, %sign3A_10 : i32
    %sign3A_12 = arith.extui %sign3A_11 : i1 to i32
    %sign3A_13 = arith.subi %sign3A_9, %sign3A_12 : i32
    %ne3A = arith.cmpi ne, %sign3A_6, %sign3A_13 : i32
    %rem3A = arith.remsi %add3A, %jit3A : i32
    %ne3A_14 = arith.constant 0 : i32
    %ne3A_15 = arith.cmpi ne, %rem3A, %ne3A_14 : i32
    %and3A = arith.andi %ne3A, %ne3A_15 : i1
    %sub3A = arith.constant 1 : i32
    %sub3A_16 = arith.subi %div3A, %sub3A : i32
    %select_n3A = arith.select %and3A, %sub3A_16, %div3A : i32
    %jit3A_17 = arith.constant 4 : i32
    %eq3A = arith.constant 0 : i32
    %eq3A_18 = arith.cmpi eq, %jit3A_17, %eq3A : i32
    %jit3A_19 = arith.constant 1 : i32
    %select_n3A_20 = arith.select %eq3A_18, %jit3A_19, %jit3A_17 : i32
    %rem3A_21 = arith.remsi %add3A, %select_n3A_20 : i32
    %ne3A_22 = arith.constant 0 : i32
    %ne3A_23 = arith.cmpi ne, %rem3A_21, %ne3A_22 : i32
    %lt3A = arith.constant 0 : i32
    %lt3A_24 = arith.cmpi slt, %rem3A_21, %lt3A : i32
    %lt3A_25 = arith.constant 0 : i32
    %lt3A_26 = arith.cmpi slt, %select_n3A_20, %lt3A_25 : i32
    %ne3A_27 = arith.xori %lt3A_24, %lt3A_26 : i1
    %and3A_28 = arith.andi %ne3A_27, %ne3A_23 : i1
    %add3A_29 = arith.addi %rem3A_21, %select_n3A_20 : i32
    %select_n3A_30 = arith.select %and3A_28, %add3A_29, %rem3A_21 : i32
    %mul3A_31 = arith.constant 96 : i32
    %mul3A_32 = arith.muli %select_n3A_30, %mul3A_31 : i32
    "tpu.region"() ({
      %run_scoped3A = tpu.sem_alloc : memref<!tpu.dma_semaphore, #tpu.memory_space<semaphore_mem>>
      %dma_start3A = arith.constant 0 : i32
      %dma_start3A_42 = tpu.memref_slice %arg2[%select_n3A, %mul3A_32, %dma_start3A] : memref<8x384x384xf32, #tpu.memory_space<hbm>> -> memref<1x96x384xf32, #tpu.memory_space<hbm>>
      %dma_start3A_43 = tpu.memref_squeeze %dma_start3A_42 : memref<1x96x384xf32, #tpu.memory_space<hbm>> -> memref<96x384xf32, #tpu.memory_space<hbm>>
      %dma_start3A_44 = arith.constant 0 : i32
      %dma_start3A_45 = tpu.memref_slice %arg2[%select_n3A, %mul3A_32, %dma_start3A_44] : memref<8x384x384xf32, #tpu.memory_space<hbm>> -> memref<1x96x384xf32, #tpu.memory_space<hbm>>
      %dma_start3A_46 = tpu.memref_squeeze %dma_start3A_45 : memref<1x96x384xf32, #tpu.memory_space<hbm>> -> memref<96x384xf32, #tpu.memory_space<hbm>>
      tpu.enqueue_dma source(%dma_start3A_46 : memref<96x384xf32, #tpu.memory_space<hbm>>) target(%arg4 : memref<96x384xf32, #tpu.memory_space<vmem>>) target_semaphore(%run_scoped3A : memref<!tpu.dma_semaphore, #tpu.memory_space<semaphore_mem>>)
      %dma_wait3A = arith.constant 0 : i32
      %dma_wait3A_47 = tpu.memref_slice %arg2[%select_n3A, %mul3A_32, %dma_wait3A] : memref<8x384x384xf32, #tpu.memory_space<hbm>> -> memref<1x96x384xf32, #tpu.memory_space<hbm>>
      %dma_wait3A_48 = tpu.memref_squeeze %dma_wait3A_47 : memref<1x96x384xf32, #tpu.memory_space<hbm>> -> memref<96x384xf32, #tpu.memory_space<hbm>>
      %dma_wait3A_49 = arith.constant 0 : i32
      %dma_wait3A_50 = tpu.memref_slice %arg2[%select_n3A, %mul3A_32, %dma_wait3A_49] : memref<8x384x384xf32, #tpu.memory_space<hbm>> -> memref<1x96x384xf32, #tpu.memory_space<hbm>>
      %dma_wait3A_51 = tpu.memref_squeeze %dma_wait3A_50 : memref<1x96x384xf32, #tpu.memory_space<hbm>> -> memref<96x384xf32, #tpu.memory_space<hbm>>
      tpu.wait_dma2 semaphore(%run_scoped3A : memref<!tpu.dma_semaphore, #tpu.memory_space<semaphore_mem>>) src(%dma_wait3A_51 : memref<96x384xf32, #tpu.memory_space<hbm>>) dst(%arg4 : memref<96x384xf32, #tpu.memory_space<vmem>>)
      tpu.yield
    }) : () -> ()
    %broadcast_in_dim3A = arith.constant 0 : i32
    %broadcast_in_dim3A_33 = vector.broadcast %broadcast_in_dim3A : i32 to vector<16xi32>
    %parallel_loop3A = arith.constant 0 : i32
    %parallel_loop3A_34 = arith.constant 512 : i32
    %parallel_loop3A_35 = arith.constant 1 : i32
    scf.for %parallel_loop3A_42 = %parallel_loop3A to %parallel_loop3A_34 step %parallel_loop3A_35  : i32 {
      %parallel_loop3A_43 = arith.constant 16 : i32
      %parallel_loop3A_44 = arith.muli %parallel_loop3A_42, %parallel_loop3A_43 : i32
      %parallel_loop3A_45 = arith.index_cast %parallel_loop3A_44 : i32 to index
      %parallel_loop3A_46 = tpu.vector_load %arg5[%parallel_loop3A_45] {strides = array<i32>} : memref<8192xi32, #tpu.memory_space<vmem>>, vector<16xi32>,
      tpu.vector_store %arg5[%parallel_loop3A_45], %broadcast_in_dim3A_33 {strides = array<i32>} : memref<8192xi32, #tpu.memory_space<vmem>>, vector<16xi32>,
    } {sc.loop_unroll_factor = 8 : i64, sc.parallel_access}
    %broadcast_in_dim3A_36 = arith.constant 1 : i32
    %broadcast_in_dim3A_37 = vector.broadcast %broadcast_in_dim3A_36 : i32 to vector<16xi32>
    %parallel_loop3A_38 = arith.constant 0 : i32
    %parallel_loop3A_39 = arith.constant 96 : i32
    %parallel_loop3A_40 = arith.constant 1 : i32
    %parallel_loop3A_41 = arith.constant 8.192000e+03 : f32
    scf.for %parallel_loop3A_42 = %parallel_loop3A_38 to %parallel_loop3A_39 step %parallel_loop3A_40  : i32 {
      %parallel_loop3A_43 = arith.index_cast %parallel_loop3A_42 : i32 to index
      %parallel_loop3A_44 = arith.constant 0 : index
      %parallel_loop3A_45 = tpu.vector_load %arg4[%parallel_loop3A_43, %parallel_loop3A_44] {strides = array<i32>} : memref<96x384xf32, #tpu.memory_space<vmem>>, vector<16xf32>,
      %parallel_loop3A_46 = vector.broadcast %parallel_loop3A_41 : f32 to vector<16xf32>
      %parallel_loop3A_47 = arith.mulf %parallel_loop3A_45, %parallel_loop3A_46 : vector<16xf32>
      %parallel_loop3A_48 = arith.fptosi %parallel_loop3A_47 : vector<16xf32> to vector<16xi32>
      %parallel_loop3A_49 = arith.constant 8191 : i32
      %parallel_loop3A_50 = vector.broadcast %parallel_loop3A_49 : i32 to vector<16xi32>
      %parallel_loop3A_51 = arith.minsi %parallel_loop3A_48, %parallel_loop3A_50 : vector<16xi32>
      %parallel_loop3A_52 = arith.constant 0.000000e+00 : f32
      %parallel_loop3A_53 = vector.broadcast %parallel_loop3A_52 : f32 to vector<16xf32>
      %parallel_loop3A_54 = arith.cmpf ogt, %parallel_loop3A_45, %parallel_loop3A_53 : vector<16xf32>
      tpu.vector_store_idx %arg5[%parallel_loop3A_51], %broadcast_in_dim3A_37 masked %parallel_loop3A_54 {add = true} : memref<8192xi32, #tpu.memory_space<vmem>>[vector<16xi32>], vector<16xi32>, vector<16xi1>
      %parallel_loop3A_55 = arith.index_cast %parallel_loop3A_42 : i32 to index
      %parallel_loop3A_56 = arith.constant 16 : index
      %parallel_loop3A_57 = tpu.vector_load %arg4[%parallel_loop3A_55, %parallel_loop3A_56] {strides = array<i32>} : memref<96x384xf32, #tpu.memory_space<vmem>>, vector<16xf32>,
      %parallel_loop3A_58 = vector.broadcast %parallel_loop3A_41 : f32 to vector<16xf32>
      %parallel_loop3A_59 = arith.mulf %parallel_loop3A_57, %parallel_loop3A_58 : vector<16xf32>
      %parallel_loop3A_60 = arith.fptosi %parallel_loop3A_59 : vector<16xf32> to vector<16xi32>
      %parallel_loop3A_61 = arith.constant 8191 : i32
      %parallel_loop3A_62 = vector.broadcast %parallel_loop3A_61 : i32 to vector<16xi32>
      %parallel_loop3A_63 = arith.minsi %parallel_loop3A_60, %parallel_loop3A_62 : vector<16xi32>
      %parallel_loop3A_64 = arith.constant 0.000000e+00 : f32
      %parallel_loop3A_65 = vector.broadcast %parallel_loop3A_64 : f32 to vector<16xf32>
      %parallel_loop3A_66 = arith.cmpf ogt, %parallel_loop3A_57, %parallel_loop3A_65 : vector<16xf32>
      tpu.vector_store_idx %arg5[%parallel_loop3A_63], %broadcast_in_dim3A_37 masked %parallel_loop3A_66 {add = true} : memref<8192xi32, #tpu.memory_space<vmem>>[vector<16xi32>], vector<16xi32>, vector<16xi1>
      %parallel_loop3A_67 = arith.index_cast %parallel_loop3A_42 : i32 to index
      %parallel_loop3A_68 = arith.constant 32 : index
      %parallel_loop3A_69 = tpu.vector_load %arg4[%parallel_loop3A_67, %parallel_loop3A_68] {strides = array<i32>} : memref<96x384xf32, #tpu.memory_space<vmem>>, vector<16xf32>,
      %parallel_loop3A_70 = vector.broadcast %parallel_loop3A_41 : f32 to vector<16xf32>
      %parallel_loop3A_71 = arith.mulf %parallel_loop3A_69, %parallel_loop3A_70 : vector<16xf32>
      %parallel_loop3A_72 = arith.fptosi %parallel_loop3A_71 : vector<16xf32> to vector<16xi32>
      %parallel_loop3A_73 = arith.constant 8191 : i32
      %parallel_loop3A_74 = vector.broadcast %parallel_loop3A_73 : i32 to vector<16xi32>
      %parallel_loop3A_75 = arith.minsi %parallel_loop3A_72, %parallel_loop3A_74 : vector<16xi32>
      %parallel_loop3A_76 = arith.constant 0.000000e+00 : f32
      %parallel_loop3A_77 = vector.broadcast %parallel_loop3A_76 : f32 to vector<16xf32>
      %parallel_loop3A_78 = arith.cmpf ogt, %parallel_loop3A_69, %parallel_loop3A_77 : vector<16xf32>
      tpu.vector_store_idx %arg5[%parallel_loop3A_75], %broadcast_in_dim3A_37 masked %parallel_loop3A_78 {add = true} : memref<8192xi32, #tpu.memory_space<vmem>>[vector<16xi32>], vector<16xi32>, vector<16xi1>
      %parallel_loop3A_79 = arith.index_cast %parallel_loop3A_42 : i32 to index
      %parallel_loop3A_80 = arith.constant 48 : index
      %parallel_loop3A_81 = tpu.vector_load %arg4[%parallel_loop3A_79, %parallel_loop3A_80] {strides = array<i32>} : memref<96x384xf32, #tpu.memory_space<vmem>>, vector<16xf32>,
      %parallel_loop3A_82 = vector.broadcast %parallel_loop3A_41 : f32 to vector<16xf32>
      %parallel_loop3A_83 = arith.mulf %parallel_loop3A_81, %parallel_loop3A_82 : vector<16xf32>
      %parallel_loop3A_84 = arith.fptosi %parallel_loop3A_83 : vector<16xf32> to vector<16xi32>
      %parallel_loop3A_85 = arith.constant 8191 : i32
      %parallel_loop3A_86 = vector.broadcast %parallel_loop3A_85 : i32 to vector<16xi32>
      %parallel_loop3A_87 = arith.minsi %parallel_loop3A_84, %parallel_loop3A_86 : vector<16xi32>
      %parallel_loop3A_88 = arith.constant 0.000000e+00 : f32
      %parallel_loop3A_89 = vector.broadcast %parallel_loop3A_88 : f32 to vector<16xf32>
      %parallel_loop3A_90 = arith.cmpf ogt, %parallel_loop3A_81, %parallel_loop3A_89 : vector<16xf32>
      tpu.vector_store_idx %arg5[%parallel_loop3A_87], %broadcast_in_dim3A_37 masked %parallel_loop3A_90 {add = true} : memref<8192xi32, #tpu.memory_space<vmem>>[vector<16xi32>], vector<16xi32>, vector<16xi1>
      %parallel_loop3A_91 = arith.index_cast %parallel_loop3A_42 : i32 to index
      %parallel_loop3A_92 = arith.constant 64 : index
      %parallel_loop3A_93 = tpu.vector_load %arg4[%parallel_loop3A_91, %parallel_loop3A_92] {strides = array<i32>} : memref<96x384xf32, #tpu.memory_space<vmem>>, vector<16xf32>,
      %parallel_loop3A_94 = vector.broadcast %parallel_loop3A_41 : f32 to vector<16xf32>
      %parallel_loop3A_95 = arith.mulf %parallel_loop3A_93, %parallel_loop3A_94 : vector<16xf32>
      %parallel_loop3A_96 = arith.fptosi %parallel_loop3A_95 : vector<16xf32> to vector<16xi32>
      %parallel_loop3A_97 = arith.constant 8191 : i32
      %parallel_loop3A_98 = vector.broadcast %parallel_loop3A_97 : i32 to vector<16xi32>
      %parallel_loop3A_99 = arith.minsi %parallel_loop3A_96, %parallel_loop3A_98 : vector<16xi32>
      %parallel_loop3A_100 = arith.constant 0.000000e+00 : f32
      %parallel_loop3A_101 = vector.broadcast %parallel_loop3A_100 : f32 to vector<16xf32>
      %parallel_loop3A_102 = arith.cmpf ogt, %parallel_loop3A_93, %parallel_loop3A_101 : vector<16xf32>
      tpu.vector_store_idx %arg5[%parallel_loop3A_99], %broadcast_in_dim3A_37 masked %parallel_loop3A_102 {add = true} : memref<8192xi32, #tpu.memory_space<vmem>>[vector<16xi32>], vector<16xi32>, vector<16xi1>
      %parallel_loop3A_103 = arith.index_cast %parallel_loop3A_42 : i32 to index
      %parallel_loop3A_104 = arith.constant 80 : index
      %parallel_loop3A_105 = tpu.vector_load %arg4[%parallel_loop3A_103, %parallel_loop3A_104] {strides = array<i32>} : memref<96x384xf32, #tpu.memory_space<vmem>>, vector<16xf32>,
      %parallel_loop3A_106 = vector.broadcast %parallel_loop3A_41 : f32 to vector<16xf32>
      %parallel_loop3A_107 = arith.mulf %parallel_loop3A_105, %parallel_loop3A_106 : vector<16xf32>
      %parallel_loop3A_108 = arith.fptosi %parallel_loop3A_107 : vector<16xf32> to vector<16xi32>
      %parallel_loop3A_109 = arith.constant 8191 : i32
      %parallel_loop3A_110 = vector.broadcast %parallel_loop3A_109 : i32 to vector<16xi32>
      %parallel_loop3A_111 = arith.minsi %parallel_loop3A_108, %parallel_loop3A_110 : vector<16xi32>
      %parallel_loop3A_112 = arith.constant 0.000000e+00 : f32
      %parallel_loop3A_113 = vector.broadcast %parallel_loop3A_112 : f32 to vector<16xf32>
      %parallel_loop3A_114 = arith.cmpf ogt, %parallel_loop3A_105, %parallel_loop3A_113 : vector<16xf32>
      tpu.vector_store_idx %arg5[%parallel_loop3A_111], %broadcast_in_dim3A_37 masked %parallel_loop3A_114 {add = true} : memref<8192xi32, #tpu.memory_space<vmem>>[vector<16xi32>], vector<16xi32>, vector<16xi1>
      %parallel_loop3A_115 = arith.index_cast %parallel_loop3A_42 : i32 to index
      %parallel_loop3A_116 = arith.constant 96 : index
      %parallel_loop3A_117 = tpu.vector_load %arg4[%parallel_loop3A_115, %parallel_loop3A_116] {strides = array<i32>} : memref<96x384xf32, #tpu.memory_space<vmem>>, vector<16xf32>,
      %parallel_loop3A_118 = vector.broadcast %parallel_loop3A_41 : f32 to vector<16xf32>
      %parallel_loop3A_119 = arith.mulf %parallel_loop3A_117, %parallel_loop3A_118 : vector<16xf32>
      %parallel_loop3A_120 = arith.fptosi %parallel_loop3A_119 : vector<16xf32> to vector<16xi32>
      %parallel_loop3A_121 = arith.constant 8191 : i32
      %parallel_loop3A_122 = vector.broadcast %parallel_loop3A_121 : i32 to vector<16xi32>
      %parallel_loop3A_123 = arith.minsi %parallel_loop3A_120, %parallel_loop3A_122 : vector<16xi32>
      %parallel_loop3A_124 = arith.constant 0.000000e+00 : f32
      %parallel_loop3A_125 = vector.broadcast %parallel_loop3A_124 : f32 to vector<16xf32>
      %parallel_loop3A_126 = arith.cmpf ogt, %parallel_loop3A_117, %parallel_loop3A_125 : vector<16xf32>
      tpu.vector_store_idx %arg5[%parallel_loop3A_123], %broadcast_in_dim3A_37 masked %parallel_loop3A_126 {add = true} : memref<8192xi32, #tpu.memory_space<vmem>>[vector<16xi32>], vector<16xi32>, vector<16xi1>
      %parallel_loop3A_127 = arith.index_cast %parallel_loop3A_42 : i32 to index
      %parallel_loop3A_128 = arith.constant 112 : index
      %parallel_loop3A_129 = tpu.vector_load %arg4[%parallel_loop3A_127, %parallel_loop3A_128] {strides = array<i32>} : memref<96x384xf32, #tpu.memory_space<vmem>>, vector<16xf32>,
      %parallel_loop3A_130 = vector.broadcast %parallel_loop3A_41 : f32 to vector<16xf32>
      %parallel_loop3A_131 = arith.mulf %parallel_loop3A_129, %parallel_loop3A_130 : vector<16xf32>
      %parallel_loop3A_132 = arith.fptosi %parallel_loop3A_131 : vector<16xf32> to vector<16xi32>
      %parallel_loop3A_133 = arith.constant 8191 : i32
      %parallel_loop3A_134 = vector.broadcast %parallel_loop3A_133 : i32 to vector<16xi32>
      %parallel_loop3A_135 = arith.minsi %parallel_loop3A_132, %parallel_loop3A_134 : vector<16xi32>
      %parallel_loop3A_136 = arith.constant 0.000000e+00 : f32
      %parallel_loop3A_137 = vector.broadcast %parallel_loop3A_136 : f32 to vector<16xf32>
      %parallel_loop3A_138 = arith.cmpf ogt, %parallel_loop3A_129, %parallel_loop3A_137 : vector<16xf32>
      tpu.vector_store_idx %arg5[%parallel_loop3A_135], %broadcast_in_dim3A_37 masked %parallel_loop3A_138 {add = true} : memref<8192xi32, #tpu.memory_space<vmem>>[vector<16xi32>], vector<16xi32>, vector<16xi1>
      %parallel_loop3A_139 = arith.index_cast %parallel_loop3A_42 : i32 to index
      %parallel_loop3A_140 = arith.constant 128 : index
      %parallel_loop3A_141 = tpu.vector_load %arg4[%parallel_loop3A_139, %parallel_loop3A_140] {strides = array<i32>} : memref<96x384xf32, #tpu.memory_space<vmem>>, vector<16xf32>,
      %parallel_loop3A_142 = vector.broadcast %parallel_loop3A_41 : f32 to vector<16xf32>
      %parallel_loop3A_143 = arith.mulf %parallel_loop3A_141, %parallel_loop3A_142 : vector<16xf32>
      %parallel_loop3A_144 = arith.fptosi %parallel_loop3A_143 : vector<16xf32> to vector<16xi32>
      %parallel_loop3A_145 = arith.constant 8191 : i32
      %parallel_loop3A_146 = vector.broadcast %parallel_loop3A_145 : i32 to vector<16xi32>
      %parallel_loop3A_147 = arith.minsi %parallel_loop3A_144, %parallel_loop3A_146 : vector<16xi32>
      %parallel_loop3A_148 = arith.constant 0.000000e+00 : f32
      %parallel_loop3A_149 = vector.broadcast %parallel_loop3A_148 : f32 to vector<16xf32>
      %parallel_loop3A_150 = arith.cmpf ogt, %parallel_loop3A_141, %parallel_loop3A_149 : vector<16xf32>
      tpu.vector_store_idx %arg5[%parallel_loop3A_147], %broadcast_in_dim3A_37 masked %parallel_loop3A_150 {add = true} : memref<8192xi32, #tpu.memory_space<vmem>>[vector<16xi32>], vector<16xi32>, vector<16xi1>
      %parallel_loop3A_151 = arith.index_cast %parallel_loop3A_42 : i32 to index
      %parallel_loop3A_152 = arith.constant 144 : index
      %parallel_loop3A_153 = tpu.vector_load %arg4[%parallel_loop3A_151, %parallel_loop3A_152] {strides = array<i32>} : memref<96x384xf32, #tpu.memory_space<vmem>>, vector<16xf32>,
      %parallel_loop3A_154 = vector.broadcast %parallel_loop3A_41 : f32 to vector<16xf32>
      %parallel_loop3A_155 = arith.mulf %parallel_loop3A_153, %parallel_loop3A_154 : vector<16xf32>
      %parallel_loop3A_156 = arith.fptosi %parallel_loop3A_155 : vector<16xf32> to vector<16xi32>
      %parallel_loop3A_157 = arith.constant 8191 : i32
      %parallel_loop3A_158 = vector.broadcast %parallel_loop3A_157 : i32 to vector<16xi32>
      %parallel_loop3A_159 = arith.minsi %parallel_loop3A_156, %parallel_loop3A_158 : vector<16xi32>
      %parallel_loop3A_160 = arith.constant 0.000000e+00 : f32
      %parallel_loop3A_161 = vector.broadcast %parallel_loop3A_160 : f32 to vector<16xf32>
      %parallel_loop3A_162 = arith.cmpf ogt, %parallel_loop3A_153, %parallel_loop3A_161 : vector<16xf32>
      tpu.vector_store_idx %arg5[%parallel_loop3A_159], %broadcast_in_dim3A_37 masked %parallel_loop3A_162 {add = true} : memref<8192xi32, #tpu.memory_space<vmem>>[vector<16xi32>], vector<16xi32>, vector<16xi1>
      %parallel_loop3A_163 = arith.index_cast %parallel_loop3A_42 : i32 to index
      %parallel_loop3A_164 = arith.constant 160 : index
      %parallel_loop3A_165 = tpu.vector_load %arg4[%parallel_loop3A_163, %parallel_loop3A_164] {strides = array<i32>} : memref<96x384xf32, #tpu.memory_space<vmem>>, vector<16xf32>,
      %parallel_loop3A_166 = vector.broadcast %parallel_loop3A_41 : f32 to vector<16xf32>
      %parallel_loop3A_167 = arith.mulf %parallel_loop3A_165, %parallel_loop3A_166 : vector<16xf32>
      %parallel_loop3A_168 = arith.fptosi %parallel_loop3A_167 : vector<16xf32> to vector<16xi32>
      %parallel_loop3A_169 = arith.constant 8191 : i32
      %parallel_loop3A_170 = vector.broadcast %parallel_loop3A_169 : i32 to vector<16xi32>
      %parallel_loop3A_171 = arith.minsi %parallel_loop3A_168, %parallel_loop3A_170 : vector<16xi32>
      %parallel_loop3A_172 = arith.constant 0.000000e+00 : f32
      %parallel_loop3A_173 = vector.broadcast %parallel_loop3A_172 : f32 to vector<16xf32>
      %parallel_loop3A_174 = arith.cmpf ogt, %parallel_loop3A_165, %parallel_loop3A_173 : vector<16xf32>
      tpu.vector_store_idx %arg5[%parallel_loop3A_171], %broadcast_in_dim3A_37 masked %parallel_loop3A_174 {add = true} : memref<8192xi32, #tpu.memory_space<vmem>>[vector<16xi32>], vector<16xi32>, vector<16xi1>
      %parallel_loop3A_175 = arith.index_cast %parallel_loop3A_42 : i32 to index
      %parallel_loop3A_176 = arith.constant 176 : index
      %parallel_loop3A_177 = tpu.vector_load %arg4[%parallel_loop3A_175, %parallel_loop3A_176] {strides = array<i32>} : memref<96x384xf32, #tpu.memory_space<vmem>>, vector<16xf32>,
      %parallel_loop3A_178 = vector.broadcast %parallel_loop3A_41 : f32 to vector<16xf32>
      %parallel_loop3A_179 = arith.mulf %parallel_loop3A_177, %parallel_loop3A_178 : vector<16xf32>
      %parallel_loop3A_180 = arith.fptosi %parallel_loop3A_179 : vector<16xf32> to vector<16xi32>
      %parallel_loop3A_181 = arith.constant 8191 : i32
      %parallel_loop3A_182 = vector.broadcast %parallel_loop3A_181 : i32 to vector<16xi32>
      %parallel_loop3A_183 = arith.minsi %parallel_loop3A_180, %parallel_loop3A_182 : vector<16xi32>
      %parallel_loop3A_184 = arith.constant 0.000000e+00 : f32
      %parallel_loop3A_185 = vector.broadcast %parallel_loop3A_184 : f32 to vector<16xf32>
      %parallel_loop3A_186 = arith.cmpf ogt, %parallel_loop3A_177, %parallel_loop3A_185 : vector<16xf32>
      tpu.vector_store_idx %arg5[%parallel_loop3A_183], %broadcast_in_dim3A_37 masked %parallel_loop3A_186 {add = true} : memref<8192xi32, #tpu.memory_space<vmem>>[vector<16xi32>], vector<16xi32>, vector<16xi1>
      %parallel_loop3A_187 = arith.index_cast %parallel_loop3A_42 : i32 to index
      %parallel_loop3A_188 = arith.constant 192 : index
      %parallel_loop3A_189 = tpu.vector_load %arg4[%parallel_loop3A_187, %parallel_loop3A_188] {strides = array<i32>} : memref<96x384xf32, #tpu.memory_space<vmem>>, vector<16xf32>,
      %parallel_loop3A_190 = vector.broadcast %parallel_loop3A_41 : f32 to vector<16xf32>
      %parallel_loop3A_191 = arith.mulf %parallel_loop3A_189, %parallel_loop3A_190 : vector<16xf32>
      %parallel_loop3A_192 = arith.fptosi %parallel_loop3A_191 : vector<16xf32> to vector<16xi32>
      %parallel_loop3A_193 = arith.constant 8191 : i32
      %parallel_loop3A_194 = vector.broadcast %parallel_loop3A_193 : i32 to vector<16xi32>
      %parallel_loop3A_195 = arith.minsi %parallel_loop3A_192, %parallel_loop3A_194 : vector<16xi32>
      %parallel_loop3A_196 = arith.constant 0.000000e+00 : f32
      %parallel_loop3A_197 = vector.broadcast %parallel_loop3A_196 : f32 to vector<16xf32>
      %parallel_loop3A_198 = arith.cmpf ogt, %parallel_loop3A_189, %parallel_loop3A_197 : vector<16xf32>
      tpu.vector_store_idx %arg5[%parallel_loop3A_195], %broadcast_in_dim3A_37 masked %parallel_loop3A_198 {add = true} : memref<8192xi32, #tpu.memory_space<vmem>>[vector<16xi32>], vector<16xi32>, vector<16xi1>
      %parallel_loop3A_199 = arith.index_cast %parallel_loop3A_42 : i32 to index
      %parallel_loop3A_200 = arith.constant 208 : index
      %parallel_loop3A_201 = tpu.vector_load %arg4[%parallel_loop3A_199, %parallel_loop3A_200] {strides = array<i32>} : memref<96x384xf32, #tpu.memory_space<vmem>>, vector<16xf32>,
      %parallel_loop3A_202 = vector.broadcast %parallel_loop3A_41 : f32 to vector<16xf32>
      %parallel_loop3A_203 = arith.mulf %parallel_loop3A_201, %parallel_loop3A_202 : vector<16xf32>
      %parallel_loop3A_204 = arith.fptosi %parallel_loop3A_203 : vector<16xf32> to vector<16xi32>
      %parallel_loop3A_205 = arith.constant 8191 : i32
      %parallel_loop3A_206 = vector.broadcast %parallel_loop3A_205 : i32 to vector<16xi32>
      %parallel_loop3A_207 = arith.minsi %parallel_loop3A_204, %parallel_loop3A_206 : vector<16xi32>
      %parallel_loop3A_208 = arith.constant 0.000000e+00 : f32
      %parallel_loop3A_209 = vector.broadcast %parallel_loop3A_208 : f32 to vector<16xf32>
      %parallel_loop3A_210 = arith.cmpf ogt, %parallel_loop3A_201, %parallel_loop3A_209 : vector<16xf32>
      tpu.vector_store_idx %arg5[%parallel_loop3A_207], %broadcast_in_dim3A_37 masked %parallel_loop3A_210 {add = true} : memref<8192xi32, #tpu.memory_space<vmem>>[vector<16xi32>], vector<16xi32>, vector<16xi1>
      %parallel_loop3A_211 = arith.index_cast %parallel_loop3A_42 : i32 to index
      %parallel_loop3A_212 = arith.constant 224 : index
      %parallel_loop3A_213 = tpu.vector_load %arg4[%parallel_loop3A_211, %parallel_loop3A_212] {strides = array<i32>} : memref<96x384xf32, #tpu.memory_space<vmem>>, vector<16xf32>,
      %parallel_loop3A_214 = vector.broadcast %parallel_loop3A_41 : f32 to vector<16xf32>
      %parallel_loop3A_215 = arith.mulf %parallel_loop3A_213, %parallel_loop3A_214 : vector<16xf32>
      %parallel_loop3A_216 = arith.fptosi %parallel_loop3A_215 : vector<16xf32> to vector<16xi32>
      %parallel_loop3A_217 = arith.constant 8191 : i32
      %parallel_loop3A_218 = vector.broadcast %parallel_loop3A_217 : i32 to vector<16xi32>
      %parallel_loop3A_219 = arith.minsi %parallel_loop3A_216, %parallel_loop3A_218 : vector<16xi32>
      %parallel_loop3A_220 = arith.constant 0.000000e+00 : f32
      %parallel_loop3A_221 = vector.broadcast %parallel_loop3A_220 : f32 to vector<16xf32>
      %parallel_loop3A_222 = arith.cmpf ogt, %parallel_loop3A_213, %parallel_loop3A_221 : vector<16xf32>
      tpu.vector_store_idx %arg5[%parallel_loop3A_219], %broadcast_in_dim3A_37 masked %parallel_loop3A_222 {add = true} : memref<8192xi32, #tpu.memory_space<vmem>>[vector<16xi32>], vector<16xi32>, vector<16xi1>
      %parallel_loop3A_223 = arith.index_cast %parallel_loop3A_42 : i32 to index
      %parallel_loop3A_224 = arith.constant 240 : index
      %parallel_loop3A_225 = tpu.vector_load %arg4[%parallel_loop3A_223, %parallel_loop3A_224] {strides = array<i32>} : memref<96x384xf32, #tpu.memory_space<vmem>>, vector<16xf32>,
      %parallel_loop3A_226 = vector.broadcast %parallel_loop3A_41 : f32 to vector<16xf32>
      %parallel_loop3A_227 = arith.mulf %parallel_loop3A_225, %parallel_loop3A_226 : vector<16xf32>
      %parallel_loop3A_228 = arith.fptosi %parallel_loop3A_227 : vector<16xf32> to vector<16xi32>
      %parallel_loop3A_229 = arith.constant 8191 : i32
      %parallel_loop3A_230 = vector.broadcast %parallel_loop3A_229 : i32 to vector<16xi32>
      %parallel_loop3A_231 = arith.minsi %parallel_loop3A_228, %parallel_loop3A_230 : vector<16xi32>
      %parallel_loop3A_232 = arith.constant 0.000000e+00 : f32
      %parallel_loop3A_233 = vector.broadcast %parallel_loop3A_232 : f32 to vector<16xf32>
      %parallel_loop3A_234 = arith.cmpf ogt, %parallel_loop3A_225, %parallel_loop3A_233 : vector<16xf32>
      tpu.vector_store_idx %arg5[%parallel_loop3A_231], %broadcast_in_dim3A_37 masked %parallel_loop3A_234 {add = true} : memref<8192xi32, #tpu.memory_space<vmem>>[vector<16xi32>], vector<16xi32>, vector<16xi1>
      %parallel_loop3A_235 = arith.index_cast %parallel_loop3A_42 : i32 to index
      %parallel_loop3A_236 = arith.constant 256 : index
      %parallel_loop3A_237 = tpu.vector_load %arg4[%parallel_loop3A_235, %parallel_loop3A_236] {strides = array<i32>} : memref<96x384xf32, #tpu.memory_space<vmem>>, vector<16xf32>,
      %parallel_loop3A_238 = vector.broadcast %parallel_loop3A_41 : f32 to vector<16xf32>
      %parallel_loop3A_239 = arith.mulf %parallel_loop3A_237, %parallel_loop3A_238 : vector<16xf32>
      %parallel_loop3A_240 = arith.fptosi %parallel_loop3A_239 : vector<16xf32> to vector<16xi32>
      %parallel_loop3A_241 = arith.constant 8191 : i32
      %parallel_loop3A_242 = vector.broadcast %parallel_loop3A_241 : i32 to vector<16xi32>
      %parallel_loop3A_243 = arith.minsi %parallel_loop3A_240, %parallel_loop3A_242 : vector<16xi32>
      %parallel_loop3A_244 = arith.constant 0.000000e+00 : f32
      %parallel_loop3A_245 = vector.broadcast %parallel_loop3A_244 : f32 to vector<16xf32>
      %parallel_loop3A_246 = arith.cmpf ogt, %parallel_loop3A_237, %parallel_loop3A_245 : vector<16xf32>
      tpu.vector_store_idx %arg5[%parallel_loop3A_243], %broadcast_in_dim3A_37 masked %parallel_loop3A_246 {add = true} : memref<8192xi32, #tpu.memory_space<vmem>>[vector<16xi32>], vector<16xi32>, vector<16xi1>
      %parallel_loop3A_247 = arith.index_cast %parallel_loop3A_42 : i32 to index
      %parallel_loop3A_248 = arith.constant 272 : index
      %parallel_loop3A_249 = tpu.vector_load %arg4[%parallel_loop3A_247, %parallel_loop3A_248] {strides = array<i32>} : memref<96x384xf32, #tpu.memory_space<vmem>>, vector<16xf32>,
      %parallel_loop3A_250 = vector.broadcast %parallel_loop3A_41 : f32 to vector<16xf32>
      %parallel_loop3A_251 = arith.mulf %parallel_loop3A_249, %parallel_loop3A_250 : vector<16xf32>
      %parallel_loop3A_252 = arith.fptosi %parallel_loop3A_251 : vector<16xf32> to vector<16xi32>
      %parallel_loop3A_253 = arith.constant 8191 : i32
      %parallel_loop3A_254 = vector.broadcast %parallel_loop3A_253 : i32 to vector<16xi32>
      %parallel_loop3A_255 = arith.minsi %parallel_loop3A_252, %parallel_loop3A_254 : vector<16xi32>
      %parallel_loop3A_256 = arith.constant 0.000000e+00 : f32
      %parallel_loop3A_257 = vector.broadcast %parallel_loop3A_256 : f32 to vector<16xf32>
      %parallel_loop3A_258 = arith.cmpf ogt, %parallel_loop3A_249, %parallel_loop3A_257 : vector<16xf32>
      tpu.vector_store_idx %arg5[%parallel_loop3A_255], %broadcast_in_dim3A_37 masked %parallel_loop3A_258 {add = true} : memref<8192xi32, #tpu.memory_space<vmem>>[vector<16xi32>], vector<16xi32>, vector<16xi1>
      %parallel_loop3A_259 = arith.index_cast %parallel_loop3A_42 : i32 to index
      %parallel_loop3A_260 = arith.constant 288 : index
      %parallel_loop3A_261 = tpu.vector_load %arg4[%parallel_loop3A_259, %parallel_loop3A_260] {strides = array<i32>} : memref<96x384xf32, #tpu.memory_space<vmem>>, vector<16xf32>,
      %parallel_loop3A_262 = vector.broadcast %parallel_loop3A_41 : f32 to vector<16xf32>
      %parallel_loop3A_263 = arith.mulf %parallel_loop3A_261, %parallel_loop3A_262 : vector<16xf32>
      %parallel_loop3A_264 = arith.fptosi %parallel_loop3A_263 : vector<16xf32> to vector<16xi32>
      %parallel_loop3A_265 = arith.constant 8191 : i32
      %parallel_loop3A_266 = vector.broadcast %parallel_loop3A_265 : i32 to vector<16xi32>
      %parallel_loop3A_267 = arith.minsi %parallel_loop3A_264, %parallel_loop3A_266 : vector<16xi32>
      %parallel_loop3A_268 = arith.constant 0.000000e+00 : f32
      %parallel_loop3A_269 = vector.broadcast %parallel_loop3A_268 : f32 to vector<16xf32>
      %parallel_loop3A_270 = arith.cmpf ogt, %parallel_loop3A_261, %parallel_loop3A_269 : vector<16xf32>
      tpu.vector_store_idx %arg5[%parallel_loop3A_267], %broadcast_in_dim3A_37 masked %parallel_loop3A_270 {add = true} : memref<8192xi32, #tpu.memory_space<vmem>>[vector<16xi32>], vector<16xi32>, vector<16xi1>
      %parallel_loop3A_271 = arith.index_cast %parallel_loop3A_42 : i32 to index
      %parallel_loop3A_272 = arith.constant 304 : index
      %parallel_loop3A_273 = tpu.vector_load %arg4[%parallel_loop3A_271, %parallel_loop3A_272] {strides = array<i32>} : memref<96x384xf32, #tpu.memory_space<vmem>>, vector<16xf32>,
      %parallel_loop3A_274 = vector.broadcast %parallel_loop3A_41 : f32 to vector<16xf32>
      %parallel_loop3A_275 = arith.mulf %parallel_loop3A_273, %parallel_loop3A_274 : vector<16xf32>
      %parallel_loop3A_276 = arith.fptosi %parallel_loop3A_275 : vector<16xf32> to vector<16xi32>
      %parallel_loop3A_277 = arith.constant 8191 : i32
      %parallel_loop3A_278 = vector.broadcast %parallel_loop3A_277 : i32 to vector<16xi32>
      %parallel_loop3A_279 = arith.minsi %parallel_loop3A_276, %parallel_loop3A_278 : vector<16xi32>
      %parallel_loop3A_280 = arith.constant 0.000000e+00 : f32
      %parallel_loop3A_281 = vector.broadcast %parallel_loop3A_280 : f32 to vector<16xf32>
      %parallel_loop3A_282 = arith.cmpf ogt, %parallel_loop3A_273, %parallel_loop3A_281 : vector<16xf32>
      tpu.vector_store_idx %arg5[%parallel_loop3A_279], %broadcast_in_dim3A_37 masked %parallel_loop3A_282 {add = true} : memref<8192xi32, #tpu.memory_space<vmem>>[vector<16xi32>], vector<16xi32>, vector<16xi1>
      %parallel_loop3A_283 = arith.index_cast %parallel_loop3A_42 : i32 to index
      %parallel_loop3A_284 = arith.constant 320 : index
      %parallel_loop3A_285 = tpu.vector_load %arg4[%parallel_loop3A_283, %parallel_loop3A_284] {strides = array<i32>} : memref<96x384xf32, #tpu.memory_space<vmem>>, vector<16xf32>,
      %parallel_loop3A_286 = vector.broadcast %parallel_loop3A_41 : f32 to vector<16xf32>
      %parallel_loop3A_287 = arith.mulf %parallel_loop3A_285, %parallel_loop3A_286 : vector<16xf32>
      %parallel_loop3A_288 = arith.fptosi %parallel_loop3A_287 : vector<16xf32> to vector<16xi32>
      %parallel_loop3A_289 = arith.constant 8191 : i32
      %parallel_loop3A_290 = vector.broadcast %parallel_loop3A_289 : i32 to vector<16xi32>
      %parallel_loop3A_291 = arith.minsi %parallel_loop3A_288, %parallel_loop3A_290 : vector<16xi32>
      %parallel_loop3A_292 = arith.constant 0.000000e+00 : f32
      %parallel_loop3A_293 = vector.broadcast %parallel_loop3A_292 : f32 to vector<16xf32>
      %parallel_loop3A_294 = arith.cmpf ogt, %parallel_loop3A_285, %parallel_loop3A_293 : vector<16xf32>
      tpu.vector_store_idx %arg5[%parallel_loop3A_291], %broadcast_in_dim3A_37 masked %parallel_loop3A_294 {add = true} : memref<8192xi32, #tpu.memory_space<vmem>>[vector<16xi32>], vector<16xi32>, vector<16xi1>
      %parallel_loop3A_295 = arith.index_cast %parallel_loop3A_42 : i32 to index
      %parallel_loop3A_296 = arith.constant 336 : index
      %parallel_loop3A_297 = tpu.vector_load %arg4[%parallel_loop3A_295, %parallel_loop3A_296] {strides = array<i32>} : memref<96x384xf32, #tpu.memory_space<vmem>>, vector<16xf32>,
      %parallel_loop3A_298 = vector.broadcast %parallel_loop3A_41 : f32 to vector<16xf32>
      %parallel_loop3A_299 = arith.mulf %parallel_loop3A_297, %parallel_loop3A_298 : vector<16xf32>
      %parallel_loop3A_300 = arith.fptosi %parallel_loop3A_299 : vector<16xf32> to vector<16xi32>
      %parallel_loop3A_301 = arith.constant 8191 : i32
      %parallel_loop3A_302 = vector.broadcast %parallel_loop3A_301 : i32 to vector<16xi32>
      %parallel_loop3A_303 = arith.minsi %parallel_loop3A_300, %parallel_loop3A_302 : vector<16xi32>
      %parallel_loop3A_304 = arith.constant 0.000000e+00 : f32
      %parallel_loop3A_305 = vector.broadcast %parallel_loop3A_304 : f32 to vector<16xf32>
      %parallel_loop3A_306 = arith.cmpf ogt, %parallel_loop3A_297, %parallel_loop3A_305 : vector<16xf32>
      tpu.vector_store_idx %arg5[%parallel_loop3A_303], %broadcast_in_dim3A_37 masked %parallel_loop3A_306 {add = true} : memref<8192xi32, #tpu.memory_space<vmem>>[vector<16xi32>], vector<16xi32>, vector<16xi1>
      %parallel_loop3A_307 = arith.index_cast %parallel_loop3A_42 : i32 to index
      %parallel_loop3A_308 = arith.constant 352 : index
      %parallel_loop3A_309 = tpu.vector_load %arg4[%parallel_loop3A_307, %parallel_loop3A_308] {strides = array<i32>} : memref<96x384xf32, #tpu.memory_space<vmem>>, vector<16xf32>,
      %parallel_loop3A_310 = vector.broadcast %parallel_loop3A_41 : f32 to vector<16xf32>
      %parallel_loop3A_311 = arith.mulf %parallel_loop3A_309, %parallel_loop3A_310 : vector<16xf32>
      %parallel_loop3A_312 = arith.fptosi %parallel_loop3A_311 : vector<16xf32> to vector<16xi32>
      %parallel_loop3A_313 = arith.constant 8191 : i32
      %parallel_loop3A_314 = vector.broadcast %parallel_loop3A_313 : i32 to vector<16xi32>
      %parallel_loop3A_315 = arith.minsi %parallel_loop3A_312, %parallel_loop3A_314 : vector<16xi32>
      %parallel_loop3A_316 = arith.constant 0.000000e+00 : f32
      %parallel_loop3A_317 = vector.broadcast %parallel_loop3A_316 : f32 to vector<16xf32>
      %parallel_loop3A_318 = arith.cmpf ogt, %parallel_loop3A_309, %parallel_loop3A_317 : vector<16xf32>
      tpu.vector_store_idx %arg5[%parallel_loop3A_315], %broadcast_in_dim3A_37 masked %parallel_loop3A_318 {add = true} : memref<8192xi32, #tpu.memory_space<vmem>>[vector<16xi32>], vector<16xi32>, vector<16xi1>
      %parallel_loop3A_319 = arith.index_cast %parallel_loop3A_42 : i32 to index
      %parallel_loop3A_320 = arith.constant 368 : index
      %parallel_loop3A_321 = tpu.vector_load %arg4[%parallel_loop3A_319, %parallel_loop3A_320] {strides = array<i32>} : memref<96x384xf32, #tpu.memory_space<vmem>>, vector<16xf32>,
      %parallel_loop3A_322 = vector.broadcast %parallel_loop3A_41 : f32 to vector<16xf32>
      %parallel_loop3A_323 = arith.mulf %parallel_loop3A_321, %parallel_loop3A_322 : vector<16xf32>
      %parallel_loop3A_324 = arith.fptosi %parallel_loop3A_323 : vector<16xf32> to vector<16xi32>
      %parallel_loop3A_325 = arith.constant 8191 : i32
      %parallel_loop3A_326 = vector.broadcast %parallel_loop3A_325 : i32 to vector<16xi32>
      %parallel_loop3A_327 = arith.minsi %parallel_loop3A_324, %parallel_loop3A_326 : vector<16xi32>
      %parallel_loop3A_328 = arith.constant 0.000000e+00 : f32
      %parallel_loop3A_329 = vector.broadcast %parallel_loop3A_328 : f32 to vector<16xf32>
      %parallel_loop3A_330 = arith.cmpf ogt, %parallel_loop3A_321, %parallel_loop3A_329 : vector<16xf32>
      tpu.vector_store_idx %arg5[%parallel_loop3A_327], %broadcast_in_dim3A_37 masked %parallel_loop3A_330 {add = true} : memref<8192xi32, #tpu.memory_space<vmem>>[vector<16xi32>], vector<16xi32>, vector<16xi1>
    } {sc.loop_unroll_factor = 2 : i64, sc.parallel_access}
    "tpu.region"() ({
      %run_scoped3A = tpu.sem_alloc : memref<!tpu.dma_semaphore, #tpu.memory_space<semaphore_mem>>
      %dma_start3A = arith.constant 0 : i32
      %dma_start3A_42 = tpu.memref_slice %arg3[%add3A, %dma_start3A] : memref<32x8192xi32, #tpu.memory_space<hbm>> -> memref<1x8192xi32, #tpu.memory_space<hbm>>
      %dma_start3A_43 = tpu.memref_squeeze %dma_start3A_42 : memref<1x8192xi32, #tpu.memory_space<hbm>> -> memref<8192xi32, #tpu.memory_space<hbm>>
      %dma_start3A_44 = arith.constant 0 : i32
      %dma_start3A_45 = tpu.memref_slice %arg3[%add3A, %dma_start3A_44] : memref<32x8192xi32, #tpu.memory_space<hbm>> -> memref<1x8192xi32, #tpu.memory_space<hbm>>
      %dma_start3A_46 = tpu.memref_squeeze %dma_start3A_45 : memref<1x8192xi32, #tpu.memory_space<hbm>> -> memref<8192xi32, #tpu.memory_space<hbm>>
      tpu.enqueue_dma source(%arg5 : memref<8192xi32, #tpu.memory_space<vmem>>) target(%dma_start3A_46 : memref<8192xi32, #tpu.memory_space<hbm>>) target_semaphore(%run_scoped3A : memref<!tpu.dma_semaphore, #tpu.memory_space<semaphore_mem>>)
      %dma_wait3A = arith.constant 0 : i32
      %dma_wait3A_47 = tpu.memref_slice %arg3[%add3A, %dma_wait3A] : memref<32x8192xi32, #tpu.memory_space<hbm>> -> memref<1x8192xi32, #tpu.memory_space<hbm>>
      %dma_wait3A_48 = tpu.memref_squeeze %dma_wait3A_47 : memref<1x8192xi32, #tpu.memory_space<hbm>> -> memref<8192xi32, #tpu.memory_space<hbm>>
      %dma_wait3A_49 = arith.constant 0 : i32
      %dma_wait3A_50 = tpu.memref_slice %arg3[%add3A, %dma_wait3A_49] : memref<32x8192xi32, #tpu.memory_space<hbm>> -> memref<1x8192xi32, #tpu.memory_space<hbm>>
      %dma_wait3A_51 = tpu.memref_squeeze %dma_wait3A_50 : memref<1x8192xi32, #tpu.memory_space<hbm>> -> memref<8192xi32, #tpu.memory_space<hbm>>
      tpu.wait_dma2 semaphore(%run_scoped3A : memref<!tpu.dma_semaphore, #tpu.memory_space<semaphore_mem>>) src(%arg5 : memref<8192xi32, #tpu.memory_space<vmem>>) dst(%dma_wait3A_51 : memref<8192xi32, #tpu.memory_space<hbm>>)
      tpu.yield
    }) : () -> ()
    return
  }
}

module attributes {stable_mosaic.version = 14 : i64} {
  func.func @_loss_body(%arg0: memref<8x384x384xf32, #tpu.memory_space<vmem>>, %arg1: memref<8x384x384xf32, #tpu.memory_space<vmem>>, %arg2: memref<8x4x8192xi32, #tpu.memory_space<vmem>>, %arg3: memref<8x128xf32, #tpu.memory_space<vmem>>) attributes {dimension_semantics = [], scalar_prefetch = 0 : i64, scratch_operands = 0 : i64, tpu.core_type = #tpu.core_type<tc>} {
    %get3A = arith.constant 0 : index
    %get3A_0 = arith.constant 0 : index
    %get3A_1 = arith.constant 0 : index
    %get3A_2 = vector.load %arg1[%get3A, %get3A_0, %get3A_1] : memref<8x384x384xf32, #tpu.memory_space<vmem>>, vector<8x384x384xf32>
    %get3A_3 = arith.constant 0 : index
    %get3A_4 = arith.constant 0 : index
    %get3A_5 = arith.constant 0 : index
    %get3A_6 = vector.load %arg2[%get3A_3, %get3A_4, %get3A_5] : memref<8x4x8192xi32, #tpu.memory_space<vmem>>, vector<8x4x8192xi32>
    %reduce_sum3A = arith.constant dense<0> : vector<8x8192xi32>
    %reduce_sum3A_7 = vector.multi_reduction <add>, %get3A_6, %reduce_sum3A [1] : vector<8x4x8192xi32> to vector<8x8192xi32>
    %reduce_sum3A_8 = arith.constant dense<0> : vector<8xi32>
    %reduce_sum3A_9 = vector.multi_reduction <add>, %reduce_sum3A_7, %reduce_sum3A_8 [1] : vector<8x8192xi32> to vector<8xi32>
    %jit3A = arith.constant 10 : i32
    %div3A = vector.broadcast %jit3A : i32 to vector<8xi32>
    %div3A_10 = arith.divsi %reduce_sum3A_9, %div3A : vector<8xi32>
    %sign3A = arith.constant 0 : i32
    %sign3A_11 = vector.broadcast %sign3A : i32 to vector<8xi32>
    %sign3A_12 = arith.cmpi sgt, %reduce_sum3A_9, %sign3A_11 : vector<8xi32>
    %sign3A_13 = arith.extui %sign3A_12 : vector<8xi1> to vector<8xi32>
    %sign3A_14 = arith.constant 0 : i32
    %sign3A_15 = vector.broadcast %sign3A_14 : i32 to vector<8xi32>
    %sign3A_16 = arith.cmpi slt, %reduce_sum3A_9, %sign3A_15 : vector<8xi32>
    %sign3A_17 = arith.extui %sign3A_16 : vector<8xi1> to vector<8xi32>
    %sign3A_18 = arith.subi %sign3A_13, %sign3A_17 : vector<8xi32>
    %sign3A_19 = arith.constant 0 : i32
    %sign3A_20 = arith.cmpi sgt, %jit3A, %sign3A_19 : i32
    %sign3A_21 = arith.extui %sign3A_20 : i1 to i32
    %sign3A_22 = arith.constant 0 : i32
    %sign3A_23 = arith.cmpi slt, %jit3A, %sign3A_22 : i32
    %sign3A_24 = arith.extui %sign3A_23 : i1 to i32
    %sign3A_25 = arith.subi %sign3A_21, %sign3A_24 : i32
    %ne3A = vector.broadcast %sign3A_25 : i32 to vector<8xi32>
    %ne3A_26 = arith.cmpi ne, %sign3A_18, %ne3A : vector<8xi32>
    %rem3A = vector.broadcast %jit3A : i32 to vector<8xi32>
    %rem3A_27 = arith.remsi %reduce_sum3A_9, %rem3A : vector<8xi32>
    %ne3A_28 = arith.constant 0 : i32
    %ne3A_29 = vector.broadcast %ne3A_28 : i32 to vector<8xi32>
    %ne3A_30 = arith.cmpi ne, %rem3A_27, %ne3A_29 : vector<8xi32>
    %and3A = arith.andi %ne3A_26, %ne3A_30 : vector<8xi1>
    %sub3A = arith.constant 1 : i32
    %sub3A_31 = vector.broadcast %sub3A : i32 to vector<8xi32>
    %sub3A_32 = arith.subi %div3A_10, %sub3A_31 : vector<8xi32>
    %select_n3A = arith.select %and3A, %sub3A_32, %div3A_10 : vector<8xi1>, vector<8xi32>
    %max3A = arith.constant 1 : i32
    %max3A_33 = vector.broadcast %max3A : i32 to vector<8xi32>
    %max3A_34 = arith.maxsi %select_n3A, %max3A_33 : vector<8xi32>
    %sub3A_35 = arith.subi %reduce_sum3A_9, %select_n3A : vector<8xi32>
    %add3A = arith.constant 1 : i32
    %add3A_36 = vector.broadcast %add3A : i32 to vector<8xi32>
    %add3A_37 = arith.addi %sub3A_35, %add3A_36 : vector<8xi32>
    %iota3A = tpu.iota {dimensions = array<i32: 1>} : vector<8x8192xi32>
    %broadcast_in_dim3A = arith.constant 0 : i32
    %broadcast_in_dim3A_38 = vector.broadcast %broadcast_in_dim3A : i32 to vector<8xi32>
    %broadcast_in_dim3A_39 = arith.constant 8191 : i32
    %broadcast_in_dim3A_40 = vector.broadcast %broadcast_in_dim3A_39 : i32 to vector<8xi32>
    %scan3A = arith.constant 0 : i32
    %scan3A_41 = arith.constant 13 : i32
    %scan3A_42 = arith.addi %scan3A, %scan3A_41 : i32
    %scan3A_43 = arith.constant 1 : i32
    %scan3A_44:4 = scf.for %scan3A_205 = %scan3A to %scan3A_42 step %scan3A_43 iter_args(%scan3A_206 = %broadcast_in_dim3A_38, %scan3A_207 = %broadcast_in_dim3A_40, %scan3A_208 = %broadcast_in_dim3A_38, %scan3A_209 = %broadcast_in_dim3A_40) -> (vector<8xi32>, vector<8xi32>, vector<8xi32>, vector<8xi32>)  : i32 {
      %sub3A_210 = arith.subi %scan3A_207, %scan3A_206 : vector<8xi32>
      %jit3A_211 = arith.constant 2 : i32
      %div3A_212 = vector.broadcast %jit3A_211 : i32 to vector<8xi32>
      %div3A_213 = arith.divsi %sub3A_210, %div3A_212 : vector<8xi32>
      %sign3A_214 = arith.constant 0 : i32
      %sign3A_215 = vector.broadcast %sign3A_214 : i32 to vector<8xi32>
      %sign3A_216 = arith.cmpi sgt, %sub3A_210, %sign3A_215 : vector<8xi32>
      %sign3A_217 = arith.extui %sign3A_216 : vector<8xi1> to vector<8xi32>
      %sign3A_218 = arith.constant 0 : i32
      %sign3A_219 = vector.broadcast %sign3A_218 : i32 to vector<8xi32>
      %sign3A_220 = arith.cmpi slt, %sub3A_210, %sign3A_219 : vector<8xi32>
      %sign3A_221 = arith.extui %sign3A_220 : vector<8xi1> to vector<8xi32>
      %sign3A_222 = arith.subi %sign3A_217, %sign3A_221 : vector<8xi32>
      %sign3A_223 = arith.constant 0 : i32
      %sign3A_224 = arith.cmpi sgt, %jit3A_211, %sign3A_223 : i32
      %sign3A_225 = arith.extui %sign3A_224 : i1 to i32
      %sign3A_226 = arith.constant 0 : i32
      %sign3A_227 = arith.cmpi slt, %jit3A_211, %sign3A_226 : i32
      %sign3A_228 = arith.extui %sign3A_227 : i1 to i32
      %sign3A_229 = arith.subi %sign3A_225, %sign3A_228 : i32
      %ne3A_230 = vector.broadcast %sign3A_229 : i32 to vector<8xi32>
      %ne3A_231 = arith.cmpi ne, %sign3A_222, %ne3A_230 : vector<8xi32>
      %rem3A_232 = vector.broadcast %jit3A_211 : i32 to vector<8xi32>
      %rem3A_233 = arith.remsi %sub3A_210, %rem3A_232 : vector<8xi32>
      %ne3A_234 = arith.constant 0 : i32
      %ne3A_235 = vector.broadcast %ne3A_234 : i32 to vector<8xi32>
      %ne3A_236 = arith.cmpi ne, %rem3A_233, %ne3A_235 : vector<8xi32>
      %and3A_237 = arith.andi %ne3A_231, %ne3A_236 : vector<8xi1>
      %sub3A_238 = arith.constant 1 : i32
      %sub3A_239 = vector.broadcast %sub3A_238 : i32 to vector<8xi32>
      %sub3A_240 = arith.subi %div3A_213, %sub3A_239 : vector<8xi32>
      %select_n3A_241 = arith.select %and3A_237, %sub3A_240, %div3A_213 : vector<8xi1>, vector<8xi32>
      %add3A_242 = arith.addi %scan3A_206, %select_n3A_241 : vector<8xi32>
      %sub3A_243 = arith.subi %scan3A_209, %scan3A_208 : vector<8xi32>
      %jit3A_244 = arith.constant 2 : i32
      %div3A_245 = vector.broadcast %jit3A_244 : i32 to vector<8xi32>
      %div3A_246 = arith.divsi %sub3A_243, %div3A_245 : vector<8xi32>
      %sign3A_247 = arith.constant 0 : i32
      %sign3A_248 = vector.broadcast %sign3A_247 : i32 to vector<8xi32>
      %sign3A_249 = arith.cmpi sgt, %sub3A_243, %sign3A_248 : vector<8xi32>
      %sign3A_250 = arith.extui %sign3A_249 : vector<8xi1> to vector<8xi32>
      %sign3A_251 = arith.constant 0 : i32
      %sign3A_252 = vector.broadcast %sign3A_251 : i32 to vector<8xi32>
      %sign3A_253 = arith.cmpi slt, %sub3A_243, %sign3A_252 : vector<8xi32>
      %sign3A_254 = arith.extui %sign3A_253 : vector<8xi1> to vector<8xi32>
      %sign3A_255 = arith.subi %sign3A_250, %sign3A_254 : vector<8xi32>
      %sign3A_256 = arith.constant 0 : i32
      %sign3A_257 = arith.cmpi sgt, %jit3A_244, %sign3A_256 : i32
      %sign3A_258 = arith.extui %sign3A_257 : i1 to i32
      %sign3A_259 = arith.constant 0 : i32
      %sign3A_260 = arith.cmpi slt, %jit3A_244, %sign3A_259 : i32
      %sign3A_261 = arith.extui %sign3A_260 : i1 to i32
      %sign3A_262 = arith.subi %sign3A_258, %sign3A_261 : i32
      %ne3A_263 = vector.broadcast %sign3A_262 : i32 to vector<8xi32>
      %ne3A_264 = arith.cmpi ne, %sign3A_255, %ne3A_263 : vector<8xi32>
      %rem3A_265 = vector.broadcast %jit3A_244 : i32 to vector<8xi32>
      %rem3A_266 = arith.remsi %sub3A_243, %rem3A_265 : vector<8xi32>
      %ne3A_267 = arith.constant 0 : i32
      %ne3A_268 = vector.broadcast %ne3A_267 : i32 to vector<8xi32>
      %ne3A_269 = arith.cmpi ne, %rem3A_266, %ne3A_268 : vector<8xi32>
      %and3A_270 = arith.andi %ne3A_264, %ne3A_269 : vector<8xi1>
      %sub3A_271 = arith.constant 1 : i32
      %sub3A_272 = vector.broadcast %sub3A_271 : i32 to vector<8xi32>
      %sub3A_273 = arith.subi %div3A_246, %sub3A_272 : vector<8xi32>
      %select_n3A_274 = arith.select %and3A_270, %sub3A_273, %div3A_246 : vector<8xi1>, vector<8xi32>
      %add3A_275 = arith.addi %scan3A_208, %select_n3A_274 : vector<8xi32>
      %broadcast_in_dim3A_276 = vector.shape_cast %add3A_242 : vector<8xi32> to vector<8x1xi32>
      %le3A_277 = vector.broadcast %broadcast_in_dim3A_276 : vector<8x1xi32> to vector<8x8192xi32>
      %le3A_278 = arith.cmpi sle, %iota3A, %le3A_277 : vector<8x8192xi32>
      %jit3A_279 = arith.constant 0 : i32
      %broadcast_in_dim3A_280 = vector.broadcast %jit3A_279 : i32 to vector<8x8192xi32>
      %select_n3A_281 = arith.select %le3A_278, %reduce_sum3A_7, %broadcast_in_dim3A_280 : vector<8x8192xi1>, vector<8x8192xi32>
      %reduce_sum3A_282 = arith.constant dense<0> : vector<8xi32>
      %reduce_sum3A_283 = vector.multi_reduction <add>, %select_n3A_281, %reduce_sum3A_282 [1] : vector<8x8192xi32> to vector<8xi32>
      %broadcast_in_dim3A_284 = vector.shape_cast %add3A_275 : vector<8xi32> to vector<8x1xi32>
      %le3A_285 = vector.broadcast %broadcast_in_dim3A_284 : vector<8x1xi32> to vector<8x8192xi32>
      %le3A_286 = arith.cmpi sle, %iota3A, %le3A_285 : vector<8x8192xi32>
      %jit3A_287 = arith.constant 0 : i32
      %broadcast_in_dim3A_288 = vector.broadcast %jit3A_287 : i32 to vector<8x8192xi32>
      %select_n3A_289 = arith.select %le3A_286, %reduce_sum3A_7, %broadcast_in_dim3A_288 : vector<8x8192xi1>, vector<8x8192xi32>
      %reduce_sum3A_290 = arith.constant dense<0> : vector<8xi32>
      %reduce_sum3A_291 = vector.multi_reduction <add>, %select_n3A_289, %reduce_sum3A_290 [1] : vector<8x8192xi32> to vector<8xi32>
      %ge3A_292 = arith.cmpi sge, %reduce_sum3A_283, %max3A_34 : vector<8xi32>
      %ge3A_293 = arith.cmpi sge, %reduce_sum3A_291, %add3A_37 : vector<8xi32>
      %add3A_294 = arith.constant 1 : i32
      %add3A_295 = vector.broadcast %add3A_294 : i32 to vector<8xi32>
      %add3A_296 = arith.addi %add3A_242, %add3A_295 : vector<8xi32>
      %select_n3A_297 = arith.select %ge3A_292, %scan3A_206, %add3A_296 : vector<8xi1>, vector<8xi32>
      %select_n3A_298 = arith.select %ge3A_292, %add3A_242, %scan3A_207 : vector<8xi1>, vector<8xi32>
      %add3A_299 = arith.constant 1 : i32
      %add3A_300 = vector.broadcast %add3A_299 : i32 to vector<8xi32>
      %add3A_301 = arith.addi %add3A_275, %add3A_300 : vector<8xi32>
      %select_n3A_302 = arith.select %ge3A_293, %scan3A_208, %add3A_301 : vector<8xi1>, vector<8xi32>
      %select_n3A_303 = arith.select %ge3A_293, %add3A_275, %scan3A_209 : vector<8xi1>, vector<8xi32>
      scf.yield %select_n3A_297, %select_n3A_298, %select_n3A_302, %select_n3A_303 : vector<8xi32>, vector<8xi32>, vector<8xi32>, vector<8xi32>
    }
    %add3A_45 = arith.constant 1 : i32
    %add3A_46 = vector.broadcast %add3A_45 : i32 to vector<8xi32>
    %add3A_47 = arith.addi %scan3A_44#0, %add3A_46 : vector<8xi32>
    %convert_element_type3A = arith.sitofp %add3A_47 : vector<8xi32> to vector<8xf32>
    %mul3A = arith.constant 1.22070313E-4 : f32
    %mul3A_48 = vector.broadcast %mul3A : f32 to vector<8xf32>
    %mul3A_49 = arith.mulf %convert_element_type3A, %mul3A_48 : vector<8xf32>
    %add3A_50 = arith.constant 1 : i32
    %add3A_51 = vector.broadcast %add3A_50 : i32 to vector<8xi32>
    %add3A_52 = arith.addi %scan3A_44#2, %add3A_51 : vector<8xi32>
    %convert_element_type3A_53 = arith.sitofp %add3A_52 : vector<8xi32> to vector<8xf32>
    %mul3A_54 = arith.constant 1.22070313E-4 : f32
    %mul3A_55 = vector.broadcast %mul3A_54 : f32 to vector<8xf32>
    %mul3A_56 = arith.mulf %convert_element_type3A_53, %mul3A_55 : vector<8xf32>
    %mul3A_57 = arith.mulf %get3A_2, %get3A_2 : vector<8x384x384xf32>
    %broadcast_in_dim3A_58 = vector.shape_cast %mul3A_49 : vector<8xf32> to vector<8x1x1xf32>
    %broadcast_in_dim3A_59 = vector.shape_cast %mul3A_56 : vector<8xf32> to vector<8x1x1xf32>
    %sub3A_60 = vector.broadcast %broadcast_in_dim3A_58 : vector<8x1x1xf32> to vector<8x384x384xf32>
    %sub3A_61 = arith.subf %sub3A_60, %get3A_2 : vector<8x384x384xf32>
    %max3A_62 = arith.constant 0.000000e+00 : f32
    %max3A_63 = vector.broadcast %max3A_62 : f32 to vector<8x384x384xf32>
    %max3A_64 = arith.maximumf %sub3A_61, %max3A_63 : vector<8x384x384xf32>
    %reduce_sum3A_65 = arith.constant dense<0.000000e+00> : vector<8xf32>
    %reduce_sum3A_66 = vector.multi_reduction <add>, %max3A_64, %reduce_sum3A_65 [1, 2] : vector<8x384x384xf32> to vector<8xf32>
    %mul3A_67 = arith.mulf %broadcast_in_dim3A_58, %broadcast_in_dim3A_58 : vector<8x1x1xf32>
    %sub3A_68 = vector.broadcast %mul3A_67 : vector<8x1x1xf32> to vector<8x384x384xf32>
    %sub3A_69 = arith.subf %sub3A_68, %mul3A_57 : vector<8x384x384xf32>
    %max3A_70 = arith.constant 0.000000e+00 : f32
    %max3A_71 = vector.broadcast %max3A_70 : f32 to vector<8x384x384xf32>
    %max3A_72 = arith.maximumf %sub3A_69, %max3A_71 : vector<8x384x384xf32>
    %reduce_sum3A_73 = arith.constant dense<0.000000e+00> : vector<8xf32>
    %reduce_sum3A_74 = vector.multi_reduction <add>, %max3A_72, %reduce_sum3A_73 [1, 2] : vector<8x384x384xf32> to vector<8xf32>
    %sub3A_75 = vector.broadcast %broadcast_in_dim3A_59 : vector<8x1x1xf32> to vector<8x384x384xf32>
    %sub3A_76 = arith.subf %get3A_2, %sub3A_75 : vector<8x384x384xf32>
    %max3A_77 = arith.constant 0.000000e+00 : f32
    %max3A_78 = vector.broadcast %max3A_77 : f32 to vector<8x384x384xf32>
    %max3A_79 = arith.maximumf %sub3A_76, %max3A_78 : vector<8x384x384xf32>
    %reduce_sum3A_80 = arith.constant dense<0.000000e+00> : vector<8xf32>
    %reduce_sum3A_81 = vector.multi_reduction <add>, %max3A_79, %reduce_sum3A_80 [1, 2] : vector<8x384x384xf32> to vector<8xf32>
    %mul3A_82 = arith.mulf %broadcast_in_dim3A_59, %broadcast_in_dim3A_59 : vector<8x1x1xf32>
    %sub3A_83 = vector.broadcast %mul3A_82 : vector<8x1x1xf32> to vector<8x384x384xf32>
    %sub3A_84 = arith.subf %mul3A_57, %sub3A_83 : vector<8x384x384xf32>
    %max3A_85 = arith.constant 0.000000e+00 : f32
    %max3A_86 = vector.broadcast %max3A_85 : f32 to vector<8x384x384xf32>
    %max3A_87 = arith.maximumf %sub3A_84, %max3A_86 : vector<8x384x384xf32>
    %reduce_sum3A_88 = arith.constant dense<0.000000e+00> : vector<8xf32>
    %reduce_sum3A_89 = vector.multi_reduction <add>, %max3A_87, %reduce_sum3A_88 [1, 2] : vector<8x384x384xf32> to vector<8xf32>
    %reduce_sum3A_90 = arith.constant dense<0.000000e+00> : vector<8xf32>
    %reduce_sum3A_91 = vector.multi_reduction <add>, %get3A_2, %reduce_sum3A_90 [1, 2] : vector<8x384x384xf32> to vector<8xf32>
    %reduce_sum3A_92 = arith.constant dense<0.000000e+00> : vector<8xf32>
    %reduce_sum3A_93 = vector.multi_reduction <add>, %mul3A_57, %reduce_sum3A_92 [1, 2] : vector<8x384x384xf32> to vector<8xf32>
    %convert_element_type3A_94 = arith.sitofp %select_n3A : vector<8xi32> to vector<8xf32>
    %convert_element_type3A_95 = arith.sitofp %reduce_sum3A_9 : vector<8xi32> to vector<8xf32>
    %sub3A_96 = arith.constant 1.474560e+05 : f32
    %sub3A_97 = vector.broadcast %sub3A_96 : f32 to vector<8xf32>
    %sub3A_98 = arith.subf %sub3A_97, %convert_element_type3A_95 : vector<8xf32>
    %add3A_99 = arith.addf %convert_element_type3A_94, %sub3A_98 : vector<8xf32>
    %gt3A = arith.constant 0 : i32
    %gt3A_100 = vector.broadcast %gt3A : i32 to vector<8xi32>
    %gt3A_101 = arith.cmpi sgt, %select_n3A, %gt3A_100 : vector<8xi32>
    %mul3A_102 = arith.mulf %add3A_99, %mul3A_49 : vector<8xf32>
    %sub3A_103 = arith.subf %mul3A_102, %reduce_sum3A_66 : vector<8xf32>
    %jit3A_104 = arith.constant 0.000000e+00 : f32
    %broadcast_in_dim3A_105 = vector.broadcast %jit3A_104 : f32 to vector<8xf32>
    %select_n3A_106 = arith.select %gt3A_101, %sub3A_103, %broadcast_in_dim3A_105 : vector<8xi1>, vector<8xf32>
    %mul3A_107 = arith.mulf %add3A_99, %mul3A_49 : vector<8xf32>
    %mul3A_108 = arith.mulf %mul3A_107, %mul3A_49 : vector<8xf32>
    %sub3A_109 = arith.subf %mul3A_108, %reduce_sum3A_74 : vector<8xf32>
    %jit3A_110 = arith.constant 0.000000e+00 : f32
    %broadcast_in_dim3A_111 = vector.broadcast %jit3A_110 : f32 to vector<8xf32>
    %select_n3A_112 = arith.select %gt3A_101, %sub3A_109, %broadcast_in_dim3A_111 : vector<8xi1>, vector<8xf32>
    %mul3A_113 = arith.mulf %convert_element_type3A_94, %mul3A_56 : vector<8xf32>
    %add3A_114 = arith.addf %mul3A_113, %reduce_sum3A_81 : vector<8xf32>
    %jit3A_115 = arith.constant 0.000000e+00 : f32
    %broadcast_in_dim3A_116 = vector.broadcast %jit3A_115 : f32 to vector<8xf32>
    %select_n3A_117 = arith.select %gt3A_101, %add3A_114, %broadcast_in_dim3A_116 : vector<8xi1>, vector<8xf32>
    %mul3A_118 = arith.mulf %convert_element_type3A_94, %mul3A_56 : vector<8xf32>
    %mul3A_119 = arith.mulf %mul3A_118, %mul3A_56 : vector<8xf32>
    %add3A_120 = arith.addf %mul3A_119, %reduce_sum3A_89 : vector<8xf32>
    %jit3A_121 = arith.constant 0.000000e+00 : f32
    %broadcast_in_dim3A_122 = vector.broadcast %jit3A_121 : f32 to vector<8xf32>
    %select_n3A_123 = arith.select %gt3A_101, %add3A_120, %broadcast_in_dim3A_122 : vector<8xi1>, vector<8xf32>
    %mul3A_124 = arith.constant 2 : i32
    %mul3A_125 = vector.broadcast %mul3A_124 : i32 to vector<8xi32>
    %mul3A_126 = arith.muli %mul3A_125, %select_n3A : vector<8xi32>
    %sub3A_127 = arith.subi %reduce_sum3A_9, %mul3A_126 : vector<8xi32>
    %convert_element_type3A_128 = arith.sitofp %sub3A_127 : vector<8xi32> to vector<8xf32>
    %sub3A_129 = arith.subf %reduce_sum3A_91, %select_n3A_106 : vector<8xf32>
    %sub3A_130 = arith.subf %sub3A_129, %select_n3A_117 : vector<8xf32>
    %sub3A_131 = arith.subf %reduce_sum3A_93, %select_n3A_112 : vector<8xf32>
    %sub3A_132 = arith.subf %sub3A_131, %select_n3A_123 : vector<8xf32>
    %div3A_133 = arith.divf %sub3A_130, %convert_element_type3A_128 : vector<8xf32>
    %mul3A_134 = arith.mulf %convert_element_type3A_128, %div3A_133 : vector<8xf32>
    %mul3A_135 = arith.mulf %mul3A_134, %div3A_133 : vector<8xf32>
    %sub3A_136 = arith.subf %sub3A_132, %mul3A_135 : vector<8xf32>
    %sub3A_137 = arith.constant 1.000000e+00 : f32
    %sub3A_138 = vector.broadcast %sub3A_137 : f32 to vector<8xf32>
    %sub3A_139 = arith.subf %convert_element_type3A_128, %sub3A_138 : vector<8xf32>
    %max3A_140 = arith.constant 1.000000e+00 : f32
    %max3A_141 = vector.broadcast %max3A_140 : f32 to vector<8xf32>
    %max3A_142 = arith.maximumf %sub3A_139, %max3A_141 : vector<8xf32>
    %div3A_143 = arith.divf %sub3A_136, %max3A_142 : vector<8xf32>
    %max3A_144 = arith.constant 0.000000e+00 : f32
    %max3A_145 = vector.broadcast %max3A_144 : f32 to vector<8xf32>
    %max3A_146 = arith.maximumf %div3A_143, %max3A_145 : vector<8xf32>
    %sqrt3A = math.sqrt %max3A_146 : vector<8xf32>
    %ge3A = arith.constant 10 : i32
    %ge3A_147 = vector.broadcast %ge3A : i32 to vector<8xi32>
    %ge3A_148 = arith.cmpi sge, %reduce_sum3A_9, %ge3A_147 : vector<8xi32>
    %jit3A_149 = arith.constant 0.000000e+00 : f32
    %broadcast_in_dim3A_150 = vector.broadcast %jit3A_149 : f32 to vector<8xf32>
    %select_n3A_151 = arith.select %ge3A_148, %div3A_133, %broadcast_in_dim3A_150 : vector<8xi1>, vector<8xf32>
    %jit3A_152 = arith.constant 1.000000e+00 : f32
    %broadcast_in_dim3A_153 = vector.broadcast %jit3A_152 : f32 to vector<8xf32>
    %select_n3A_154 = arith.select %ge3A_148, %sqrt3A, %broadcast_in_dim3A_153 : vector<8xi1>, vector<8xf32>
    %get3A_155 = arith.constant 0 : index
    %get3A_156 = arith.constant 0 : index
    %get3A_157 = arith.constant 0 : index
    %get3A_158 = vector.load %arg0[%get3A_155, %get3A_156, %get3A_157] : memref<8x384x384xf32, #tpu.memory_space<vmem>>, vector<8x384x384xf32>
    %bitcast_convert_type3A = tpu.bitcast %get3A_2 : vector<8x384x384xf32> -> vector<8x384x384xi32>
    %sub3A_159 = arith.constant 1 : i32
    %sub3A_160 = vector.broadcast %sub3A_159 : i32 to vector<8x384x384xi32>
    %sub3A_161 = arith.subi %bitcast_convert_type3A, %sub3A_160 : vector<8x384x384xi32>
    %add3A_162 = arith.constant 9.99999993E-9 : f32
    %add3A_163 = vector.broadcast %add3A_162 : f32 to vector<8xf32>
    %add3A_164 = arith.addf %select_n3A_154, %add3A_163 : vector<8xf32>
    %div3A_165 = arith.constant 1.000000e+00 : f32
    %div3A_166 = vector.broadcast %div3A_165 : f32 to vector<8xf32>
    %div3A_167 = arith.divf %div3A_166, %add3A_164 : vector<8xf32>
    %broadcast_in_dim3A_168 = vector.shape_cast %div3A_167 : vector<8xf32> to vector<8x1x1xf32>
    %broadcast_in_dim3A_169 = vector.shape_cast %select_n3A_151 : vector<8xf32> to vector<8x1x1xf32>
    %sub3A_170 = vector.broadcast %broadcast_in_dim3A_169 : vector<8x1x1xf32> to vector<8x384x384xf32>
    %sub3A_171 = arith.subf %get3A_2, %sub3A_170 : vector<8x384x384xf32>
    %mul3A_172 = vector.broadcast %broadcast_in_dim3A_168 : vector<8x1x1xf32> to vector<8x384x384xf32>
    %mul3A_173 = arith.mulf %sub3A_171, %mul3A_172 : vector<8x384x384xf32>
    %sub3A_174 = arith.subf %mul3A_173, %get3A_158 : vector<8x384x384xf32>
    %abs3A = math.absf %sub3A_174 : vector<8x384x384xf32>
    %mul3A_175 = arith.constant 1.000000e-01 : f32
    %mul3A_176 = vector.broadcast %mul3A_175 : f32 to vector<8x384x384xf32>
    %mul3A_177 = arith.mulf %mul3A_176, %mul3A_173 : vector<8x384x384xf32>
    %tanh3A = math.tanh %mul3A_177 : vector<8x384x384xf32>
    %mul3A_178 = arith.constant 1.000000e-01 : f32
    %mul3A_179 = vector.broadcast %mul3A_178 : f32 to vector<8x384x384xf32>
    %mul3A_180 = arith.mulf %mul3A_179, %get3A_158 : vector<8x384x384xf32>
    %tanh3A_181 = math.tanh %mul3A_180 : vector<8x384x384xf32>
    %sub3A_182 = arith.subf %tanh3A, %tanh3A_181 : vector<8x384x384xf32>
    %abs3A_183 = math.absf %sub3A_182 : vector<8x384x384xf32>
    %sub3A_184 = arith.constant 981668463 : i32
    %sub3A_185 = vector.broadcast %sub3A_184 : i32 to vector<8x384x384xi32>
    %sub3A_186 = arith.subi %sub3A_161, %sub3A_185 : vector<8x384x384xi32>
    %le3A = arith.constant 83684751 : i32
    %le3A_187 = vector.broadcast %le3A : i32 to vector<8x384x384xi32>
    %le3A_188 = arith.cmpi ule, %sub3A_186, %le3A_187 : vector<8x384x384xi32>
    %add3A_189 = arith.addf %abs3A, %abs3A_183 : vector<8x384x384xf32>
    %jit3A_190 = arith.constant 0.000000e+00 : f32
    %broadcast_in_dim3A_191 = vector.broadcast %jit3A_190 : f32 to vector<8x384x384xf32>
    %select_n3A_192 = arith.select %le3A_188, %add3A_189, %broadcast_in_dim3A_191 : vector<8x384x384xi1>, vector<8x384x384xf32>
    %reduce_sum3A_193 = arith.constant dense<0.000000e+00> : vector<8xf32>
    %reduce_sum3A_194 = vector.multi_reduction <add>, %select_n3A_192, %reduce_sum3A_193 [1, 2] : vector<8x384x384xf32> to vector<8xf32>
    %convert_element_type3A_195 = arith.extui %le3A_188 : vector<8x384x384xi1> to vector<8x384x384xi32>
    %reduce_sum3A_196 = arith.constant dense<0> : vector<8xi32>
    %reduce_sum3A_197 = vector.multi_reduction <add>, %convert_element_type3A_195, %reduce_sum3A_196 [1, 2] : vector<8x384x384xi32> to vector<8xi32>
    %convert_element_type3A_198 = arith.sitofp %reduce_sum3A_197 : vector<8xi32> to vector<8xf32>
    %div3A_199 = arith.divf %reduce_sum3A_194, %convert_element_type3A_198 : vector<8xf32>
    %broadcast_in_dim3A_200 = vector.shape_cast %div3A_199 : vector<8xf32> to vector<8x1xf32>
    %broadcast_in_dim3A_201 = vector.shape_cast %broadcast_in_dim3A_200 : vector<8x1xf32> to vector<8x1xf32>
    %broadcast_in_dim3A_202 = vector.broadcast %broadcast_in_dim3A_201 : vector<8x1xf32> to vector<8x128xf32>
    %swap3A = arith.constant 0 : index
    %swap3A_203 = arith.constant 0 : index
    %swap3A_204 = vector.load %arg3[%swap3A, %swap3A_203] : memref<8x128xf32, #tpu.memory_space<vmem>>, vector<8x128xf32>
    tpu.vector_store %arg3[%swap3A, %swap3A_203], %broadcast_in_dim3A_202 {strides = array<i32>} : memref<8x128xf32, #tpu.memory_space<vmem>>, vector<8x128xf32>,
    return
  }
}

</mosaic_0001>

<sc_bundles>
// kernel: kernel.4.cloned.1.call-start
scs
__scs_entry_jumppad:
0x0: {  	(pc) =	sbr.rel $0x88, $3  }
0x1: {  	(tag) =	ssettag $0x0;
	lr =	simm.s32 $0x1  }
0x2: {  	[smem:$0x3F9F] =	sst lr;
	_ =	strace $0xD0000000  }
0x3: {  	_ = 	snop  }
0x4: {  	_ = 	snop  }
0x5: {  	_ = 	snop  }
0x6: {  	_ = 	snop  }
0x7: {  	_ = 	snop  }
__scs_overlays_trampoline_lowered:
0x8: {  	[smem:$0x3FAE] =	sst s0  }
0x9: {  	[smem:$0x3FAF] =	sst s1  }
0xa: {  	[smem:$0x3FB0] =	sst s2  }
0xb: {  	[smem:$0x3FB1] =	sst s3  }
0xc: {  	[smem:$0x3FB2] =	sst s4  }
0xd: {  	[smem:$0x3FB3] =	sst s5  }
0xe: {  	[smem:$0x3FB4] =	sst s6  }
0xf: {  	[smem:$0x3FB5] =	sst s7  }
0x10: {  	[smem:$0x3FB6] =	sst s8  }
0x11: {  	[smem:$0x3FB7] =	sst s9;
	s0 =	simm.s32 @!p0 $0x0  }
0x12: {  	s1 =	sld [smem:$0x3F9D];
	s0 =	simm.s32 @p0 $0x1  }
0x13: {  	[smem:$0x3FB8] =	sst s0;
	s0 =	simm.s32 @!p1 $0x0  }
0x14: {  	s2 =	sld [smem:$0x3F9C];
	s0 =	simm.s32 @p1 $0x1  }
0x15: {  	[smem:$0x3FB9] =	sst s0;
	s0 =	simm.s32 @!p2 $0x0  }
0x16: {  	s3 =	sld [smem:$0x3FDB];
	s0 =	simm.s32 @p2 $0x1  }
0x17: {  	s4 =	simm.s32 $0x1BF5;
	[smem:$0x3FBB] =	sst s0  }
0x18: {  	s0 =	sld [smem:$0x3F9E];
	_ =	swait.ge [sflag:s4], $0x0  }
0x19: {  	s7 =	sld [smem:$0x3F9F]  }
0x1a: {  	s8 =	sadd.s32 $0xFFFFE003, lr  }
0x1b: {  	s9 =	sadd.s32 $0xFFFFFEF7, lr;
	s5 =	simm.s32 $0xFFFFFFFF;
	p2 =	slt.u32 s8, $0xFFFFF086  }
0x1c: {  	p1 =	slt.u32 s9, $0xF7A;
	s5 =	simm.s32 @!p2 $0x0  }
0x1d: {  	s5 =	simm.s32 @p1 $0x1;
	p0 =	seq.s32 s7, s2  }
0x1e: {  	s7 =	smul.u32 @!p0 $0xF7A, s2;
	p2 =	seq.s32 @!p0 s5, $0x0  }
0x1f: {  	s9 =	smul.u32 $0xF7A, s1;
	s8 =	simm.s32 @!p0 $0x1BF5;
	p2 =	por !p2, p0  }
0x20: {  	[sflag:s8] =	ssyncset.s32 @!p0 $0xFFFFF086;
	s6 =	sadd.s32 @!p0 s3, s7;
	s7 =	simm.s32 @!p0 $0x108  }
0x21: {  	s3 =	sadd.s32 s3, s9;
	s6 =	sadd.s32 @!p0 $0x88, s6;
	s7 =	simm.s32 @p2 $0x1082  }
0x22: {  	[simem:s7], [sflag:s8] =	dma.local @!p0 [hbm:s6], $0xF7A  }
0x23: {  	s9 =	sor.u32 $0xD0000000, s2;
	s6 =	simm.s32 $0x108;
	_ =	swait.ge @!p0 [sflag:s8], $0x0  }
0x24: {  	s3 =	sadd.s32 $0x88, s3;
	s6 =	simm.s32 @!p1 $0x1082;
	[sflag:s4] =	ssyncset.s32 $0xFFFFF086  }
0x25: {  	[simem:s6], [sflag:s4] =	dma.local [hbm:s3], $0xF7A  }
0x26: {  	[smem:$0x3F9F] =	sst s1;
	(tag) =	ssettag s2;
	_ =	strace s9  }
0x27: {  	s1 =	sld [smem:$0x3FAF]  }
0x28: {  	s2 =	sld [smem:$0x3FB0]  }
0x29: {  	s4 =	sld [smem:$0x3FB2]  }
0x2a: {  	p0 =	seq.s32 s5, $0x0;
	s5 =	sld [smem:$0x3FB3]  }
0x2b: {  	s6 =	sld [smem:$0x3FB4]  }
0x2c: {  	s7 =	sld [smem:$0x3FB5]  }
0x2d: {  	s3 =	simm.s32 $0x108;
	s8 =	sld [smem:$0x3FB6]  }
0x2e: {  	s3 =	simm.s32 @!p0 $0x1082;
	s9 =	sld [smem:$0x3FB7]  }
0x2f: {  	lr =	sadd.s32 s0, s3;
	s0 =	sld [smem:$0x3FAE]  }
0x30: {  	s3 =	sld [smem:$0x3FB1]  }
0x31: {  	[smem:$0x3FBA] =	sst s10  }
0x32: {  	s10 =	sld [smem:$0x3FB8];
	_ =	sdelay $0x3  }
0x33: {  	p0 =	seq.s32 s10, $0x1;
	s10 =	sld [smem:$0x3FBA];
	_ =	sdelay $0x3  }
0x34: {  	[smem:$0x3FBA] =	sst s10  }
0x35: {  	s10 =	sld [smem:$0x3FB9];
	_ =	sdelay $0x3  }
0x36: {  	p1 =	seq.s32 s10, $0x1;
	s10 =	sld [smem:$0x3FBA];
	_ =	sdelay $0x3  }
0x37: {  	[smem:$0x3FBA] =	sst s10  }
0x38: {  	s10 =	sld [smem:$0x3FBB]  }
0x39: {  	_ = 	snop;
	(pc) =	sbr.ind lr, $3  }
0x3a: {  	_ = 	snop  }
0x3b: {  	_ = 	snop  }
0x3c: {  	p2 =	seq.s32 s10, $0x1;
	s10 =	sld [smem:$0x3FBA]  }
0x3d: {  	_ =	shalt  }
0x3e: {  	_ =	shalt  }
0x3f: {  	_ =	shalt  }
0x40: {  	_ =	shalt  }
0x41: {  	_ =	shalt  }
0x42: {  	_ =	shalt  }
0x43: {  	_ =	shalt  }
0x44: {  	_ =	shalt  }
0x45: {  	_ =	shalt  }
0x46: {  	_ =	shalt  }
0x47: {  	_ =	shalt  }
0x48: {  	_ =	shalt  }
0x49: {  	_ =	shalt  }
0x4a: {  	_ =	shalt  }
0x4b: {  	_ =	shalt  }
0x4c: {  	_ =	shalt  }
0x4d: {  	_ =	shalt  }
0x4e: {  	_ =	shalt  }
0x4f: {  	_ =	shalt  }
0x50: {  	_ =	shalt  }
0x51: {  	_ =	shalt  }
0x52: {  	_ =	shalt  }
0x53: {  	_ =	shalt  }
0x54: {  	_ =	shalt  }
0x55: {  	_ =	shalt  }
0x56: {  	_ =	shalt  }
0x57: {  	_ =	shalt  }
0x58: {  	_ =	shalt  }
0x59: {  	_ =	shalt  }
0x5a: {  	_ =	shalt  }
0x5b: {  	_ =	shalt  }
0x5c: {  	_ =	shalt  }
0x5d: {  	_ =	shalt  }
0x5e: {  	_ =	shalt  }
0x5f: {  	_ =	shalt  }
0x60: {  	_ =	shalt  }
0x61: {  	_ =	shalt  }
0x62: {  	_ =	shalt  }
0x63: {  	_ =	shalt  }
0x64: {  	_ =	shalt  }
0x65: {  	_ =	shalt  }
0x66: {  	_ =	shalt  }
0x67: {  	_ =	shalt  }
0x68: {  	_ =	shalt  }
0x69: {  	_ =	shalt  }
0x6a: {  	_ =	shalt  }
0x6b: {  	_ =	shalt  }
0x6c: {  	_ =	shalt  }
0x6d: {  	_ =	shalt  }
0x6e: {  	_ =	shalt  }
0x6f: {  	_ =	shalt  }
0x70: {  	_ =	shalt  }
0x71: {  	_ =	shalt  }
0x72: {  	_ =	shalt  }
0x73: {  	_ =	shalt  }
0x74: {  	_ =	shalt  }
0x75: {  	_ =	shalt  }
0x76: {  	_ =	shalt  }
0x77: {  	_ =	shalt  }
0x78: {  	_ =	shalt  }
0x79: {  	_ =	shalt  }
0x7a: {  	_ =	shalt  }
0x7b: {  	_ =	shalt  }
0x7c: {  	_ =	shalt  }
0x7d: {  	_ =	shalt  }
0x7e: {  	_ =	shalt  }
0x7f: {  	_ =	shalt  }
0x80: {  	_ =	shalt  }
0x81: {  	_ =	shalt  }
0x82: {  	_ =	shalt  }
0x83: {  	_ =	shalt  }
0x84: {  	_ =	shalt  }
0x85: {  	_ =	shalt  }
0x86: {  	_ =	shalt  }
0x87: {  	_ =	shalt  }
.Lfunc_end0:
.L_simem_size_0:
called_computation_lowered:
.L_overlay_start_0:
0x88: {  	s2 =	sld [smem:$0x3FD9]  }
0x89: {  	s3 =	sld [smem:$0x3FFE];
	_ =	sdelay $0x1  }
0x8a: {  	s1 =	srdreg.scid  }
0x8b: {  	s0 =	sand.u32 $0x1, s1  }
0x8c: {  	s17 =	sshll.u32 s0, $0xA;
	s2 =	sadd.s32 s3, s2  }
0x8d: {  	s2 =	sadd.s32 s2, s17  }
0x8e: {  	[smem:$0x3FC6] =	sst s2  }
0x8f: {  	_ = 	snop  }
0x90: {  	s2 =	sld [smem:$0x3FC8];
	(tm) =	ssettm $0x1  }
0x91: {  	s18 =	sld [smem:$0x3FFB];
	_ =	sdelay $0x3  }
0x92: {  	_ =	strace s18  }
0x93: {  	s3 =	sld [smem:$0x3FFC];
	_ =	sdelay $0x3  }
0x94: {  	_ =	strace s3  }
0x95: {  	s3 =	sld [smem:$0x3FFD];
	_ =	sdelay $0x3  }
0x96: {  	_ =	strace s3  }
0x97: {  	_ =	strace $0x8FFFFFFF  }
0x98: {  	s19 =	sld [smem:$0x3FDB];
	_ =	sdelay $0x1  }
0x99: {  	s4 =	simm.s32 $_scs_section_size  }
0x9a: {  	s5 =	simm.s32 $_size__tile_overlayer_lowered;
	s6 =	simm.s32 $_tile_overlayer_lowered  }
0x9b: {  	s22 =	simm.s32 $0x1BFF;
	s21 =	sshll.u32 s6, $0x1;
	s3 =	sadd.s32 s4, s19  }
0x9c: {  	s7 =	simm.s32 $0x0;
	s20 =	sshll.u32 s5, $0x1;
	s5 =	sadd.s32 s21, s3  }
0x9d: {  	[timem:s7], [sflag:s22] =	dma.local [hbm:s5], s20  }
0x9e: {  	_ =	swait.ge [sflag:s22], s20  }
0x9f: {  	s4 =	ssub.s32 $0x0, s20;
	[sflag:s22] =	ssyncset.done $0x0  }
0xa0: {  	[sflag:s22] =	ssyncadd.s32 s4;
	_ =	sdelay $0x1  }
0xa1: {  	s23 =	simm.s32 $0x1B8B  }
0xa2: {  	_ =	swait.ge [sflag:s23], $0x1  }
0xa3: {  	[sflag:s23] =	ssyncset.done $0x0  }
0xa4: {  	s25 =	simm.s32 $0x1B8E;
	s24 =	sld [smem:$0x3FFE];
	[sflag:s23] =	ssyncadd.s32 $0xFFFFFFFF  }
0xa5: {  	s26 =	simm.s32 $execute0_lowered;
	[smem:$0x3FD2] =	sst s25  }
0xa6: {  	s5 =	sshll.u32 s26, $0x1;
	_ =	strace $0x80000046;
	[dreg:$0x1] =	wrdreg $0xFFFFFFFF  }
0xa7: {  	s28 =	simm.s32 $_size_execute0_lowered;
	s3 =	sadd.s32 s3, s5;
	[dreg:$0x0] =	wrdreg $0x0  }
0xa8: {  	s5 =	sshll.u32 s28, $0x1;
	[dreg:$0x2] =	wrdreg s3  }
0xa9: {  	[dreg:$0x3] =	wrdreg s5  }
0xaa: {  	[dreg:$0x4] =	wrdreg $0xC0  }
0xab: {  	_ =	task [dreg:s7], $0x5FFFF  }
0xac: {  	[dreg:$0x1] =	wrdreg $0xFFFFFFFF  }
0xad: {  	[dreg:$0x0] =	wrdreg $0x60  }
0xae: {  	[dreg:$0x2] =	wrdreg s2  }
0xaf: {  	[dreg:$0x3] =	wrdreg s24  }
0xb0: {  	[dreg:$0x4] =	wrdreg $0x9  }
0xb1: {  	_ =	task.clear_ibuf [dreg:s7], $0x5FFFF;
	_ =	strace $0x90000046  }
0xb2: {  	s29 =	simm.s32 $0x9;
	_ =	strace $0x80000048  }
0xb3: {  	_ =	swait.ge [sflag:s29], $0x1  }
0xb4: {  	[sflag:s29] =	ssyncadd.s32 $0xFFFFFFFF  }
0xb5: {  	_ =	strace $0x90000048  }
0xb6: {  	_ =	sfence  }
0xb7: {  	s30 =	sld [smem:$0x0];
	_ =	sdelay $0x2  }
0xb8: {  	s31 =	sshll.u32 s1, $0xD;
	s1 =	sshrl.u32 s1, $0x2  }
0xb9: {  	s3 =	sand.u32 $0x4000, s31;
	s1 =	sadd.s32 s1, s30  }
0xba: {  	s0 =	sor.u32 s3, s0;
	s1 =	sshll.u32 s1, $0x11  }
0xbb: {  	s0 =	sor.u32 s1, s0  }
0xbc: {  	s0 =	sadd.s32 $0x8F2B, s0  }
0xbd: {  	[sflag:s0] =	ssyncadd.remote.s32 $0x1  }
0xbe: {  	_ =	sfence.sel $0xFFFF  }
0xbf: {  	[dreg:$0x0] =	wrdreg $0xFFFFFFFF;
	(pc) =	sbr.abs _section_cstart, $3  }
0xc0: {  	[dreg:$0x1] =	wrdreg $0xFFFFFFFF  }
0xc1: {  	_ =	task.clear_ibuf [dreg:s7], $0x2FFFF;
	_ =	strace $0x9FFFFFFF  }
0xc2: {  	(tm) =	ssettm $0x7FFFFFFF  }
0xc3: {  	_ =	shalt  }
tec
execute0_lowered:
.L_overlay_start_1:
0x0: {  	(tag) =	ssettag $0x1  }
0x1: {  	s0 =	srdreg.scid  }
0x2: {  	s0 =	sand.u32 $0x1, s0  }
0x3: {  	s7 =	stileid.u32;
	s4 =	rddreg [dreg:$0x0];
	s1 =	sshll.u32 s0, $0x4  }
0x4: {  	s2 =	simm.s32 $0x1;
	s3 =	sand.u32 $0x3, s7;
	s1 =	sor.u32 s7, s1  }
0x5: {  	s5 =	rddreg [dreg:$0x1];
	p1 =	sne.s32 s3, $0x0;
	p0 =	seq.s32 s1, $0x0  }
0x6: {  	s10 =	simm.s32 $0x0;
	s3 =	smul.u32 $0x9000, s3;
	p0 =	por !p1, !p0  }
0x7: {  	s0 =	ssub.s32 $0x2, s0;
	s7 =	sshll.u32 s7, $0x4;
	p0 =	por !p0, !p0  }
0x8: {  	s31 =	sshrl.u32 s0, $0x1;
	s6 =	sshrl.u32 s1, $0x2;
	s2 =	simm.s32 @!p0 $0x0  }
0x9: {  	s7 =	sand.u32 $0x70, s7;
	s1 =	sshll.u32 s1, $0xA;
	s6 =	ssub.s32 s6, s2  }
0xa: {  	s0 =	ssub.s32 s0, s31;
	s5 =	sadd.s32 s7, s5;
	s6 =	smul.u32 $0x24000, s6  }
0xb: {  	s1 =	sand.u32 $0x6000, s1;
	s7 =	simm.s32 $0x9000;
	s2 =	simm.s32 $0x0  }
0xc: {  	s1 =	sadd.s32 s1, s5;
	[smem:$0x7FF] =	sst s2;
	s3 =	sadd.s32 s3, s6  }
0xd: {  	s5 =	sadd.s32 $0x400, s1;
	_ =	strace $0x80000047;
	s6 =	sshrl.u32 s3, $0x3  }
0xe: {  	v0 =	vimm.s32 $0x0;
	v1 =	vimm.s32 $0x1;
	s3 =	simm.s32 $0x1;
	s4 =	sadd.s32 s4, s6;
	s6 =	smax.u32 s0, $0x1  }
.LBB2_1:
0xf: {  	[tilespmem:s2], [sflag:$0x1] =	stream.linear.gather [hbm4b:s4+s2], $0x9000, $0x38;
	[tilespmem:$0xB000] =	vst v63  }
0x10: {  	_ =	swait.ge [sflag:s3], $0x9000  }
0x11: {  	[sflag:s3] =	ssyncset.done $0x0  }
0x12: {  	s8 =	simm.s32 $0x9040;
	[sflag:s3] =	ssyncadd.s32 $0xFFFF7000  }
0x13: {  	[tilespmem:s8+$0xFFFFFFC0] =	vst v0  }
0x14: {  	[tilespmem:s8+$0x30] =	vst v0  }
0x15: {  	[tilespmem:s8+$0x20] =	vst v0  }
0x16: {  	[tilespmem:s8+$0x10] =	vst v0  }
0x17: {  	[tilespmem:s8+$0x0] =	vst v0  }
0x18: {  	[tilespmem:s8+$0xFFFFFFF0] =	vst v0  }
0x19: {  	s0 =	simm.s32 $0x0;
	[tilespmem:s8+$0xFFFFFFE0] =	vst v0  }
.LBB2_2:
0x1a: {  	s0 =	sadd.s32 $0x8, s0;
	[tilespmem:s8+$0xFFFFFFD0] =	vst v0;
	s8 =	sadd.s32 $0x80, s8  }
0x1b: {  	[tilespmem:s8+$0xFFFFFFC0] =	vst v0;
	p0 =	slt.u32 s0, $0x1F8  }
0x1c: {  	[tilespmem:s8+$0x30] =	vst v0  }
.Ltmp0:
0x1d: {  	[tilespmem:s8+$0x20] =	vst v0;
	(pc) =	sbr.rel @p0 .LBB2_2-.Ltmp0, $4  }
0x1e: {  	[tilespmem:s8+$0x10] =	vst v0  }
0x1f: {  	[tilespmem:s8+$0x0] =	vst v0  }
0x20: {  	[tilespmem:s8+$0xFFFFFFF0] =	vst v0  }
0x21: {  	s1 =	simm.s32 $0x0;
	[tilespmem:s8+$0xFFFFFFE0] =	vst v0  }
0x22: {  	s0 =	simm.s32 $0x0  }
0x23: {  	s0 =	smul.u32 $0x3000, s0  }
0x24: {  	s15 =	sand.u32 $0x300, s1  }
0x25: {  	s1 =	sshra.s32 s0, $0x2;
	s0 =	sor.u32 $0x80, s15  }
0x26: {  	[tilespmem:s8+$0xFFFFFFD0] =	vst v0;
	s9 =	sor.u32 s0, s1  }
0x27: {  	v2 =	vld [tilespmem:s9+$0x0];
	_ =	sdelay $0x4  }
0x28: {  	v3 =	vmul.f32 $8.192000000e+03, v2;
	_ =	sdelay $0x1  }
0x29: {  	v3 =	vtrunc.f32 v3  }
0x2a: {  	v3 =	vcvt.f32.s32 v3;
	_ =	sdelay $0x1  }
0x2b: {  	vm0 =	vgt.f32 v2, $0.0e+00;
	vm1 =	vlt.s32 v3, $0x1FFF  }
0x2c: {  	v2 =	vnsel vm1, $0x1FFF, v3;
	_ =	sdelay $0x4  }
0x2d: {  	[tilespmem:v2+s7+$0x0] =	vst.idx.add.s32.msk vm0, v1  }
0x2e: {  	v2 =	vld [tilespmem:s9+$0x10];
	_ =	sdelay $0x4  }
0x2f: {  	v3 =	vmul.f32 $8.192000000e+03, v2;
	_ =	sdelay $0x1  }
0x30: {  	v3 =	vtrunc.f32 v3  }
0x31: {  	v3 =	vcvt.f32.s32 v3;
	_ =	sdelay $0x1  }
0x32: {  	vm1 =	vgt.f32 v2, $0.0e+00;
	vm0 =	vlt.s32 v3, $0x1FFF  }
0x33: {  	v2 =	vnsel vm0, $0x1FFF, v3;
	_ =	sdelay $0x4  }
0x34: {  	[tilespmem:v2+s7+$0x0] =	vst.idx.add.s32.msk vm1, v1  }
0x35: {  	v2 =	vld [tilespmem:s9+$0x20];
	_ =	sdelay $0x4  }
0x36: {  	v3 =	vmul.f32 $8.192000000e+03, v2;
	_ =	sdelay $0x1  }
0x37: {  	v3 =	vtrunc.f32 v3  }
0x38: {  	v3 =	vcvt.f32.s32 v3;
	_ =	sdelay $0x1  }
0x39: {  	vm1 =	vgt.f32 v2, $0.0e+00;
	vm0 =	vlt.s32 v3, $0x1FFF  }
0x3a: {  	v2 =	vnsel vm0, $0x1FFF, v3;
	_ =	sdelay $0x4  }
0x3b: {  	[tilespmem:v2+s7+$0x0] =	vst.idx.add.s32.msk vm1, v1  }
0x3c: {  	v2 =	vld [tilespmem:s9+$0x30];
	_ =	sdelay $0x4  }
0x3d: {  	v3 =	vmul.f32 $8.192000000e+03, v2;
	_ =	sdelay $0x1  }
0x3e: {  	v3 =	vtrunc.f32 v3  }
0x3f: {  	v3 =	vcvt.f32.s32 v3;
	_ =	sdelay $0x1  }
0x40: {  	vm1 =	vgt.f32 v2, $0.0e+00;
	vm0 =	vlt.s32 v3, $0x1FFF  }
0x41: {  	v2 =	vnsel vm0, $0x1FFF, v3  }
0x42: {  	s26 =	sor.u32 s15, s1  }
0x43: {  	v3 =	vld [tilespmem:s26+$0x0];
	_ =	sdelay $0x2  }
0x44: {  	[tilespmem:v2+s7+$0x0] =	vst.idx.add.s32.msk vm1, v1  }
0x45: {  	v2 =	vld [tilespmem:s9+$0x40]  }
0x46: {  	v4 =	vmul.f32 $8.192000000e+03, v3;
	_ =	sdelay $0x1  }
0x47: {  	v4 =	vtrunc.f32 v4  }
0x48: {  	v4 =	vcvt.f32.s32 v4  }
0x49: {  	v5 =	vmul.f32 $8.192000000e+03, v2  }
0x4a: {  	vm0 =	vgt.f32 v3, $0.0e+00;
	vm1 =	vlt.s32 v4, $0x1FFF  }
0x4b: {  	v3 =	vnsel vm1, $0x1FFF, v4;
	v4 =	vtrunc.f32 v5  }
0x4c: {  	v4 =	vcvt.f32.s32 v4;
	_ =	sdelay $0x1  }
0x4d: {  	vm2 =	vgt.f32 v2, $0.0e+00;
	vm1 =	vlt.s32 v4, $0x1FFF  }
0x4e: {  	v2 =	vnsel vm1, $0x1FFF, v4  }
0x4f: {  	[tilespmem:v3+s7+$0x0] =	vst.idx.add.s32.msk vm0, v1  }
0x50: {  	v3 =	vld [tilespmem:s26+$0x10];
	_ =	sdelay $0x2  }
0x51: {  	s11 =	simm.s32 $0x0;
	[tilespmem:v2+s7+$0x0] =	vst.idx.add.s32.msk vm2, v1  }
0x52: {  	s19 =	simm.s32 $0x100;
	s12 =	smul.u32 $0x3000, s11;
	v2 =	vld [tilespmem:s9+$0x50]  }
0x53: {  	s11 =	sand.u32 $0x300, s19;
	v4 =	vmul.f32 $8.192000000e+03, v3  }
0x54: {  	s18 =	sor.u32 $0x80, s11;
	s21 =	sshra.s32 s12, $0x2  }
0x55: {  	s17 =	sor.u32 s18, s21;
	v4 =	vtrunc.f32 v4  }
0x56: {  	v5 =	vld [tilespmem:s17+$0x0];
	v4 =	vcvt.f32.s32 v4  }
0x57: {  	v6 =	vmul.f32 $8.192000000e+03, v2  }
0x58: {  	vm0 =	vgt.f32 v3, $0.0e+00;
	vm1 =	vlt.s32 v4, $0x1FFF  }
0x59: {  	v3 =	vnsel vm1, $0x1FFF, v4;
	v4 =	vtrunc.f32 v6  }
0x5a: {  	v4 =	vcvt.f32.s32 v4  }
0x5b: {  	v6 =	vmul.f32 $8.192000000e+03, v5  }
0x5c: {  	vm2 =	vgt.f32 v2, $0.0e+00;
	vm1 =	vlt.s32 v4, $0x1FFF  }
0x5d: {  	v2 =	vnsel vm1, $0x1FFF, v4;
	v4 =	vtrunc.f32 v6  }
0x5e: {  	[tilespmem:v3+s7+$0x0] =	vst.idx.add.s32.msk vm0, v1;
	v3 =	vcvt.f32.s32 v4  }
0x5f: {  	v4 =	vld [tilespmem:s26+$0x20]  }
0x60: {  	vm0 =	vgt.f32 v5, $0.0e+00;
	vm1 =	vlt.s32 v3, $0x1FFF  }
0x61: {  	v3 =	vnsel vm1, $0x1FFF, v3  }
0x62: {  	[tilespmem:v2+s7+$0x0] =	vst.idx.add.s32.msk vm2, v1  }
0x63: {  	v2 =	vld [tilespmem:s9+$0x60]  }
0x64: {  	v5 =	vmul.f32 $8.192000000e+03, v4;
	_ =	sdelay $0x1  }
0x65: {  	v5 =	vtrunc.f32 v5;
	[tilespmem:v3+s7+$0x0] =	vst.idx.add.s32.msk vm0, v1  }
0x66: {  	v3 =	vcvt.f32.s32 v5;
	v5 =	vld [tilespmem:s17+$0x10]  }
0x67: {  	v6 =	vmul.f32 $8.192000000e+03, v2  }
0x68: {  	vm0 =	vgt.f32 v4, $0.0e+00;
	vm1 =	vlt.s32 v3, $0x1FFF  }
0x69: {  	v3 =	vnsel vm1, $0x1FFF, v3;
	v4 =	vtrunc.f32 v6  }
0x6a: {  	v4 =	vcvt.f32.s32 v4  }
0x6b: {  	v6 =	vmul.f32 $8.192000000e+03, v5  }
0x6c: {  	vm2 =	vgt.f32 v2, $0.0e+00;
	vm1 =	vlt.s32 v4, $0x1FFF  }
0x6d: {  	v2 =	vnsel vm1, $0x1FFF, v4;
	v4 =	vtrunc.f32 v6  }
0x6e: {  	[tilespmem:v3+s7+$0x0] =	vst.idx.add.s32.msk vm0, v1;
	v3 =	vcvt.f32.s32 v4  }
0x6f: {  	v4 =	vld [tilespmem:s26+$0x30]  }
0x70: {  	vm1 =	vgt.f32 v5, $0.0e+00;
	vm0 =	vlt.s32 v3, $0x1FFF  }
0x71: {  	v3 =	vnsel vm0, $0x1FFF, v3  }
0x72: {  	[tilespmem:v2+s7+$0x0] =	vst.idx.add.s32.msk vm2, v1  }
0x73: {  	v2 =	vld [tilespmem:s9+$0x70]  }
0x74: {  	v5 =	vmul.f32 $8.192000000e+03, v4;
	_ =	sdelay $0x1  }
0x75: {  	v5 =	vtrunc.f32 v5;
	[tilespmem:v3+s7+$0x0] =	vst.idx.add.s32.msk vm1, v1  }
0x76: {  	v3 =	vcvt.f32.s32 v5;
	v5 =	vld [tilespmem:s17+$0x20]  }
0x77: {  	v6 =	vmul.f32 $8.192000000e+03, v2  }
0x78: {  	vm0 =	vgt.f32 v4, $0.0e+00;
	vm1 =	vlt.s32 v3, $0x1FFF  }
0x79: {  	v3 =	vnsel vm1, $0x1FFF, v3;
	v4 =	vtrunc.f32 v6  }
0x7a: {  	v4 =	vcvt.f32.s32 v4  }
0x7b: {  	v6 =	vmul.f32 $8.192000000e+03, v5  }
0x7c: {  	vm2 =	vgt.f32 v2, $0.0e+00;
	vm1 =	vlt.s32 v4, $0x1FFF  }
0x7d: {  	v2 =	vnsel vm1, $0x1FFF, v4;
	v4 =	vtrunc.f32 v6  }
0x7e: {  	[tilespmem:v3+s7+$0x0] =	vst.idx.add.s32.msk vm0, v1;
	v3 =	vcvt.f32.s32 v4  }
0x7f: {  	v4 =	vld [tilespmem:s26+$0x40]  }
0x80: {  	vm1 =	vgt.f32 v5, $0.0e+00;
	vm0 =	vlt.s32 v3, $0x1FFF  }
0x81: {  	s19 =	sadd.s32 $0x400, s1;
	v3 =	vnsel vm0, $0x1FFF, v3  }
0x82: {  	s16 =	sor.u32 s0, s19;
	[tilespmem:v2+s7+$0x0] =	vst.idx.add.s32.msk vm2, v1  }
0x83: {  	v2 =	vld [tilespmem:s16+$0x0]  }
0x84: {  	v5 =	vmul.f32 $8.192000000e+03, v4;
	_ =	sdelay $0x1  }
0x85: {  	v5 =	vtrunc.f32 v5;
	[tilespmem:v3+s7+$0x0] =	vst.idx.add.s32.msk vm1, v1  }
0x86: {  	v3 =	vcvt.f32.s32 v5;
	v5 =	vld [tilespmem:s17+$0x30]  }
0x87: {  	v6 =	vmul.f32 $8.192000000e+03, v2  }
0x88: {  	vm0 =	vgt.f32 v4, $0.0e+00;
	vm1 =	vlt.s32 v3, $0x1FFF  }
0x89: {  	s20 =	sor.u32 s11, s21;
	v3 =	vnsel vm1, $0x1FFF, v3;
	v4 =	vtrunc.f32 v6  }
0x8a: {  	v6 =	vld [tilespmem:s20+$0x0];
	v4 =	vcvt.f32.s32 v4  }
0x8b: {  	v7 =	vmul.f32 $8.192000000e+03, v5  }
0x8c: {  	vm2 =	vgt.f32 v2, $0.0e+00;
	vm1 =	vlt.s32 v4, $0x1FFF  }
0x8d: {  	v2 =	vnsel vm1, $0x1FFF, v4;
	v4 =	vtrunc.f32 v7  }
0x8e: {  	[tilespmem:v3+s7+$0x0] =	vst.idx.add.s32.msk vm0, v1;
	v3 =	vcvt.f32.s32 v4  }
0x8f: {  	v4 =	vmul.f32 $8.192000000e+03, v6;
	v7 =	vld [tilespmem:s26+$0x50]  }
0x90: {  	vm1 =	vgt.f32 v5, $0.0e+00;
	vm0 =	vlt.s32 v3, $0x1FFF  }
0x91: {  	v4 =	vtrunc.f32 v4;
	v3 =	vnsel vm0, $0x1FFF, v3  }
0x92: {  	v4 =	vcvt.f32.s32 v4;
	[tilespmem:v2+s7+$0x0] =	vst.idx.add.s32.msk vm2, v1  }
0x93: {  	v2 =	vld [tilespmem:s16+$0x10]  }
0x94: {  	vm0 =	vgt.f32 v6, $0.0e+00;
	vm2 =	vlt.s32 v4, $0x1FFF;
	v5 =	vmul.f32 $8.192000000e+03, v7  }
0x95: {  	v4 =	vnsel vm2, $0x1FFF, v4  }
0x96: {  	v5 =	vtrunc.f32 v5;
	[tilespmem:v3+s7+$0x0] =	vst.idx.add.s32.msk vm1, v1  }
0x97: {  	v3 =	vcvt.f32.s32 v5;
	v5 =	vld [tilespmem:s17+$0x40]  }
0x98: {  	v6 =	vmul.f32 $8.192000000e+03, v2  }
0x99: {  	vm1 =	vgt.f32 v7, $0.0e+00;
	vm2 =	vlt.s32 v3, $0x1FFF  }
0x9a: {  	[tilespmem:v4+s7+$0x0] =	vst.idx.add.s32.msk vm0, v1;
	v3 =	vnsel vm2, $0x1FFF, v3;
	v4 =	vtrunc.f32 v6  }
0x9b: {  	v6 =	vld [tilespmem:s20+$0x10];
	v4 =	vcvt.f32.s32 v4  }
0x9c: {  	v7 =	vmul.f32 $8.192000000e+03, v5  }
0x9d: {  	vm2 =	vgt.f32 v2, $0.0e+00;
	vm0 =	vlt.s32 v4, $0x1FFF  }
0x9e: {  	v2 =	vnsel vm0, $0x1FFF, v4;
	v4 =	vtrunc.f32 v7  }
0x9f: {  	[tilespmem:v3+s7+$0x0] =	vst.idx.add.s32.msk vm1, v1;
	v3 =	vcvt.f32.s32 v4  }
0xa0: {  	v4 =	vld [tilespmem:s26+$0x60];
	v7 =	vmul.f32 $8.192000000e+03, v6  }
0xa1: {  	vm1 =	vgt.f32 v5, $0.0e+00;
	vm0 =	vlt.s32 v3, $0x1FFF  }
0xa2: {  	v5 =	vtrunc.f32 v7;
	v3 =	vnsel vm0, $0x1FFF, v3  }
0xa3: {  	v5 =	vcvt.f32.s32 v5;
	[tilespmem:v2+s7+$0x0] =	vst.idx.add.s32.msk vm2, v1  }
0xa4: {  	v2 =	vld [tilespmem:s16+$0x20]  }
0xa5: {  	s23 =	simm.s32 $0x0;
	vm0 =	vgt.f32 v6, $0.0e+00;
	v6 =	vmul.f32 $8.192000000e+03, v4;
	vm2 =	vlt.s32 v5, $0x1FFF  }
0xa6: {  	s24 =	simm.s32 $0x200;
	s13 =	smul.u32 $0x3000, s23;
	v5 =	vnsel vm2, $0x1FFF, v5  }
0xa7: {  	s12 =	sand.u32 $0x300, s24;
	v6 =	vtrunc.f32 v6;
	[tilespmem:v3+s7+$0x0] =	vst.idx.add.s32.msk vm1, v1  }
0xa8: {  	s14 =	sshra.s32 s13, $0x2;
	s13 =	sor.u32 $0x80, s12;
	v3 =	vcvt.f32.s32 v6;
	v6 =	vld [tilespmem:s17+$0x50]  }
0xa9: {  	s24 =	sor.u32 s13, s14;
	v7 =	vmul.f32 $8.192000000e+03, v2  }
0xaa: {  	vm1 =	vgt.f32 v4, $0.0e+00;
	v4 =	vld [tilespmem:s24+$0x0];
	vm2 =	vlt.s32 v3, $0x1FFF  }
0xab: {  	v3 =	vnsel vm2, $0x1FFF, v3;
	[tilespmem:v5+s7+$0x0] =	vst.idx.add.s32.msk vm0, v1;
	v5 =	vtrunc.f32 v7  }
0xac: {  	v7 =	vld [tilespmem:s20+$0x20];
	v5 =	vcvt.f32.s32 v5  }
0xad: {  	v8 =	vmul.f32 $8.192000000e+03, v6  }
0xae: {  	vm2 =	vgt.f32 v2, $0.0e+00;
	vm0 =	vlt.s32 v5, $0x1FFF  }
0xaf: {  	v2 =	vnsel vm0, $0x1FFF, v5;
	v5 =	vtrunc.f32 v8;
	v8 =	vmul.f32 $8.192000000e+03, v4  }
0xb0: {  	[tilespmem:v3+s7+$0x0] =	vst.idx.add.s32.msk vm1, v1;
	v3 =	vcvt.f32.s32 v5  }
0xb1: {  	v5 =	vmul.f32 $8.192000000e+03, v7;
	v9 =	vld [tilespmem:s26+$0x70];
	v8 =	vtrunc.f32 v8  }
0xb2: {  	vm1 =	vgt.f32 v6, $0.0e+00;
	vm0 =	vlt.s32 v3, $0x1FFF;
	v6 =	vcvt.f32.s32 v8  }
0xb3: {  	v5 =	vtrunc.f32 v5;
	v3 =	vnsel vm0, $0x1FFF, v3  }
0xb4: {  	v5 =	vcvt.f32.s32 v5;
	vm0 =	vgt.f32 v4, $0.0e+00;
	[tilespmem:v2+s7+$0x0] =	vst.idx.add.s32.msk vm2, v1;
	vm2 =	vlt.s32 v6, $0x1FFF  }
0xb5: {  	v2 =	vld [tilespmem:s16+$0x30];
	v4 =	vnsel vm2, $0x1FFF, v6  }
0xb6: {  	vm2 =	vgt.f32 v7, $0.0e+00;
	v6 =	vmul.f32 $8.192000000e+03, v9;
	vm3 =	vlt.s32 v5, $0x1FFF  }
0xb7: {  	v5 =	vnsel vm3, $0x1FFF, v5  }
0xb8: {  	v6 =	vtrunc.f32 v6;
	[tilespmem:v3+s7+$0x0] =	vst.idx.add.s32.msk vm1, v1  }
0xb9: {  	v3 =	vcvt.f32.s32 v6;
	v6 =	vld [tilespmem:s17+$0x60]  }
0xba: {  	v7 =	vmul.f32 $8.192000000e+03, v2;
	[tilespmem:v4+s7+$0x0] =	vst.idx.add.s32.msk vm0, v1  }
0xbb: {  	vm0 =	vgt.f32 v9, $0.0e+00;
	vm1 =	vlt.s32 v3, $0x1FFF;
	v4 =	vld [tilespmem:s24+$0x10]  }
0xbc: {  	[tilespmem:v5+s7+$0x0] =	vst.idx.add.s32.msk vm2, v1;
	v3 =	vnsel vm1, $0x1FFF, v3;
	v5 =	vtrunc.f32 v7  }
0xbd: {  	v7 =	vld [tilespmem:s20+$0x30];
	v5 =	vcvt.f32.s32 v5  }
0xbe: {  	v8 =	vmul.f32 $8.192000000e+03, v6  }
0xbf: {  	vm2 =	vgt.f32 v2, $0.0e+00;
	vm1 =	vlt.s32 v5, $0x1FFF  }
0xc0: {  	v2 =	vnsel vm1, $0x1FFF, v5;
	v5 =	vtrunc.f32 v8;
	v8 =	vmul.f32 $8.192000000e+03, v4  }
0xc1: {  	s8 =	sor.u32 s15, s19;
	[tilespmem:v3+s7+$0x0] =	vst.idx.add.s32.msk vm0, v1;
	v3 =	vcvt.f32.s32 v5  }
0xc2: {  	v5 =	vmul.f32 $8.192000000e+03, v7;
	v9 =	vld [tilespmem:s8+$0x0];
	v8 =	vtrunc.f32 v8  }
0xc3: {  	vm1 =	vgt.f32 v6, $0.0e+00;
	vm0 =	vlt.s32 v3, $0x1FFF;
	v6 =	vcvt.f32.s32 v8  }
0xc4: {  	v5 =	vtrunc.f32 v5;
	v3 =	vnsel vm0, $0x1FFF, v3  }
0xc5: {  	v5 =	vcvt.f32.s32 v5;
	[tilespmem:v2+s7+$0x0] =	vst.idx.add.s32.msk vm2, v1;
	vm0 =	vlt.s32 v6, $0x1FFF;
	vm2 =	vgt.f32 v4, $0.0e+00  }
0xc6: {  	v2 =	vld [tilespmem:s16+$0x40];
	v4 =	vnsel vm0, $0x1FFF, v6  }
0xc7: {  	vm0 =	vgt.f32 v7, $0.0e+00;
	v6 =	vmul.f32 $8.192000000e+03, v9;
	vm3 =	vlt.s32 v5, $0x1FFF  }
0xc8: {  	v5 =	vnsel vm3, $0x1FFF, v5  }
0xc9: {  	v6 =	vtrunc.f32 v6;
	[tilespmem:v3+s7+$0x0] =	vst.idx.add.s32.msk vm1, v1  }
0xca: {  	v3 =	vcvt.f32.s32 v6;
	v6 =	vld [tilespmem:s17+$0x70]  }
0xcb: {  	v7 =	vmul.f32 $8.192000000e+03, v2;
	[tilespmem:v4+s7+$0x0] =	vst.idx.add.s32.msk vm2, v1  }
0xcc: {  	vm1 =	vgt.f32 v9, $0.0e+00;
	vm2 =	vlt.s32 v3, $0x1FFF;
	v4 =	vld [tilespmem:s24+$0x20]  }
0xcd: {  	[tilespmem:v5+s7+$0x0] =	vst.idx.add.s32.msk vm0, v1;
	v3 =	vnsel vm2, $0x1FFF, v3;
	v5 =	vtrunc.f32 v7  }
0xce: {  	v7 =	vld [tilespmem:s20+$0x40];
	v5 =	vcvt.f32.s32 v5  }
0xcf: {  	v8 =	vmul.f32 $8.192000000e+03, v6  }
0xd0: {  	vm2 =	vgt.f32 v2, $0.0e+00;
	vm0 =	vlt.s32 v5, $0x1FFF  }
0xd1: {  	v2 =	vnsel vm0, $0x1FFF, v5;
	v5 =	vtrunc.f32 v8;
	v8 =	vmul.f32 $8.192000000e+03, v4  }
0xd2: {  	[tilespmem:v3+s7+$0x0] =	vst.idx.add.s32.msk vm1, v1;
	v3 =	vcvt.f32.s32 v5  }
0xd3: {  	v5 =	vmul.f32 $8.192000000e+03, v7;
	v9 =	vld [tilespmem:s8+$0x10];
	v8 =	vtrunc.f32 v8  }
0xd4: {  	s19 =	sor.u32 s12, s14;
	vm1 =	vgt.f32 v6, $0.0e+00;
	vm0 =	vlt.s32 v3, $0x1FFF;
	v6 =	vcvt.f32.s32 v8  }
0xd5: {  	v5 =	vtrunc.f32 v5;
	v8 =	vld [tilespmem:s19+$0x0];
	v3 =	vnsel vm0, $0x1FFF, v3  }
0xd6: {  	v5 =	vcvt.f32.s32 v5;
	[tilespmem:v2+s7+$0x0] =	vst.idx.add.s32.msk vm2, v1;
	vm0 =	vlt.s32 v6, $0x1FFF;
	vm2 =	vgt.f32 v4, $0.0e+00  }
0xd7: {  	v2 =	vld [tilespmem:s16+$0x50];
	v4 =	vnsel vm0, $0x1FFF, v6  }
0xd8: {  	vm0 =	vgt.f32 v7, $0.0e+00;
	vm3 =	vlt.s32 v5, $0x1FFF;
	v6 =	vmul.f32 $8.192000000e+03, v9  }
0xd9: {  	s22 =	sadd.s32 $0x400, s21;
	v5 =	vnsel vm3, $0x1FFF, v5  }
0xda: {  	s23 =	sor.u32 s18, s22;
	v6 =	vtrunc.f32 v6;
	v7 =	vmul.f32 $8.192000000e+03, v8;
	[tilespmem:v3+s7+$0x0] =	vst.idx.add.s32.msk vm1, v1  }
0xdb: {  	v3 =	vcvt.f32.s32 v6;
	v6 =	vld [tilespmem:s23+$0x0]  }
0xdc: {  	v7 =	vtrunc.f32 v7;
	v10 =	vmul.f32 $8.192000000e+03, v2;
	[tilespmem:v4+s7+$0x0] =	vst.idx.add.s32.msk vm2, v1  }
0xdd: {  	vm1 =	vgt.f32 v9, $0.0e+00;
	vm2 =	vlt.s32 v3, $0x1FFF;
	v4 =	vcvt.f32.s32 v7;
	v7 =	vld [tilespmem:s24+$0x30]  }
0xde: {  	[tilespmem:v5+s7+$0x0] =	vst.idx.add.s32.msk vm0, v1;
	v3 =	vnsel vm2, $0x1FFF, v3;
	v5 =	vtrunc.f32 v10  }
0xdf: {  	vm0 =	vgt.f32 v8, $0.0e+00;
	v8 =	vld [tilespmem:s20+$0x50];
	vm2 =	vlt.s32 v4, $0x1FFF;
	v5 =	vcvt.f32.s32 v5  }
0xe0: {  	v4 =	vnsel vm2, $0x1FFF, v4;
	v9 =	vmul.f32 $8.192000000e+03, v6  }
0xe1: {  	vm3 =	vgt.f32 v2, $0.0e+00;
	vm2 =	vlt.s32 v5, $0x1FFF  }
0xe2: {  	v2 =	vnsel vm2, $0x1FFF, v5;
	v5 =	vtrunc.f32 v9;
	v9 =	vmul.f32 $8.192000000e+03, v7  }
0xe3: {  	[tilespmem:v3+s7+$0x0] =	vst.idx.add.s32.msk vm1, v1;
	v3 =	vcvt.f32.s32 v5  }
0xe4: {  	v5 =	vld [tilespmem:s8+$0x20];
	v10 =	vmul.f32 $8.192000000e+03, v8;
	v9 =	vtrunc.f32 v9  }
0xe5: {  	vm1 =	vgt.f32 v6, $0.0e+00;
	[tilespmem:v4+s7+$0x0] =	vst.idx.add.s32.msk vm0, v1;
	vm0 =	vlt.s32 v3, $0x1FFF;
	v4 =	vcvt.f32.s32 v9  }
0xe6: {  	v6 =	vtrunc.f32 v10;
	v9 =	vld [tilespmem:s19+$0x10];
	v3 =	vnsel vm0, $0x1FFF, v3  }
0xe7: {  	vm2 =	vgt.f32 v7, $0.0e+00;
	v6 =	vcvt.f32.s32 v6;
	[tilespmem:v2+s7+$0x0] =	vst.idx.add.s32.msk vm3, v1;
	vm0 =	vlt.s32 v4, $0x1FFF  }
0xe8: {  	v2 =	vld [tilespmem:s16+$0x60];
	v4 =	vnsel vm0, $0x1FFF, v4  }
0xe9: {  	vm0 =	vgt.f32 v8, $0.0e+00;
	v7 =	vmul.f32 $8.192000000e+03, v5;
	vm3 =	vlt.s32 v6, $0x1FFF  }
0xea: {  	v6 =	vnsel vm3, $0x1FFF, v6  }
0xeb: {  	v7 =	vtrunc.f32 v7;
	v8 =	vmul.f32 $8.192000000e+03, v9;
	[tilespmem:v3+s7+$0x0] =	vst.idx.add.s32.msk vm1, v1  }
0xec: {  	v3 =	vcvt.f32.s32 v7;
	v7 =	vld [tilespmem:s23+$0x10]  }
0xed: {  	v8 =	vtrunc.f32 v8;
	v10 =	vmul.f32 $8.192000000e+03, v2;
	[tilespmem:v4+s7+$0x0] =	vst.idx.add.s32.msk vm2, v1  }
0xee: {  	vm1 =	vgt.f32 v5, $0.0e+00;
	vm2 =	vlt.s32 v3, $0x1FFF;
	v4 =	vcvt.f32.s32 v8;
	v5 =	vld [tilespmem:s24+$0x40]  }
0xef: {  	v3 =	vnsel vm2, $0x1FFF, v3;
	[tilespmem:v6+s7+$0x0] =	vst.idx.add.s32.msk vm0, v1;
	v6 =	vtrunc.f32 v10  }
0xf0: {  	vm0 =	vgt.f32 v9, $0.0e+00;
	v8 =	vld [tilespmem:s20+$0x60];
	vm2 =	vlt.s32 v4, $0x1FFF;
	v6 =	vcvt.f32.s32 v6  }
0xf1: {  	v4 =	vnsel vm2, $0x1FFF, v4;
	v9 =	vmul.f32 $8.192000000e+03, v7  }
0xf2: {  	vm3 =	vgt.f32 v2, $0.0e+00;
	vm2 =	vlt.s32 v6, $0x1FFF  }
0xf3: {  	v2 =	vnsel vm2, $0x1FFF, v6;
	v6 =	vtrunc.f32 v9;
	v9 =	vmul.f32 $8.192000000e+03, v5  }
0xf4: {  	[tilespmem:v3+s7+$0x0] =	vst.idx.add.s32.msk vm1, v1;
	v3 =	vcvt.f32.s32 v6  }
0xf5: {  	v6 =	vld [tilespmem:s8+$0x30];
	v10 =	vmul.f32 $8.192000000e+03, v8;
	v9 =	vtrunc.f32 v9  }
0xf6: {  	vm1 =	vgt.f32 v7, $0.0e+00;
	[tilespmem:v4+s7+$0x0] =	vst.idx.add.s32.msk vm0, v1;
	vm0 =	vlt.s32 v3, $0x1FFF;
	v4 =	vcvt.f32.s32 v9  }
0xf7: {  	v7 =	vtrunc.f32 v10;
	v9 =	vld [tilespmem:s19+$0x20];
	v3 =	vnsel vm0, $0x1FFF, v3  }
0xf8: {  	vm2 =	vgt.f32 v5, $0.0e+00;
	v7 =	vcvt.f32.s32 v7;
	[tilespmem:v2+s7+$0x0] =	vst.idx.add.s32.msk vm3, v1;
	vm0 =	vlt.s32 v4, $0x1FFF  }
0xf9: {  	v2 =	vld [tilespmem:s16+$0x70];
	v4 =	vnsel vm0, $0x1FFF, v4  }
0xfa: {  	vm0 =	vgt.f32 v8, $0.0e+00;
	v5 =	vmul.f32 $8.192000000e+03, v6;
	vm3 =	vlt.s32 v7, $0x1FFF  }
0xfb: {  	v7 =	vnsel vm3, $0x1FFF, v7  }
0xfc: {  	v5 =	vtrunc.f32 v5;
	v8 =	vmul.f32 $8.192000000e+03, v9;
	[tilespmem:v3+s7+$0x0] =	vst.idx.add.s32.msk vm1, v1  }
0xfd: {  	v3 =	vcvt.f32.s32 v5;
	v5 =	vld [tilespmem:s23+$0x20]  }
0xfe: {  	v8 =	vtrunc.f32 v8;
	v10 =	vmul.f32 $8.192000000e+03, v2;
	[tilespmem:v4+s7+$0x0] =	vst.idx.add.s32.msk vm2, v1  }
0xff: {  	vm1 =	vgt.f32 v6, $0.0e+00;
	vm2 =	vlt.s32 v3, $0x1FFF;
	v4 =	vcvt.f32.s32 v8;
	v6 =	vld [tilespmem:s24+$0x50]  }
0x100: {  	[tilespmem:v7+s7+$0x0] =	vst.idx.add.s32.msk vm0, v1;
	v3 =	vnsel vm2, $0x1FFF, v3;
	v7 =	vtrunc.f32 v10  }
0x101: {  	vm0 =	vgt.f32 v9, $0.0e+00;
	v8 =	vld [tilespmem:s20+$0x70];
	vm2 =	vlt.s32 v4, $0x1FFF;
	v7 =	vcvt.f32.s32 v7  }
0x102: {  	v4 =	vnsel vm2, $0x1FFF, v4;
	v9 =	vmul.f32 $8.192000000e+03, v5  }
0x103: {  	vm3 =	vgt.f32 v2, $0.0e+00;
	vm2 =	vlt.s32 v7, $0x1FFF  }
0x104: {  	v2 =	vnsel vm2, $0x1FFF, v7;
	v7 =	vtrunc.f32 v9;
	v9 =	vmul.f32 $8.192000000e+03, v6  }
0x105: {  	[tilespmem:v3+s7+$0x0] =	vst.idx.add.s32.msk vm1, v1;
	v3 =	vcvt.f32.s32 v7  }
0x106: {  	v7 =	vmul.f32 $8.192000000e+03, v8;
	v10 =	vld [tilespmem:s8+$0x40];
	v9 =	vtrunc.f32 v9  }
0x107: {  	s25 =	simm.s32 $0x0;
	vm1 =	vgt.f32 v5, $0.0e+00;
	[tilespmem:v4+s7+$0x0] =	vst.idx.add.s32.msk vm0, v1;
	vm0 =	vlt.s32 v3, $0x1FFF;
	v4 =	vcvt.f32.s32 v9  }
0x108: {  	s9 =	sadd.s32 $0x800, s1;
	s26 =	smul.u32 $0x3000, s25;
	s20 =	simm.s32 $0x300;
	v5 =	vtrunc.f32 v7;
	v7 =	vld [tilespmem:s19+$0x30];
	v3 =	vnsel vm0, $0x1FFF, v3  }
0x109: {  	s0 =	sor.u32 s0, s9;
	s17 =	sand.u32 $0x300, s20;
	vm2 =	vgt.f32 v6, $0.0e+00;
	v5 =	vcvt.f32.s32 v5;
	[tilespmem:v2+s7+$0x0] =	vst.idx.add.s32.msk vm3, v1;
	vm0 =	vlt.s32 v4, $0x1FFF  }
0x10a: {  	s20 =	sshra.s32 s26, $0x2;
	s16 =	sor.u32 $0x80, s17;
	v2 =	vld [tilespmem:s0+$0x0];
	v4 =	vnsel vm0, $0x1FFF, v4  }
0x10b: {  	s29 =	sor.u32 s16, s20;
	vm0 =	vgt.f32 v8, $0.0e+00;
	vm3 =	vlt.s32 v5, $0x1FFF;
	v6 =	vmul.f32 $8.192000000e+03, v10  }
0x10c: {  	v8 =	vld [tilespmem:s29+$0x0];
	v5 =	vnsel vm3, $0x1FFF, v5  }
0x10d: {  	v6 =	vtrunc.f32 v6;
	v9 =	vmul.f32 $8.192000000e+03, v7;
	[tilespmem:v3+s7+$0x0] =	vst.idx.add.s32.msk vm1, v1  }
0x10e: {  	v3 =	vcvt.f32.s32 v6;
	v6 =	vld [tilespmem:s23+$0x30]  }
0x10f: {  	v9 =	vtrunc.f32 v9;
	v11 =	vmul.f32 $8.192000000e+03, v2;
	[tilespmem:v4+s7+$0x0] =	vst.idx.add.s32.msk vm2, v1  }
0x110: {  	vm1 =	vgt.f32 v10, $0.0e+00;
	vm2 =	vlt.s32 v3, $0x1FFF;
	v4 =	vcvt.f32.s32 v9;
	v9 =	vld [tilespmem:s24+$0x60]  }
0x111: {  	s22 =	sor.u32 s11, s22;
	v10 =	vmul.f32 $8.192000000e+03, v8;
	[tilespmem:v5+s7+$0x0] =	vst.idx.add.s32.msk vm0, v1;
	v3 =	vnsel vm2, $0x1FFF, v3;
	v5 =	vtrunc.f32 v11  }
0x112: {  	vm0 =	vgt.f32 v7, $0.0e+00;
	v7 =	vld [tilespmem:s22+$0x0];
	vm2 =	vlt.s32 v4, $0x1FFF;
	v5 =	vcvt.f32.s32 v5  }
0x113: {  	v10 =	vtrunc.f32 v10;
	v4 =	vnsel vm2, $0x1FFF, v4;
	v11 =	vmul.f32 $8.192000000e+03, v6  }
0x114: {  	vm3 =	vgt.f32 v2, $0.0e+00;
	v2 =	vcvt.f32.s32 v10;
	vm2 =	vlt.s32 v5, $0x1FFF  }
0x115: {  	v5 =	vnsel vm2, $0x1FFF, v5;
	v10 =	vtrunc.f32 v11;
	v11 =	vmul.f32 $8.192000000e+03, v9  }
0x116: {  	[tilespmem:v3+s7+$0x0] =	vst.idx.add.s32.msk vm1, v1;
	vm1 =	vgt.f32 v8, $0.0e+00;
	vm2 =	vlt.s32 v2, $0x1FFF;
	v3 =	vcvt.f32.s32 v10  }
0x117: {  	v8 =	vmul.f32 $8.192000000e+03, v7;
	v10 =	vld [tilespmem:s8+$0x50];
	v2 =	vnsel vm2, $0x1FFF, v2;
	v11 =	vtrunc.f32 v11  }
0x118: {  	vm2 =	vgt.f32 v6, $0.0e+00;
	[tilespmem:v4+s7+$0x0] =	vst.idx.add.s32.msk vm0, v1;
	vm0 =	vlt.s32 v3, $0x1FFF;
	v4 =	vcvt.f32.s32 v11  }
0x119: {  	v6 =	vtrunc.f32 v8;
	v8 =	vld [tilespmem:s19+$0x40];
	v3 =	vnsel vm0, $0x1FFF, v3  }
0x11a: {  	v6 =	vcvt.f32.s32 v6;
	[tilespmem:v5+s7+$0x0] =	vst.idx.add.s32.msk vm3, v1;
	vm0 =	vlt.s32 v4, $0x1FFF;
	vm3 =	vgt.f32 v9, $0.0e+00  }
0x11b: {  	v5 =	vld [tilespmem:s0+$0x10];
	v4 =	vnsel vm0, $0x1FFF, v4  }
0x11c: {  	vm0 =	vgt.f32 v7, $0.0e+00;
	vm4 =	vlt.s32 v6, $0x1FFF;
	[tilespmem:v2+s7+$0x0] =	vst.idx.add.s32.msk vm1, v1  }
0x11d: {  	v2 =	vnsel vm4, $0x1FFF, v6;
	v6 =	vld [tilespmem:s29+$0x10]  }
0x11e: {  	v7 =	vmul.f32 $8.192000000e+03, v8;
	[tilespmem:v3+s7+$0x0] =	vst.idx.add.s32.msk vm2, v1  }
0x11f: {  	v3 =	vld [tilespmem:s23+$0x40]  }
0x120: {  	v7 =	vtrunc.f32 v7;
	v9 =	vmul.f32 $8.192000000e+03, v5;
	[tilespmem:v4+s7+$0x0] =	vst.idx.add.s32.msk vm3, v1  }
0x121: {  	v4 =	vmul.f32 $8.192000000e+03, v10;
	v7 =	vcvt.f32.s32 v7;
	v11 =	vld [tilespmem:s24+$0x70]  }
0x122: {  	[tilespmem:v2+s7+$0x0] =	vst.idx.add.s32.msk vm0, v1;
	v2 =	vtrunc.f32 v9;
	v9 =	vmul.f32 $8.192000000e+03, v6  }
0x123: {  	vm0 =	vgt.f32 v8, $0.0e+00;
	v8 =	vld [tilespmem:s22+$0x10];
	vm1 =	vlt.s32 v7, $0x1FFF;
	v2 =	vcvt.f32.s32 v2  }
0x124: {  	v7 =	vnsel vm1, $0x1FFF, v7;
	v12 =	vmul.f32 $8.192000000e+03, v3;
	v9 =	vtrunc.f32 v9  }
0x125: {  	vm2 =	vgt.f32 v5, $0.0e+00;
	vm1 =	vlt.s32 v2, $0x1FFF;
	v5 =	vcvt.f32.s32 v9  }
0x126: {  	v2 =	vnsel vm1, $0x1FFF, v2;
	v9 =	vtrunc.f32 v12;
	v12 =	vmul.f32 $8.192000000e+03, v11  }
0x127: {  	s26 =	sor.u32 s17, s20;
	vm3 =	vgt.f32 v6, $0.0e+00;
	v9 =	vcvt.f32.s32 v9;
	vm1 =	vlt.s32 v5, $0x1FFF  }
0x128: {  	v13 =	vld [tilespmem:s26+$0x0];
	v6 =	vmul.f32 $8.192000000e+03, v8;
	v5 =	vnsel vm1, $0x1FFF, v5;
	v12 =	vtrunc.f32 v12  }
0x129: {  	[tilespmem:v7+s7+$0x0] =	vst.idx.add.s32.msk vm0, v1;
	vm1 =	vgt.f32 v3, $0.0e+00;
	vm0 =	vlt.s32 v9, $0x1FFF;
	v3 =	vcvt.f32.s32 v12  }
0x12a: {  	v4 =	vtrunc.f32 v4;
	v6 =	vtrunc.f32 v6;
	v7 =	vld [tilespmem:s19+$0x50];
	v9 =	vnsel vm0, $0x1FFF, v9  }
0x12b: {  	v6 =	vcvt.f32.s32 v6;
	[tilespmem:v2+s7+$0x0] =	vst.idx.add.s32.msk vm2, v1;
	vm0 =	vlt.s32 v3, $0x1FFF;
	vm2 =	vgt.f32 v11, $0.0e+00  }
0x12c: {  	v2 =	vcvt.f32.s32 v4;
	v4 =	vld [tilespmem:s0+$0x20];
	v3 =	vnsel vm0, $0x1FFF, v3  }
0x12d: {  	vm0 =	vgt.f32 v8, $0.0e+00;
	vm4 =	vlt.s32 v6, $0x1FFF;
	v8 =	vmul.f32 $8.192000000e+03, v13;
	[tilespmem:v5+s7+$0x0] =	vst.idx.add.s32.msk vm3, v1  }
0x12e: {  	vm3 =	vgt.f32 v10, $0.0e+00;
	v5 =	vnsel vm4, $0x1FFF, v6;
	v6 =	vld [tilespmem:s29+$0x20]  }
0x12f: {  	vm4 =	vlt.s32 v2, $0x1FFF;
	v8 =	vtrunc.f32 v8;
	v10 =	vmul.f32 $8.192000000e+03, v7;
	[tilespmem:v9+s7+$0x0] =	vst.idx.add.s32.msk vm1, v1  }
0x130: {  	s25 =	sadd.s32 $0x400, s14;
	v2 =	vnsel vm4, $0x1FFF, v2;
	v8 =	vcvt.f32.s32 v8;
	v9 =	vld [tilespmem:s23+$0x50]  }
0x131: {  	s1 =	sor.u32 s13, s25;
	v10 =	vtrunc.f32 v10;
	v11 =	vmul.f32 $8.192000000e+03, v4;
	[tilespmem:v3+s7+$0x0] =	vst.idx.add.s32.msk vm2, v1  }
0x132: {  	vm1 =	vgt.f32 v13, $0.0e+00;
	vm2 =	vlt.s32 v8, $0x1FFF;
	v3 =	vcvt.f32.s32 v10;
	v10 =	vld [tilespmem:s1+$0x0]  }
0x133: {  	[tilespmem:v5+s7+$0x0] =	vst.idx.add.s32.msk vm0, v1;
	v5 =	vnsel vm2, $0x1FFF, v8;
	v8 =	vtrunc.f32 v11;
	v11 =	vmul.f32 $8.192000000e+03, v6  }
0x134: {  	vm0 =	vgt.f32 v7, $0.0e+00;
	v12 =	vld [tilespmem:s22+$0x20];
	vm2 =	vlt.s32 v3, $0x1FFF;
	v7 =	vcvt.f32.s32 v8  }
0x135: {  	[tilespmem:v2+s7+$0x0] =	vst.idx.add.s32.msk vm3, v1;
	v2 =	vnsel vm2, $0x1FFF, v3;
	v3 =	vmul.f32 $8.192000000e+03, v9;
	v8 =	vtrunc.f32 v11  }
0x136: {  	vm3 =	vgt.f32 v4, $0.0e+00;
	v11 =	vld [tilespmem:s8+$0x60];
	vm2 =	vlt.s32 v7, $0x1FFF;
	v4 =	vcvt.f32.s32 v8  }
0x137: {  	v7 =	vnsel vm2, $0x1FFF, v7;
	v3 =	vtrunc.f32 v3;
	v8 =	vmul.f32 $8.192000000e+03, v10  }
0x138: {  	[tilespmem:v5+s7+$0x0] =	vst.idx.add.s32.msk vm1, v1;
	vm2 =	vgt.f32 v6, $0.0e+00;
	v3 =	vcvt.f32.s32 v3;
	vm1 =	vlt.s32 v4, $0x1FFF  }
0x139: {  	v5 =	vmul.f32 $8.192000000e+03, v12;
	v6 =	vld [tilespmem:s26+$0x10];
	v4 =	vnsel vm1, $0x1FFF, v4;
	v8 =	vtrunc.f32 v8  }
0x13a: {  	[tilespmem:v2+s7+$0x0] =	vst.idx.add.s32.msk vm0, v1;
	vm1 =	vgt.f32 v9, $0.0e+00;
	vm0 =	vlt.s32 v3, $0x1FFF;
	v2 =	vcvt.f32.s32 v8  }
0x13b: {  	v8 =	vmul.f32 $8.192000000e+03, v11;
	v9 =	vld [tilespmem:s19+$0x60];
	v3 =	vnsel vm0, $0x1FFF, v3  }
0x13c: {  	v5 =	vtrunc.f32 v5;
	[tilespmem:v7+s7+$0x0] =	vst.idx.add.s32.msk vm3, v1;
	vm0 =	vlt.s32 v2, $0x1FFF;
	vm3 =	vgt.f32 v10, $0.0e+00  }
0x13d: {  	v5 =	vcvt.f32.s32 v5;
	v7 =	vld [tilespmem:s0+$0x30];
	v2 =	vnsel vm0, $0x1FFF, v2  }
0x13e: {  	v8 =	vtrunc.f32 v8;
	v10 =	vmul.f32 $8.192000000e+03, v6;
	[tilespmem:v4+s7+$0x0] =	vst.idx.add.s32.msk vm2, v1  }
0x13f: {  	vm0 =	vgt.f32 v12, $0.0e+00;
	v4 =	vcvt.f32.s32 v8;
	vm2 =	vlt.s32 v5, $0x1FFF;
	v8 =	vld [tilespmem:s29+$0x30]  }
0x140: {  	v5 =	vnsel vm2, $0x1FFF, v5;
	v10 =	vtrunc.f32 v10;
	v12 =	vmul.f32 $8.192000000e+03, v9;
	[tilespmem:v3+s7+$0x0] =	vst.idx.add.s32.msk vm1, v1  }
0x141: {  	vm1 =	vgt.f32 v11, $0.0e+00;
	vm2 =	vlt.s32 v4, $0x1FFF;
	v3 =	vcvt.f32.s32 v10;
	v10 =	vld [tilespmem:s23+$0x60]  }
0x142: {  	v4 =	vnsel vm2, $0x1FFF, v4;
	v11 =	vtrunc.f32 v12;
	v12 =	vmul.f32 $8.192000000e+03, v7;
	[tilespmem:v2+s7+$0x0] =	vst.idx.add.s32.msk vm3, v1  }
0x143: {  	vm2 =	vgt.f32 v6, $0.0e+00;
	vm3 =	vlt.s32 v3, $0x1FFF;
	v2 =	vcvt.f32.s32 v11;
	v6 =	vld [tilespmem:s1+$0x10]  }
0x144: {  	v3 =	vnsel vm3, $0x1FFF, v3;
	v11 =	vtrunc.f32 v12;
	v12 =	vmul.f32 $8.192000000e+03, v8  }
0x145: {  	[tilespmem:v5+s7+$0x0] =	vst.idx.add.s32.msk vm0, v1;
	vm0 =	vgt.f32 v9, $0.0e+00;
	vm3 =	vlt.s32 v2, $0x1FFF;
	v5 =	vcvt.f32.s32 v11  }
0x146: {  	v9 =	vld [tilespmem:s22+$0x30];
	v2 =	vnsel vm3, $0x1FFF, v2;
	v11 =	vmul.f32 $8.192000000e+03, v10;
	v12 =	vtrunc.f32 v12  }
0x147: {  	vm3 =	vgt.f32 v7, $0.0e+00;
	[tilespmem:v4+s7+$0x0] =	vst.idx.add.s32.msk vm1, v1;
	vm1 =	vlt.s32 v5, $0x1FFF;
	v4 =	vcvt.f32.s32 v12  }
0x148: {  	v7 =	vld [tilespmem:s8+$0x70];
	v5 =	vnsel vm1, $0x1FFF, v5;
	v11 =	vtrunc.f32 v11;
	v12 =	vmul.f32 $8.192000000e+03, v6  }
0x149: {  	[tilespmem:v3+s7+$0x0] =	vst.idx.add.s32.msk vm2, v1;
	vm2 =	vgt.f32 v8, $0.0e+00;
	v3 =	vcvt.f32.s32 v11;
	vm1 =	vlt.s32 v4, $0x1FFF  }
0x14a: {  	v8 =	vld [tilespmem:s26+$0x20];
	v4 =	vnsel vm1, $0x1FFF, v4;
	v11 =	vtrunc.f32 v12  }
0x14b: {  	[tilespmem:v2+s7+$0x0] =	vst.idx.add.s32.msk vm0, v1;
	vm1 =	vgt.f32 v10, $0.0e+00;
	vm0 =	vlt.s32 v3, $0x1FFF;
	v2 =	vcvt.f32.s32 v11  }
0x14c: {  	v10 =	vmul.f32 $8.192000000e+03, v9;
	v11 =	vld [tilespmem:s19+$0x70];
	v3 =	vnsel vm0, $0x1FFF, v3  }
0x14d: {  	[tilespmem:v5+s7+$0x0] =	vst.idx.add.s32.msk vm3, v1;
	vm0 =	vlt.s32 v2, $0x1FFF;
	vm3 =	vgt.f32 v6, $0.0e+00  }
0x14e: {  	v5 =	vtrunc.f32 v10;
	v6 =	vmul.f32 $8.192000000e+03, v7;
	v10 =	vld [tilespmem:s0+$0x40];
	v2 =	vnsel vm0, $0x1FFF, v2  }
0x14f: {  	v5 =	vcvt.f32.s32 v5;
	[tilespmem:v4+s7+$0x0] =	vst.idx.add.s32.msk vm2, v1  }
0x150: {  	v4 =	vtrunc.f32 v6;
	v6 =	vmul.f32 $8.192000000e+03, v8;
	v12 =	vld [tilespmem:s29+$0x40]  }
0x151: {  	vm0 =	vgt.f32 v9, $0.0e+00;
	vm2 =	vlt.s32 v5, $0x1FFF;
	v4 =	vcvt.f32.s32 v4;
	[tilespmem:v3+s7+$0x0] =	vst.idx.add.s32.msk vm1, v1  }
0x152: {  	vm1 =	vgt.f32 v7, $0.0e+00;
	v3 =	vnsel vm2, $0x1FFF, v5;
	v5 =	vtrunc.f32 v6;
	v6 =	vld [tilespmem:s23+$0x70]  }
0x153: {  	vm2 =	vlt.s32 v4, $0x1FFF;
	v5 =	vcvt.f32.s32 v5;
	v7 =	vmul.f32 $8.192000000e+03, v10;
	[tilespmem:v2+s7+$0x0] =	vst.idx.add.s32.msk vm3, v1  }
0x154: {  	vm3 =	vgt.f32 v8, $0.0e+00;
	v2 =	vnsel vm2, $0x1FFF, v4;
	v4 =	vld [tilespmem:s1+$0x20]  }
0x155: {  	vm2 =	vlt.s32 v5, $0x1FFF;
	v7 =	vtrunc.f32 v7;
	v8 =	vmul.f32 $8.192000000e+03, v12  }
0x156: {  	v9 =	vmul.f32 $8.192000000e+03, v11;
	v5 =	vnsel vm2, $0x1FFF, v5;
	v7 =	vcvt.f32.s32 v7  }
0x157: {  	[tilespmem:v3+s7+$0x0] =	vst.idx.add.s32.msk vm0, v1;
	v3 =	vmul.f32 $8.192000000e+03, v6;
	v8 =	vtrunc.f32 v8  }
0x158: {  	vm2 =	vgt.f32 v10, $0.0e+00;
	v13 =	vld [tilespmem:s22+$0x40];
	vm0 =	vlt.s32 v7, $0x1FFF;
	v8 =	vcvt.f32.s32 v8  }
0x159: {  	s19 =	sor.u32 s15, s9;
	[tilespmem:v2+s7+$0x0] =	vst.idx.add.s32.msk vm1, v1;
	v2 =	vnsel vm0, $0x1FFF, v7;
	v3 =	vtrunc.f32 v3;
	v7 =	vmul.f32 $8.192000000e+03, v4  }
0x15a: {  	vm1 =	vgt.f32 v12, $0.0e+00;
	v10 =	vld [tilespmem:s19+$0x0];
	v3 =	vcvt.f32.s32 v3;
	vm0 =	vlt.s32 v8, $0x1FFF  }
0x15b: {  	v9 =	vtrunc.f32 v9;
	[tilespmem:v5+s7+$0x0] =	vst.idx.add.s32.msk vm3, v1;
	v5 =	vnsel vm0, $0x1FFF, v8;
	v7 =	vtrunc.f32 v7  }
0x15c: {  	vm3 =	vgt.f32 v6, $0.0e+00;
	v8 =	vld [tilespmem:s26+$0x30];
	vm0 =	vlt.s32 v3, $0x1FFF;
	v6 =	vcvt.f32.s32 v7  }
0x15d: {  	v7 =	vcvt.f32.s32 v9;
	v3 =	vnsel vm0, $0x1FFF, v3  }
0x15e: {  	v9 =	vmul.f32 $8.192000000e+03, v13;
	[tilespmem:v2+s7+$0x0] =	vst.idx.add.s32.msk vm2, v1;
	vm0 =	vlt.s32 v6, $0x1FFF;
	vm2 =	vgt.f32 v4, $0.0e+00  }
0x15f: {  	v2 =	vld [tilespmem:s0+$0x50];
	v4 =	vnsel vm0, $0x1FFF, v6  }
0x160: {  	vm4 =	vgt.f32 v11, $0.0e+00;
	vm0 =	vlt.s32 v7, $0x1FFF;
	v6 =	vtrunc.f32 v9;
	[tilespmem:v5+s7+$0x0] =	vst.idx.add.s32.msk vm1, v1  }
0x161: {  	s15 =	sadd.s32 $0x800, s21;
	v5 =	vnsel vm0, $0x1FFF, v7;
	v7 =	vmul.f32 $8.192000000e+03, v10;
	v9 =	vmul.f32 $8.192000000e+03, v8;
	v11 =	vld [tilespmem:s29+$0x50]  }
0x162: {  	s28 =	sor.u32 s18, s15;
	vm1 =	vgt.f32 v13, $0.0e+00;
	v6 =	vcvt.f32.s32 v6;
	[tilespmem:v3+s7+$0x0] =	vst.idx.add.s32.msk vm3, v1  }
0x163: {  	vm0 =	vgt.f32 v10, $0.0e+00;
	v3 =	vtrunc.f32 v7;
	v7 =	vtrunc.f32 v9;
	v9 =	vld [tilespmem:s28+$0x0]  }
0x164: {  	vm3 =	vlt.s32 v6, $0x1FFF;
	v7 =	vcvt.f32.s32 v7;
	v10 =	vmul.f32 $8.192000000e+03, v2;
	[tilespmem:v4+s7+$0x0] =	vst.idx.add.s32.msk vm2, v1  }
0x165: {  	v3 =	vcvt.f32.s32 v3;
	vm2 =	vgt.f32 v8, $0.0e+00;
	v4 =	vnsel vm3, $0x1FFF, v6;
	v6 =	vld [tilespmem:s1+$0x30]  }
0x166: {  	s18 =	sor.u32 s12, s25;
	[tilespmem:v5+s7+$0x0] =	vst.idx.add.s32.msk vm4, v1;
	vm3 =	vlt.s32 v7, $0x1FFF;
	v5 =	vtrunc.f32 v10;
	v8 =	vmul.f32 $8.192000000e+03, v11  }
0x167: {  	vm4 =	vgt.f32 v2, $0.0e+00;
	v10 =	vld [tilespmem:s18+$0x0];
	v7 =	vnsel vm3, $0x1FFF, v7;
	v5 =	vcvt.f32.s32 v5  }
0x168: {  	s24 =	simm.s32 $0x1;
	vm3 =	vlt.s32 v3, $0x1FFF;
	v12 =	vmul.f32 $8.192000000e+03, v9;
	v8 =	vtrunc.f32 v8  }
0x169: {  	s8 =	smul.u32 $0x3000, s24;
	s25 =	simm.s32 $0x400;
	v3 =	vnsel vm3, $0x1FFF, v3;
	vm3 =	vlt.s32 v5, $0x1FFF;
	v2 =	vcvt.f32.s32 v8  }
0x16a: {  	s23 =	sand.u32 $0x300, s25;
	[tilespmem:v4+s7+$0x0] =	vst.idx.add.s32.msk vm1, v1;
	v4 =	vnsel vm3, $0x1FFF, v5;
	v5 =	vtrunc.f32 v12;
	v8 =	vmul.f32 $8.192000000e+03, v6  }
0x16b: {  	s25 =	sshra.s32 s8, $0x2;
	s24 =	sor.u32 $0x80, s23;
	v12 =	vld [tilespmem:s22+$0x50];
	vm3 =	vgt.f32 v11, $0.0e+00;
	v5 =	vcvt.f32.s32 v5;
	vm1 =	vlt.s32 v2, $0x1FFF  }
0x16c: {  	s8 =	sor.u32 s24, s25;
	v11 =	vmul.f32 $8.192000000e+03, v10;
	[tilespmem:v7+s7+$0x0] =	vst.idx.add.s32.msk vm2, v1;
	v2 =	vnsel vm1, $0x1FFF, v2;
	v7 =	vtrunc.f32 v8  }
0x16d: {  	vm2 =	vgt.f32 v9, $0.0e+00;
	v8 =	vld [tilespmem:s8+$0x0];
	vm1 =	vlt.s32 v5, $0x1FFF;
	v7 =	vcvt.f32.s32 v7  }
0x16e: {  	v9 =	vld [tilespmem:s26+$0x40];
	v5 =	vnsel vm1, $0x1FFF, v5  }
0x16f: {  	[tilespmem:v3+s7+$0x0] =	vst.idx.add.s32.msk vm0, v1;
	v11 =	vtrunc.f32 v11;
	vm1 =	vgt.f32 v6, $0.0e+00;
	vm0 =	vlt.s32 v7, $0x1FFF  }
0x170: {  	v3 =	vcvt.f32.s32 v11;
	v6 =	vmul.f32 $8.192000000e+03, v12;
	[tilespmem:v4+s7+$0x0] =	vst.idx.add.s32.msk vm4, v1;
	v4 =	vnsel vm0, $0x1FFF, v7  }
0x171: {  	vm0 =	vgt.f32 v10, $0.0e+00;
	[tilespmem:v2+s7+$0x0] =	vst.idx.add.s32.msk vm3, v1  }
0x172: {  	vm3 =	vlt.s32 v3, $0x1FFF;
	v2 =	vtrunc.f32 v6;
	v6 =	vmul.f32 $8.192000000e+03, v8;
	v7 =	vld [tilespmem:s29+$0x60]  }
0x173: {  	v3 =	vnsel vm3, $0x1FFF, v3;
	v2 =	vcvt.f32.s32 v2;
	[tilespmem:v5+s7+$0x0] =	vst.idx.add.s32.msk vm2, v1  }
0x174: {  	v5 =	vmul.f32 $8.192000000e+03, v9;
	v6 =	vtrunc.f32 v6;
	v10 =	vld [tilespmem:s28+$0x10]  }
0x175: {  	vm2 =	vgt.f32 v12, $0.0e+00;
	vm3 =	vlt.s32 v2, $0x1FFF;
	v6 =	vcvt.f32.s32 v6;
	[tilespmem:v4+s7+$0x0] =	vst.idx.add.s32.msk vm1, v1  }
0x176: {  	v4 =	vtrunc.f32 v5;
	v2 =	vnsel vm3, $0x1FFF, v2;
	v5 =	vld [tilespmem:s1+$0x40]  }
0x177: {  	v11 =	vld [tilespmem:s0+$0x60];
	vm1 =	vgt.f32 v8, $0.0e+00;
	vm3 =	vlt.s32 v6, $0x1FFF;
	v8 =	vmul.f32 $8.192000000e+03, v7  }
0x178: {  	v4 =	vcvt.f32.s32 v4;
	[tilespmem:v3+s7+$0x0] =	vst.idx.add.s32.msk vm0, v1;
	v6 =	vnsel vm3, $0x1FFF, v6  }
0x179: {  	v3 =	vld [tilespmem:s19+$0x10];
	v13 =	vmul.f32 $8.192000000e+03, v10;
	v8 =	vtrunc.f32 v8  }
0x17a: {  	vm0 =	vgt.f32 v9, $0.0e+00;
	v12 =	vld [tilespmem:s18+$0x10];
	vm3 =	vlt.s32 v4, $0x1FFF;
	v8 =	vcvt.f32.s32 v8  }
0x17b: {  	s21 =	sor.u32 s23, s25;
	v4 =	vnsel vm3, $0x1FFF, v4;
	[tilespmem:v2+s7+$0x0] =	vst.idx.add.s32.msk vm2, v1;
	v2 =	vtrunc.f32 v13;
	v9 =	vmul.f32 $8.192000000e+03, v5  }
0x17c: {  	vm3 =	vgt.f32 v7, $0.0e+00;
	v13 =	vld [tilespmem:s21+$0x0];
	v2 =	vcvt.f32.s32 v2;
	vm2 =	vlt.s32 v8, $0x1FFF  }
0x17d: {  	[tilespmem:v6+s7+$0x0] =	vst.idx.add.s32.msk vm1, v1;
	v6 =	vnsel vm2, $0x1FFF, v8;
	v7 =	vtrunc.f32 v9  }
0x17e: {  	vm2 =	vgt.f32 v10, $0.0e+00;
	v8 =	vld [tilespmem:s8+$0x10];
	vm1 =	vlt.s32 v2, $0x1FFF;
	v7 =	vcvt.f32.s32 v7  }
0x17f: {  	v9 =	vmul.f32 $8.192000000e+03, v12;
	v10 =	vld [tilespmem:s22+$0x60];
	v2 =	vnsel vm1, $0x1FFF, v2  }
0x180: {  	[tilespmem:v4+s7+$0x0] =	vst.idx.add.s32.msk vm0, v1;
	vm1 =	vgt.f32 v5, $0.0e+00;
	vm0 =	vlt.s32 v7, $0x1FFF  }
0x181: {  	v4 =	vtrunc.f32 v9;
	v9 =	vld [tilespmem:s26+$0x50];
	v5 =	vmul.f32 $8.192000000e+03, v13;
	v7 =	vnsel vm0, $0x1FFF, v7  }
0x182: {  	v14 =	vmul.f32 $8.192000000e+03, v11;
	v4 =	vcvt.f32.s32 v4;
	[tilespmem:v6+s7+$0x0] =	vst.idx.add.s32.msk vm3, v1  }
0x183: {  	vm4 =	vgt.f32 v11, $0.0e+00;
	v5 =	vtrunc.f32 v5;
	v6 =	vmul.f32 $8.192000000e+03, v8;
	v15 =	vld [tilespmem:s29+$0x70]  }
0x184: {  	vm0 =	vgt.f32 v12, $0.0e+00;
	vm3 =	vlt.s32 v4, $0x1FFF;
	v5 =	vcvt.f32.s32 v5;
	[tilespmem:v2+s7+$0x0] =	vst.idx.add.s32.msk vm2, v1  }
0x185: {  	v4 =	vnsel vm3, $0x1FFF, v4;
	v2 =	vtrunc.f32 v14;
	v6 =	vtrunc.f32 v6;
	v12 =	vld [tilespmem:s28+$0x20]  }
0x186: {  	vm2 =	vgt.f32 v13, $0.0e+00;
	vm3 =	vlt.s32 v5, $0x1FFF;
	v6 =	vcvt.f32.s32 v6;
	[tilespmem:v7+s7+$0x0] =	vst.idx.add.s32.msk vm1, v1  }
0x187: {  	v14 =	vmul.f32 $8.192000000e+03, v3;
	v2 =	vcvt.f32.s32 v2;
	v5 =	vnsel vm3, $0x1FFF, v5;
	v13 =	vld [tilespmem:s1+$0x50]  }
0x188: {  	vm3 =	vgt.f32 v8, $0.0e+00;
	vm1 =	vlt.s32 v6, $0x1FFF;
	v8 =	vmul.f32 $8.192000000e+03, v15  }
0x189: {  	v16 =	vmul.f32 $8.192000000e+03, v9;
	v7 =	vmul.f32 $8.192000000e+03, v10;
	v6 =	vnsel vm1, $0x1FFF, v6  }
0x18a: {  	vm1 =	vlt.s32 v2, $0x1FFF;
	[tilespmem:v4+s7+$0x0] =	vst.idx.add.s32.msk vm0, v1;
	v4 =	vmul.f32 $8.192000000e+03, v12;
	v8 =	vtrunc.f32 v8  }
0x18b: {  	v7 =	vtrunc.f32 v7;
	v11 =	vld [tilespmem:s18+$0x20];
	v2 =	vnsel vm1, $0x1FFF, v2;
	v8 =	vcvt.f32.s32 v8  }
0x18c: {  	vm1 =	vgt.f32 v15, $0.0e+00;
	[tilespmem:v5+s7+$0x0] =	vst.idx.add.s32.msk vm2, v1;
	v4 =	vtrunc.f32 v4;
	v5 =	vmul.f32 $8.192000000e+03, v13  }
0x18d: {  	v15 =	vtrunc.f32 v16;
	v17 =	vld [tilespmem:s21+$0x10];
	v4 =	vcvt.f32.s32 v4;
	vm0 =	vlt.s32 v8, $0x1FFF  }
0x18e: {  	v7 =	vcvt.f32.s32 v7;
	[tilespmem:v6+s7+$0x0] =	vst.idx.add.s32.msk vm3, v1;
	v6 =	vnsel vm0, $0x1FFF, v8;
	v5 =	vtrunc.f32 v5  }
0x18f: {  	vm3 =	vgt.f32 v12, $0.0e+00;
	v8 =	vld [tilespmem:s8+$0x20];
	vm2 =	vlt.s32 v4, $0x1FFF;
	v5 =	vcvt.f32.s32 v5  }
0x190: {  	vm0 =	vgt.f32 v9, $0.0e+00;
	v9 =	vmul.f32 $8.192000000e+03, v11;
	v4 =	vnsel vm2, $0x1FFF, v4  }
0x191: {  	v12 =	vcvt.f32.s32 v15;
	[tilespmem:v2+s7+$0x0] =	vst.idx.add.s32.msk vm4, v1;
	vm4 =	vgt.f32 v13, $0.0e+00;
	vm2 =	vlt.s32 v5, $0x1FFF  }
0x192: {  	s9 =	sadd.s32 $0x400, s20;
	v2 =	vld [tilespmem:s0+$0x70];
	v9 =	vtrunc.f32 v9;
	v13 =	vmul.f32 $8.192000000e+03, v17;
	v5 =	vnsel vm2, $0x1FFF, v5  }
0x193: {  	s29 =	sor.u32 s16, s9;
	vm5 =	vlt.s32 v12, $0x1FFF;
	v9 =	vcvt.f32.s32 v9;
	vm2 =	vgt.f32 v11, $0.0e+00;
	[tilespmem:v6+s7+$0x0] =	vst.idx.add.s32.msk vm1, v1  }
0x194: {  	v6 =	vnsel vm5, $0x1FFF, v12;
	v11 =	vtrunc.f32 v13;
	v12 =	vmul.f32 $8.192000000e+03, v8;
	v13 =	vld [tilespmem:s29+$0x0]  }
0x195: {  	vm1 =	vlt.s32 v9, $0x1FFF;
	v11 =	vcvt.f32.s32 v11;
	[tilespmem:v4+s7+$0x0] =	vst.idx.add.s32.msk vm3, v1;
	vm3 =	vgt.f32 v10, $0.0e+00  }
0x196: {  	v4 =	vnsel vm1, $0x1FFF, v9;
	v10 =	vtrunc.f32 v12;
	vm1 =	vlt.s32 v7, $0x1FFF;
	v9 =	vld [tilespmem:s28+$0x30]  }
0x197: {  	vm5 =	vlt.s32 v11, $0x1FFF;
	v10 =	vcvt.f32.s32 v10;
	[tilespmem:v5+s7+$0x0] =	vst.idx.add.s32.msk vm4, v1;
	v5 =	vnsel vm1, $0x1FFF, v7  }
0x198: {  	vm4 =	vgt.f32 v17, $0.0e+00;
	v7 =	vnsel vm5, $0x1FFF, v11;
	vm5 =	vgt.f32 v8, $0.0e+00;
	v11 =	vld [tilespmem:s1+$0x60]  }
0x199: {  	v8 =	vtrunc.f32 v14;
	[tilespmem:v6+s7+$0x0] =	vst.idx.add.s32.msk vm0, v1;
	vm0 =	vlt.s32 v10, $0x1FFF;
	v6 =	vmul.f32 $8.192000000e+03, v13  }
0x19a: {  	v8 =	vcvt.f32.s32 v8;
	v12 =	vld [tilespmem:s26+$0x60];
	v10 =	vnsel vm0, $0x1FFF, v10  }
0x19b: {  	[tilespmem:v4+s7+$0x0] =	vst.idx.add.s32.msk vm2, v1;
	v4 =	vmul.f32 $8.192000000e+03, v9;
	v6 =	vtrunc.f32 v6  }
0x19c: {  	vm1 =	vgt.f32 v3, $0.0e+00;
	v14 =	vld [tilespmem:s18+$0x30];
	v6 =	vcvt.f32.s32 v6  }
0x19d: {  	vm2 =	vlt.s32 v8, $0x1FFF;
	[tilespmem:v5+s7+$0x0] =	vst.idx.add.s32.msk vm3, v1;
	v3 =	vtrunc.f32 v4;
	v4 =	vmul.f32 $8.192000000e+03, v11  }
0x19e: {  	vm3 =	vgt.f32 v13, $0.0e+00;
	[tilespmem:v7+s7+$0x0] =	vst.idx.add.s32.msk vm4, v1;
	v3 =	vcvt.f32.s32 v3;
	vm0 =	vlt.s32 v6, $0x1FFF  }
0x19f: {  	vm4 =	vgt.f32 v9, $0.0e+00;
	[tilespmem:v10+s7+$0x0] =	vst.idx.add.s32.msk vm5, v1;
	v6 =	vnsel vm0, $0x1FFF, v6;
	v4 =	vtrunc.f32 v4  }
0x1a0: {  	v5 =	vmul.f32 $8.192000000e+03, v12;
	v7 =	vld [tilespmem:s8+$0x30];
	vm0 =	vlt.s32 v3, $0x1FFF;
	v4 =	vcvt.f32.s32 v4  }
0x1a1: {  	v8 =	vnsel vm2, $0x1FFF, v8;
	v10 =	vld [tilespmem:s21+$0x20];
	v3 =	vnsel vm0, $0x1FFF, v3  }
0x1a2: {  	v13 =	vld [tilespmem:s22+$0x70];
	vm5 =	vgt.f32 v11, $0.0e+00;
	v5 =	vtrunc.f32 v5;
	vm0 =	vlt.s32 v4, $0x1FFF  }
0x1a3: {  	v11 =	vmul.f32 $8.192000000e+03, v14;
	v5 =	vcvt.f32.s32 v5;
	v4 =	vnsel vm0, $0x1FFF, v4  }
0x1a4: {  	v9 =	vmul.f32 $8.192000000e+03, v2;
	vm6 =	vgt.f32 v12, $0.0e+00;
	vm2 =	vgt.f32 v14, $0.0e+00;
	[tilespmem:v6+s7+$0x0] =	vst.idx.add.s32.msk vm3, v1  }
0x1a5: {  	vm0 =	vlt.s32 v5, $0x1FFF;
	v6 =	vtrunc.f32 v11;
	v11 =	vmul.f32 $8.192000000e+03, v7;
	v12 =	vld [tilespmem:s29+$0x10]  }
0x1a6: {  	v14 =	vmul.f32 $8.192000000e+03, v10;
	v5 =	vnsel vm0, $0x1FFF, v5;
	v6 =	vcvt.f32.s32 v6;
	[tilespmem:v3+s7+$0x0] =	vst.idx.add.s32.msk vm4, v1  }
0x1a7: {  	vm0 =	vgt.f32 v13, $0.0e+00;
	v3 =	vmul.f32 $8.192000000e+03, v13;
	v11 =	vtrunc.f32 v11;
	v13 =	vld [tilespmem:s28+$0x40]  }
0x1a8: {  	v14 =	vtrunc.f32 v14;
	vm3 =	vlt.s32 v6, $0x1FFF;
	v11 =	vcvt.f32.s32 v11;
	[tilespmem:v4+s7+$0x0] =	vst.idx.add.s32.msk vm5, v1  }
0x1a9: {  	v3 =	vtrunc.f32 v3;
	v4 =	vnsel vm3, $0x1FFF, v6;
	v6 =	vcvt.f32.s32 v14;
	v14 =	vld [tilespmem:s1+$0x70]  }
0x1aa: {  	[tilespmem:v8+s7+$0x0] =	vst.idx.add.s32.msk vm1, v1;
	vm3 =	vgt.f32 v7, $0.0e+00;
	vm1 =	vlt.s32 v11, $0x1FFF;
	v7 =	vmul.f32 $8.192000000e+03, v12  }
0x1ab: {  	v8 =	vld [tilespmem:s19+$0x20];
	vm4 =	vgt.f32 v10, $0.0e+00;
	v3 =	vcvt.f32.s32 v3;
	v10 =	vnsel vm1, $0x1FFF, v11  }
0x1ac: {  	[tilespmem:v5+s7+$0x0] =	vst.idx.add.s32.msk vm6, v1;
	vm1 =	vlt.s32 v6, $0x1FFF;
	v5 =	vmul.f32 $8.192000000e+03, v13;
	v7 =	vtrunc.f32 v7  }
0x1ad: {  	v11 =	vld [tilespmem:s26+$0x70];
	vm5 =	vlt.s32 v3, $0x1FFF;
	v6 =	vnsel vm1, $0x1FFF, v6;
	v7 =	vcvt.f32.s32 v7  }
0x1ae: {  	v3 =	vnsel vm5, $0x1FFF, v3;
	[tilespmem:v4+s7+$0x0] =	vst.idx.add.s32.msk vm2, v1;
	v4 =	vtrunc.f32 v5;
	v5 =	vmul.f32 $8.192000000e+03, v14  }
0x1af: {  	vm2 =	vgt.f32 v12, $0.0e+00;
	v15 =	vld [tilespmem:s18+$0x40];
	v4 =	vcvt.f32.s32 v4;
	vm1 =	vlt.s32 v7, $0x1FFF  }
0x1b0: {  	v12 =	vmul.f32 $8.192000000e+03, v8;
	[tilespmem:v10+s7+$0x0] =	vst.idx.add.s32.msk vm3, v1;
	v7 =	vnsel vm1, $0x1FFF, v7;
	v5 =	vtrunc.f32 v5  }
0x1b1: {  	vm3 =	vgt.f32 v13, $0.0e+00;
	v10 =	vld [tilespmem:s8+$0x40];
	vm1 =	vlt.s32 v4, $0x1FFF;
	v5 =	vcvt.f32.s32 v5  }
0x1b2: {  	v12 =	vtrunc.f32 v12;
	v13 =	vmul.f32 $8.192000000e+03, v11;
	[tilespmem:v6+s7+$0x0] =	vst.idx.add.s32.msk vm4, v1;
	v4 =	vnsel vm1, $0x1FFF, v4  }
0x1b3: {  	v6 =	vcvt.f32.s32 v12;
	vm4 =	vgt.f32 v14, $0.0e+00;
	v12 =	vld [tilespmem:s21+$0x30];
	vm1 =	vlt.s32 v5, $0x1FFF  }
0x1b4: {  	v13 =	vtrunc.f32 v13;
	[tilespmem:v3+s7+$0x0] =	vst.idx.add.s32.msk vm0, v1;
	v3 =	vmul.f32 $8.192000000e+03, v15;
	v5 =	vnsel vm1, $0x1FFF, v5  }
0x1b5: {  	vm0 =	vgt.f32 v11, $0.0e+00;
	vm1 =	vgt.f32 v8, $0.0e+00;
	v8 =	vcvt.f32.s32 v13;
	[tilespmem:v7+s7+$0x0] =	vst.idx.add.s32.msk vm2, v1  }
0x1b6: {  	vm2 =	vlt.s32 v6, $0x1FFF;
	v3 =	vtrunc.f32 v3;
	v7 =	vmul.f32 $8.192000000e+03, v10;
	v11 =	vld [tilespmem:s29+$0x20]  }
0x1b7: {  	v6 =	vnsel vm2, $0x1FFF, v6;
	vm2 =	vlt.s32 v8, $0x1FFF;
	v3 =	vcvt.f32.s32 v3;
	[tilespmem:v4+s7+$0x0] =	vst.idx.add.s32.msk vm3, v1  }
0x1b8: {  	s22 =	sadd.s32 $0x800, s14;
	v4 =	vnsel vm2, $0x1FFF, v8;
	v8 =	vmul.f32 $8.192000000e+03, v12;
	v7 =	vtrunc.f32 v7;
	v13 =	vld [tilespmem:s28+$0x50]  }
0x1b9: {  	v9 =	vtrunc.f32 v9;
	s1 =	sor.u32 s13, s22;
	vm2 =	vlt.s32 v3, $0x1FFF;
	v7 =	vcvt.f32.s32 v7;
	[tilespmem:v5+s7+$0x0] =	vst.idx.add.s32.msk vm4, v1  }
0x1ba: {  	s11 =	sor.u32 s11, s15;
	vm3 =	vgt.f32 v15, $0.0e+00;
	v5 =	vtrunc.f32 v8;
	v8 =	vnsel vm2, $0x1FFF, v3;
	v14 =	vld [tilespmem:s1+$0x0]  }
0x1bb: {  	v15 =	vld [tilespmem:s11+$0x0];
	vm4 =	vgt.f32 v10, $0.0e+00;
	vm2 =	vlt.s32 v7, $0x1FFF;
	v10 =	vmul.f32 $8.192000000e+03, v11  }
0x1bc: {  	v3 =	vcvt.f32.s32 v9;
	v5 =	vcvt.f32.s32 v5;
	[tilespmem:v6+s7+$0x0] =	vst.idx.add.s32.msk vm1, v1;
	v6 =	vnsel vm2, $0x1FFF, v7  }
0x1bd: {  	s26 =	sor.u32 s17, s9;
	[tilespmem:v4+s7+$0x0] =	vst.idx.add.s32.msk vm0, v1;
	v4 =	vmul.f32 $8.192000000e+03, v13;
	v7 =	vtrunc.f32 v10  }
0x1be: {  	vm0 =	vgt.f32 v12, $0.0e+00;
	vm1 =	vlt.s32 v5, $0x1FFF;
	v9 =	vld [tilespmem:s26+$0x0];
	v7 =	vcvt.f32.s32 v7  }
0x1bf: {  	v10 =	vld [tilespmem:s19+$0x30];
	v5 =	vnsel vm1, $0x1FFF, v5;
	v4 =	vtrunc.f32 v4;
	v12 =	vmul.f32 $8.192000000e+03, v14  }
0x1c0: {  	vm2 =	vgt.f32 v11, $0.0e+00;
	[tilespmem:v8+s7+$0x0] =	vst.idx.add.s32.msk vm3, v1;
	v4 =	vcvt.f32.s32 v4;
	vm1 =	vlt.s32 v7, $0x1FFF  }
0x1c1: {  	v8 =	vmul.f32 $8.192000000e+03, v15;
	[tilespmem:v6+s7+$0x0] =	vst.idx.add.s32.msk vm4, v1;
	v6 =	vnsel vm1, $0x1FFF, v7;
	v7 =	vtrunc.f32 v12  }
0x1c2: {  	vm3 =	vgt.f32 v13, $0.0e+00;
	v11 =	vld [tilespmem:s8+$0x50];
	vm1 =	vlt.s32 v4, $0x1FFF;
	v7 =	vcvt.f32.s32 v7  }
0x1c3: {  	v13 =	vld [tilespmem:s18+$0x50];
	v8 =	vtrunc.f32 v8;
	v12 =	vmul.f32 $8.192000000e+03, v9;
	v4 =	vnsel vm1, $0x1FFF, v4  }
0x1c4: {  	v8 =	vcvt.f32.s32 v8;
	[tilespmem:v5+s7+$0x0] =	vst.idx.add.s32.msk vm0, v1;
	vm1 =	vgt.f32 v14, $0.0e+00;
	vm0 =	vlt.s32 v7, $0x1FFF  }
0x1c5: {  	v14 =	vld [tilespmem:s21+$0x40];
	v5 =	vtrunc.f32 v12;
	v12 =	vmul.f32 $8.192000000e+03, v10;
	v7 =	vnsel vm0, $0x1FFF, v7  }
0x1c6: {  	vm4 =	vgt.f32 v15, $0.0e+00;
	vm0 =	vlt.s32 v8, $0x1FFF;
	v5 =	vcvt.f32.s32 v5;
	[tilespmem:v6+s7+$0x0] =	vst.idx.add.s32.msk vm2, v1  }
0x1c7: {  	v6 =	vnsel vm0, $0x1FFF, v8;
	v8 =	vtrunc.f32 v12;
	v12 =	vmul.f32 $8.192000000e+03, v11;
	v15 =	vld [tilespmem:s29+$0x30]  }
0x1c8: {  	s14 =	simm.s32 $0x1;
	vm2 =	vgt.f32 v9, $0.0e+00;
	vm0 =	vlt.s32 v5, $0x1FFF;
	v8 =	vcvt.f32.s32 v8;
	[tilespmem:v4+s7+$0x0] =	vst.idx.add.s32.msk vm3, v1  }
0x1c9: {  	s15 =	simm.s32 $0x500;
	s0 =	smul.u32 $0x3000, s14;
	v4 =	vnsel vm0, $0x1FFF, v5;
	v5 =	vmul.f32 $8.192000000e+03, v13;
	v12 =	vtrunc.f32 v12;
	v9 =	vld [tilespmem:s28+$0x60]  }
0x1ca: {  	s13 =	sand.u32 $0x300, s15;
	vm3 =	vlt.s32 v8, $0x1FFF;
	v12 =	vcvt.f32.s32 v12;
	[tilespmem:v7+s7+$0x0] =	vst.idx.add.s32.msk vm1, v1  }
0x1cb: {  	s14 =	sshra.s32 s0, $0x2;
	s15 =	sor.u32 $0x80, s13;
	vm5 =	vgt.f32 v10, $0.0e+00;
	v5 =	vtrunc.f32 v5;
	v7 =	vnsel vm3, $0x1FFF, v8;
	v8 =	vld [tilespmem:s1+$0x10]  }
0x1cc: {  	s0 =	sor.u32 s15, s14;
	vm3 =	vgt.f32 v11, $0.0e+00;
	[tilespmem:v6+s7+$0x0] =	vst.idx.add.s32.msk vm4, v1;
	vm1 =	vlt.s32 v12, $0x1FFF;
	v6 =	vmul.f32 $8.192000000e+03, v15  }
0x1cd: {  	v10 =	vmul.f32 $8.192000000e+03, v14;
	v11 =	vld [tilespmem:s0+$0x0];
	v5 =	vcvt.f32.s32 v5;
	v12 =	vnsel vm1, $0x1FFF, v12  }
0x1ce: {  	vm4 =	vgt.f32 v13, $0.0e+00;
	vm1 =	vgt.f32 v14, $0.0e+00;
	[tilespmem:v4+s7+$0x0] =	vst.idx.add.s32.msk vm2, v1;
	v4 =	vtrunc.f32 v6  }
0x1cf: {  	s31 =	sor.u32 s13, s14;
	vm2 =	vlt.s32 v5, $0x1FFF;
	v6 =	vtrunc.f32 v10;
	v10 =	vld [tilespmem:s26+$0x10];
	v4 =	vcvt.f32.s32 v4  }
0x1d0: {  	v53 =	vld [tilespmem:s31+$0x0];
	v5 =	vnsel vm2, $0x1FFF, v5;
	v14 =	vmul.f32 $8.192000000e+03, v9;
	v51 =	vmul.f32 $8.192000000e+03, v8  }
0x1d1: {  	v6 =	vcvt.f32.s32 v6;
	[tilespmem:v7+s7+$0x0] =	vst.idx.add.s32.msk vm5, v1;
	vm5 =	vgt.f32 v15, $0.0e+00;
	vm2 =	vlt.s32 v4, $0x1FFF  }
0x1d2: {  	v7 =	vmul.f32 $8.192000000e+03, v11;
	[tilespmem:v12+s7+$0x0] =	vst.idx.add.s32.msk vm3, v1;
	v4 =	vnsel vm2, $0x1FFF, v4;
	v12 =	vtrunc.f32 v51  }
0x1d3: {  	v14 =	vtrunc.f32 v14;
	vm2 =	vlt.s32 v6, $0x1FFF;
	v15 =	vld [tilespmem:s8+$0x60];
	v12 =	vcvt.f32.s32 v12  }
0x1d4: {  	v13 =	vld [tilespmem:s11+$0x10];
	v7 =	vtrunc.f32 v7;
	v6 =	vnsel vm2, $0x1FFF, v6;
	v52 =	vmul.f32 $8.192000000e+03, v10  }
0x1d5: {  	vm3 =	vgt.f32 v8, $0.0e+00;
	[tilespmem:v5+s7+$0x0] =	vst.idx.add.s32.msk vm4, v1;
	v5 =	vcvt.f32.s32 v7;
	vm2 =	vlt.s32 v12, $0x1FFF  }
0x1d6: {  	v7 =	vcvt.f32.s32 v14;
	v8 =	vld [tilespmem:s18+$0x60];
	v14 =	vtrunc.f32 v52;
	v12 =	vnsel vm2, $0x1FFF, v12  }
0x1d7: {  	vm4 =	vlt.s32 v5, $0x1FFF;
	v14 =	vcvt.f32.s32 v14;
	vm2 =	vgt.f32 v11, $0.0e+00;
	[tilespmem:v4+s7+$0x0] =	vst.idx.add.s32.msk vm5, v1  }
0x1d8: {  	vm6 =	vgt.f32 v9, $0.0e+00;
	v5 =	vnsel vm4, $0x1FFF, v5;
	v4 =	vmul.f32 $8.192000000e+03, v15;
	v11 =	vld [tilespmem:s29+$0x40]  }
0x1d9: {  	vm4 =	vgt.f32 v10, $0.0e+00;
	vm5 =	vlt.s32 v7, $0x1FFF;
	[tilespmem:v6+s7+$0x0] =	vst.idx.add.s32.msk vm1, v1;
	vm1 =	vlt.s32 v14, $0x1FFF  }
0x1da: {  	v6 =	vmul.f32 $8.192000000e+03, v53;
	v7 =	vnsel vm5, $0x1FFF, v7;
	v10 =	vld [tilespmem:s21+$0x50];
	v4 =	vtrunc.f32 v4  }
0x1db: {  	v9 =	vnsel vm1, $0x1FFF, v14;
	v4 =	vcvt.f32.s32 v4;
	[tilespmem:v12+s7+$0x0] =	vst.idx.add.s32.msk vm3, v1  }
0x1dc: {  	vm1 =	vgt.f32 v13, $0.0e+00;
	v6 =	vtrunc.f32 v6;
	v12 =	vmul.f32 $8.192000000e+03, v13;
	v13 =	vld [tilespmem:s1+$0x20]  }
0x1dd: {  	vm5 =	vgt.f32 v15, $0.0e+00;
	v6 =	vcvt.f32.s32 v6;
	vm3 =	vlt.s32 v4, $0x1FFF;
	[tilespmem:v5+s7+$0x0] =	vst.idx.add.s32.msk vm2, v1  }
0x1de: {  	v14 =	vmul.f32 $8.192000000e+03, v11;
	v15 =	vnsel vm3, $0x1FFF, v4;
	v54 =	vld [tilespmem:s0+$0x10]  }
0x1df: {  	v5 =	vmul.f32 $8.192000000e+03, v8;
	vm2 =	vgt.f32 v53, $0.0e+00;
	vm3 =	vlt.s32 v6, $0x1FFF;
	[tilespmem:v7+s7+$0x0] =	vst.idx.add.s32.msk vm6, v1  }
0x1e0: {  	[tilespmem:v9+s7+$0x0] =	vst.idx.add.s32.msk vm4, v1;
	v4 =	vmul.f32 $8.192000000e+03, v10;
	v6 =	vnsel vm3, $0x1FFF, v6;
	v9 =	vtrunc.f32 v14  }
0x1e1: {  	v12 =	vtrunc.f32 v12;
	vm6 =	vgt.f32 v11, $0.0e+00;
	v14 =	vld [tilespmem:s26+$0x20];
	v9 =	vcvt.f32.s32 v9  }
0x1e2: {  	vm3 =	vgt.f32 v8, $0.0e+00;
	v7 =	vtrunc.f32 v4;
	v8 =	vmul.f32 $8.192000000e+03, v13  }
0x1e3: {  	v7 =	vcvt.f32.s32 v7;
	vm4 =	vlt.s32 v9, $0x1FFF;
	[tilespmem:v15+s7+$0x0] =	vst.idx.add.s32.msk vm5, v1;
	v11 =	vmul.f32 $8.192000000e+03, v54  }
0x1e4: {  	v9 =	vnsel vm4, $0x1FFF, v9;
	v8 =	vtrunc.f32 v8;
	vm4 =	vgt.f32 v10, $0.0e+00;
	v10 =	vld [tilespmem:s8+$0x70]  }
0x1e5: {  	v5 =	vtrunc.f32 v5;
	vm5 =	vlt.s32 v7, $0x1FFF;
	[tilespmem:v6+s7+$0x0] =	vst.idx.add.s32.msk vm2, v1;
	v8 =	vcvt.f32.s32 v8  }
0x1e6: {  	v15 =	vmul.f32 $8.192000000e+03, v14;
	v6 =	vnsel vm5, $0x1FFF, v7;
	v7 =	vtrunc.f32 v11;
	v11 =	vld [tilespmem:s31+$0x10]  }
0x1e7: {  	vm5 =	vgt.f32 v13, $0.0e+00;
	v7 =	vcvt.f32.s32 v7;
	vm2 =	vlt.s32 v8, $0x1FFF  }
0x1e8: {  	v12 =	vcvt.f32.s32 v12;
	v13 =	vld [tilespmem:s19+$0x40];
	v15 =	vtrunc.f32 v15;
	v8 =	vnsel vm2, $0x1FFF, v8  }
0x1e9: {  	v15 =	vcvt.f32.s32 v15;
	vm2 =	vlt.s32 v7, $0x1FFF;
	[tilespmem:v9+s7+$0x0] =	vst.idx.add.s32.msk vm6, v1;
	vm6 =	vgt.f32 v54, $0.0e+00  }
0x1ea: {  	vm7 =	vgt.f32 v14, $0.0e+00;
	v9 =	vmul.f32 $8.192000000e+03, v10;
	v7 =	vnsel vm2, $0x1FFF, v7;
	v14 =	vld [tilespmem:s29+$0x50]  }
0x1eb: {  	v5 =	vcvt.f32.s32 v5;
	vm2 =	vlt.s32 v15, $0x1FFF;
	[tilespmem:v6+s7+$0x0] =	vst.idx.add.s32.msk vm4, v1;
	v55 =	vmul.f32 $8.192000000e+03, v11  }
0x1ec: {  	vm4 =	vlt.s32 v12, $0x1FFF;
	v6 =	vnsel vm2, $0x1FFF, v15;
	v15 =	vld [tilespmem:s21+$0x60];
	v9 =	vtrunc.f32 v9  }
0x1ed: {  	vm2 =	vlt.s32 v5, $0x1FFF;
	v12 =	vnsel vm4, $0x1FFF, v12;
	[tilespmem:v8+s7+$0x0] =	vst.idx.add.s32.msk vm5, v1;
	v8 =	vcvt.f32.s32 v9  }
0x1ee: {  	vm4 =	vgt.f32 v10, $0.0e+00;
	v5 =	vnsel vm2, $0x1FFF, v5;
	v56 =	vld [tilespmem:s1+$0x30]  }
0x1ef: {  	v9 =	vtrunc.f32 v55;
	vm2 =	vlt.s32 v8, $0x1FFF;
	v10 =	vmul.f32 $8.192000000e+03, v14;
	[tilespmem:v7+s7+$0x0] =	vst.idx.add.s32.msk vm6, v1  }
0x1f0: {  	v9 =	vcvt.f32.s32 v9;
	v8 =	vnsel vm2, $0x1FFF, v8;
	v57 =	vld [tilespmem:s0+$0x20]  }
0x1f1: {  	vm2 =	vgt.f32 v2, $0.0e+00;
	[tilespmem:v6+s7+$0x0] =	vst.idx.add.s32.msk vm7, v1;
	v2 =	vmul.f32 $8.192000000e+03, v15;
	v6 =	vtrunc.f32 v10  }
0x1f2: {  	vm5 =	vgt.f32 v11, $0.0e+00;
	vm6 =	vlt.s32 v9, $0x1FFF;
	[tilespmem:v12+s7+$0x0] =	vst.idx.add.s32.msk vm1, v1;
	v6 =	vcvt.f32.s32 v6  }
0x1f3: {  	[tilespmem:v5+s7+$0x0] =	vst.idx.add.s32.msk vm3, v1;
	v5 =	vnsel vm6, $0x1FFF, v9;
	vm3 =	vgt.f32 v14, $0.0e+00;
	v2 =	vtrunc.f32 v2  }
0x1f4: {  	s9 =	sadd.s32 $0x400, s25;
	v10 =	vld [tilespmem:s26+$0x30];
	v9 =	vmul.f32 $8.192000000e+03, v56;
	v2 =	vcvt.f32.s32 v2;
	vm1 =	vlt.s32 v6, $0x1FFF  }
0x1f5: {  	vm0 =	vlt.s32 v3, $0x1FFF;
	s8 =	sor.u32 s24, s9;
	[tilespmem:v8+s7+$0x0] =	vst.idx.add.s32.msk vm4, v1;
	v6 =	vnsel vm1, $0x1FFF, v6;
	v8 =	vmul.f32 $8.192000000e+03, v57  }
0x1f6: {  	v3 =	vnsel vm0, $0x1FFF, v3;
	v9 =	vtrunc.f32 v9;
	vm1 =	vlt.s32 v2, $0x1FFF;
	v12 =	vld [tilespmem:s8+$0x0]  }
0x1f7: {  	v14 =	vld [tilespmem:s18+$0x70];
	vm4 =	vgt.f32 v15, $0.0e+00;
	v9 =	vcvt.f32.s32 v9;
	v8 =	vtrunc.f32 v8  }
0x1f8: {  	vm0 =	vgt.f32 v13, $0.0e+00;
	v2 =	vnsel vm1, $0x1FFF, v2;
	[tilespmem:v5+s7+$0x0] =	vst.idx.add.s32.msk vm5, v1;
	v5 =	vcvt.f32.s32 v8  }
0x1f9: {  	v4 =	vld [tilespmem:s28+$0x70];
	vm5 =	vgt.f32 v56, $0.0e+00;
	vm1 =	vlt.s32 v9, $0x1FFF;
	v8 =	vmul.f32 $8.192000000e+03, v10  }
0x1fa: {  	v11 =	vmul.f32 $8.192000000e+03, v13;
	v9 =	vnsel vm1, $0x1FFF, v9;
	[tilespmem:v6+s7+$0x0] =	vst.idx.add.s32.msk vm3, v1;
	vm1 =	vlt.s32 v5, $0x1FFF  }
0x1fb: {  	vm3 =	vgt.f32 v57, $0.0e+00;
	v6 =	vtrunc.f32 v8;
	v8 =	vmul.f32 $8.192000000e+03, v12;
	v58 =	vld [tilespmem:s29+$0x60]  }
0x1fc: {  	v11 =	vtrunc.f32 v11;
	v59 =	vld [tilespmem:s31+$0x20];
	v13 =	vmul.f32 $8.192000000e+03, v14;
	v5 =	vnsel vm1, $0x1FFF, v5  }
0x1fd: {  	v6 =	vcvt.f32.s32 v6;
	[tilespmem:v2+s7+$0x0] =	vst.idx.add.s32.msk vm4, v1;
	v2 =	vtrunc.f32 v8  }
0x1fe: {  	v11 =	vcvt.f32.s32 v11;
	vm6 =	vgt.f32 v12, $0.0e+00;
	v12 =	vld [tilespmem:s21+$0x70];
	v2 =	vcvt.f32.s32 v2  }
0x1ff: {  	vm4 =	vgt.f32 v10, $0.0e+00;
	vm1 =	vlt.s32 v6, $0x1FFF;
	v8 =	vtrunc.f32 v13;
	[tilespmem:v9+s7+$0x0] =	vst.idx.add.s32.msk vm5, v1  }
0x200: {  	v6 =	vnsel vm1, $0x1FFF, v6;
	v9 =	vld [tilespmem:s1+$0x40];
	vm1 =	vlt.s32 v2, $0x1FFF;
	v10 =	vmul.f32 $8.192000000e+03, v58  }
0x201: {  	v7 =	vmul.f32 $8.192000000e+03, v4;
	[tilespmem:v5+s7+$0x0] =	vst.idx.add.s32.msk vm3, v1;
	v5 =	vcvt.f32.s32 v8;
	v2 =	vnsel vm1, $0x1FFF, v2  }
0x202: {  	vm5 =	vlt.s32 v11, $0x1FFF;
	v8 =	vmul.f32 $8.192000000e+03, v59;
	v13 =	vld [tilespmem:s0+$0x30];
	v10 =	vtrunc.f32 v10  }
0x203: {  	v15 =	vld [tilespmem:s11+$0x20];
	v11 =	vnsel vm5, $0x1FFF, v11;
	vm5 =	vlt.s32 v5, $0x1FFF;
	v10 =	vcvt.f32.s32 v10  }
0x204: {  	[tilespmem:v3+s7+$0x0] =	vst.idx.add.s32.msk vm2, v1;
	vm3 =	vgt.f32 v14, $0.0e+00;
	v8 =	vtrunc.f32 v8;
	v3 =	vnsel vm5, $0x1FFF, v5  }
0x205: {  	[tilespmem:v6+s7+$0x0] =	vst.idx.add.s32.msk vm4, v1;
	vm4 =	vgt.f32 v58, $0.0e+00;
	v6 =	vmul.f32 $8.192000000e+03, v9;
	vm2 =	vlt.s32 v10, $0x1FFF  }
0x206: {  	v14 =	vmul.f32 $8.192000000e+03, v12;
	v5 =	vcvt.f32.s32 v8;
	[tilespmem:v2+s7+$0x0] =	vst.idx.add.s32.msk vm6, v1;
	v2 =	vnsel vm2, $0x1FFF, v10  }
0x207: {  	vm1 =	vgt.f32 v59, $0.0e+00;
	v61 =	vld [tilespmem:s26+$0x40];
	v10 =	vmul.f32 $8.192000000e+03, v13;
	v6 =	vtrunc.f32 v6  }
0x208: {  	v8 =	vmul.f32 $8.192000000e+03, v15;
	vm2 =	vlt.s32 v5, $0x1FFF;
	v60 =	vld [tilespmem:s8+$0x10];
	v6 =	vcvt.f32.s32 v6  }
0x209: {  	[tilespmem:v11+s7+$0x0] =	vst.idx.add.s32.msk vm0, v1;
	v11 =	vtrunc.f32 v14;
	v5 =	vnsel vm2, $0x1FFF, v5;
	v10 =	vtrunc.f32 v10  }
0x20a: {  	vm2 =	vgt.f32 v9, $0.0e+00;
	[tilespmem:v3+s7+$0x0] =	vst.idx.add.s32.msk vm3, v1;
	v3 =	vcvt.f32.s32 v10;
	vm0 =	vlt.s32 v6, $0x1FFF  }
0x20b: {  	s12 =	sor.u32 s12, s22;
	v8 =	vtrunc.f32 v8;
	v9 =	vcvt.f32.s32 v11;
	[tilespmem:v2+s7+$0x0] =	vst.idx.add.s32.msk vm4, v1;
	v2 =	vnsel vm0, $0x1FFF, v6  }
0x20c: {  	vm3 =	vgt.f32 v13, $0.0e+00;
	vm0 =	vlt.s32 v3, $0x1FFF;
	vm4 =	vgt.f32 v12, $0.0e+00;
	v12 =	vld [tilespmem:s12+$0x0]  }
0x20d: {  	v8 =	vcvt.f32.s32 v8;
	v6 =	vmul.f32 $8.192000000e+03, v60;
	v10 =	vld [tilespmem:s29+$0x70];
	v3 =	vnsel vm0, $0x1FFF, v3  }
0x20e: {  	vm5 =	vgt.f32 v15, $0.0e+00;
	[tilespmem:v5+s7+$0x0] =	vst.idx.add.s32.msk vm1, v1;
	v5 =	vmul.f32 $8.192000000e+03, v61;
	vm1 =	vlt.s32 v9, $0x1FFF  }
0x20f: {  	vm0 =	vlt.s32 v8, $0x1FFF;
	v11 =	vld [tilespmem:s31+$0x30];
	v9 =	vnsel vm1, $0x1FFF, v9;
	v6 =	vtrunc.f32 v6  }
0x210: {  	v8 =	vnsel vm0, $0x1FFF, v8;
	v6 =	vcvt.f32.s32 v6;
	[tilespmem:v2+s7+$0x0] =	vst.idx.add.s32.msk vm2, v1  }
0x211: {  	v7 =	vtrunc.f32 v7;
	vm6 =	vgt.f32 v60, $0.0e+00;
	v5 =	vtrunc.f32 v5;
	v13 =	vld [tilespmem:s1+$0x50]  }
0x212: {  	v5 =	vcvt.f32.s32 v5;
	vm0 =	vlt.s32 v6, $0x1FFF;
	v2 =	vmul.f32 $8.192000000e+03, v10;
	[tilespmem:v3+s7+$0x0] =	vst.idx.add.s32.msk vm3, v1  }
0x213: {  	v7 =	vcvt.f32.s32 v7;
	vm7 =	vgt.f32 v61, $0.0e+00;
	v3 =	vnsel vm0, $0x1FFF, v6;
	v14 =	vld [tilespmem:s0+$0x40]  }
0x214: {  	vm2 =	vgt.f32 v12, $0.0e+00;
	vm0 =	vlt.s32 v5, $0x1FFF;
	[tilespmem:v9+s7+$0x0] =	vst.idx.add.s32.msk vm4, v1;
	v2 =	vtrunc.f32 v2  }
0x215: {  	s18 =	sor.u32 s23, s9;
	v6 =	vmul.f32 $8.192000000e+03, v11;
	[tilespmem:v8+s7+$0x0] =	vst.idx.add.s32.msk vm5, v1;
	v5 =	vnsel vm0, $0x1FFF, v5;
	v2 =	vcvt.f32.s32 v2  }
0x216: {  	vm4 =	vgt.f32 v10, $0.0e+00;
	vm0 =	vgt.f32 v4, $0.0e+00;
	v4 =	vmul.f32 $8.192000000e+03, v12;
	v9 =	vld [tilespmem:s18+$0x0]  }
0x217: {  	v12 =	vld [tilespmem:s11+$0x30];
	v6 =	vtrunc.f32 v6;
	vm3 =	vlt.s32 v2, $0x1FFF;
	v8 =	vmul.f32 $8.192000000e+03, v13  }
0x218: {  	v6 =	vcvt.f32.s32 v6;
	[tilespmem:v3+s7+$0x0] =	vst.idx.add.s32.msk vm6, v1;
	v2 =	vnsel vm3, $0x1FFF, v2  }
0x219: {  	vm1 =	vlt.s32 v7, $0x1FFF;
	v3 =	vmul.f32 $8.192000000e+03, v14;
	v10 =	vld [tilespmem:s8+$0x20];
	v8 =	vtrunc.f32 v8  }
0x21a: {  	vm5 =	vgt.f32 v11, $0.0e+00;
	v4 =	vtrunc.f32 v4;
	[tilespmem:v5+s7+$0x0] =	vst.idx.add.s32.msk vm7, v1;
	v5 =	vcvt.f32.s32 v8  }
0x21b: {  	vm3 =	vlt.s32 v6, $0x1FFF;
	vm6 =	vgt.f32 v13, $0.0e+00;
	v3 =	vtrunc.f32 v3  }
0x21c: {  	v6 =	vnsel vm3, $0x1FFF, v6;
	v11 =	vld [tilespmem:s26+$0x50];
	v3 =	vcvt.f32.s32 v3;
	vm3 =	vlt.s32 v5, $0x1FFF  }
0x21d: {  	s9 =	sadd.s32 $0x800, s20;
	v4 =	vcvt.f32.s32 v4;
	v8 =	vmul.f32 $8.192000000e+03, v9;
	[tilespmem:v2+s7+$0x0] =	vst.idx.add.s32.msk vm4, v1;
	v2 =	vnsel vm3, $0x1FFF, v5  }
0x21e: {  	s16 =	sor.u32 s16, s9;
	vm7 =	vgt.f32 v14, $0.0e+00;
	vm4 =	vlt.s32 v3, $0x1FFF;
	v5 =	vmul.f32 $8.192000000e+03, v10  }
0x21f: {  	v15 =	vmul.f32 $8.192000000e+03, v12;
	v8 =	vtrunc.f32 v8;
	v13 =	vld [tilespmem:s16+$0x0];
	v3 =	vnsel vm4, $0x1FFF, v3  }
0x220: {  	vm3 =	vgt.f32 v9, $0.0e+00;
	v9 =	vld [tilespmem:s19+$0x50];
	v8 =	vcvt.f32.s32 v8;
	v5 =	vtrunc.f32 v5  }
0x221: {  	v15 =	vtrunc.f32 v15;
	vm4 =	vlt.s32 v4, $0x1FFF;
	[tilespmem:v6+s7+$0x0] =	vst.idx.add.s32.msk vm5, v1;
	v5 =	vcvt.f32.s32 v5  }
0x222: {  	v6 =	vmul.f32 $8.192000000e+03, v11;
	v4 =	vnsel vm4, $0x1FFF, v4;
	vm4 =	vlt.s32 v8, $0x1FFF;
	[tilespmem:v2+s7+$0x0] =	vst.idx.add.s32.msk vm6, v1  }
0x223: {  	vm5 =	vgt.f32 v10, $0.0e+00;
	v8 =	vnsel vm4, $0x1FFF, v8;
	vm4 =	vlt.s32 v5, $0x1FFF;
	v10 =	vld [tilespmem:s1+$0x60]  }
0x224: {  	v6 =	vtrunc.f32 v6;
	v2 =	vmul.f32 $8.192000000e+03, v13;
	[tilespmem:v3+s7+$0x0] =	vst.idx.add.s32.msk vm7, v1;
	v3 =	vnsel vm4, $0x1FFF, v5  }
0x225: {  	v14 =	vld [tilespmem:s31+$0x40];
	v5 =	vcvt.f32.s32 v6;
	v6 =	vnsel vm1, $0x1FFF, v7;
	v7 =	vcvt.f32.s32 v15  }
0x226: {  	v15 =	vld [tilespmem:s0+$0x50];
	vm4 =	vgt.f32 v11, $0.0e+00;
	v11 =	vmul.f32 $8.192000000e+03, v9;
	v2 =	vtrunc.f32 v2  }
0x227: {  	vm7 =	vgt.f32 v13, $0.0e+00;
	[tilespmem:v4+s7+$0x0] =	vst.idx.add.s32.msk vm2, v1;
	vm2 =	vgt.f32 v12, $0.0e+00;
	v2 =	vcvt.f32.s32 v2  }
0x228: {  	[tilespmem:v8+s7+$0x0] =	vst.idx.add.s32.msk vm3, v1;
	vm3 =	vgt.f32 v9, $0.0e+00;
	vm1 =	vlt.s32 v5, $0x1FFF;
	v9 =	vtrunc.f32 v11  }
0x229: {  	v11 =	vld [tilespmem:s12+$0x10];
	v4 =	vnsel vm1, $0x1FFF, v5;
	vm1 =	vlt.s32 v2, $0x1FFF;
	v8 =	vmul.f32 $8.192000000e+03, v10  }
0x22a: {  	v12 =	vmul.f32 $8.192000000e+03, v14;
	vm6 =	vlt.s32 v7, $0x1FFF;
	v5 =	vld [tilespmem:s18+$0x10];
	v2 =	vnsel vm1, $0x1FFF, v2  }
0x22b: {  	[tilespmem:v3+s7+$0x0] =	vst.idx.add.s32.msk vm5, v1;
	v3 =	vnsel vm6, $0x1FFF, v7;
	v7 =	vmul.f32 $8.192000000e+03, v15;
	v8 =	vtrunc.f32 v8  }
0x22c: {  	v12 =	vtrunc.f32 v12;
	v13 =	vld [tilespmem:s8+$0x30];
	v8 =	vcvt.f32.s32 v8  }
0x22d: {  	s21 =	simm.s32 $0x1;
	v9 =	vcvt.f32.s32 v9;
	vm5 =	vgt.f32 v10, $0.0e+00;
	[tilespmem:v6+s7+$0x0] =	vst.idx.add.s32.msk vm0, v1;
	v7 =	vtrunc.f32 v7  }
0x22e: {  	s30 =	simm.s32 $0x600;
	s22 =	smul.u32 $0x3000, s21;
	v10 =	vcvt.f32.s32 v12;
	[tilespmem:v4+s7+$0x0] =	vst.idx.add.s32.msk vm4, v1;
	v4 =	vcvt.f32.s32 v7;
	vm4 =	vlt.s32 v8, $0x1FFF  }
0x22f: {  	s20 =	sand.u32 $0x300, s30;
	vm1 =	vgt.f32 v14, $0.0e+00;
	vm6 =	vgt.f32 v15, $0.0e+00;
	[tilespmem:v2+s7+$0x0] =	vst.idx.add.s32.msk vm7, v1;
	v2 =	vnsel vm4, $0x1FFF, v8  }
0x230: {  	s21 =	sor.u32 $0x80, s20;
	s22 =	sshra.s32 s22, $0x2;
	vm0 =	vlt.s32 v10, $0x1FFF;
	v14 =	vmul.f32 $8.192000000e+03, v5;
	v7 =	vld [tilespmem:s26+$0x60];
	vm4 =	vlt.s32 v4, $0x1FFF  }
0x231: {  	s28 =	sor.u32 s21, s22;
	vm7 =	vlt.s32 v9, $0x1FFF;
	v8 =	vmul.f32 $8.192000000e+03, v13;
	v12 =	vld [tilespmem:s16+$0x10];
	v4 =	vnsel vm4, $0x1FFF, v4  }
0x232: {  	s29 =	sor.u32 s20, s22;
	v15 =	vld [tilespmem:s28+$0x0];
	v6 =	vnsel vm7, $0x1FFF, v9;
	v9 =	vnsel vm0, $0x1FFF, v10  }
0x233: {  	v10 =	vtrunc.f32 v14;
	v14 =	vld [tilespmem:s29+$0x0];
	v8 =	vtrunc.f32 v8  }
0x234: {  	vm0 =	vgt.f32 v5, $0.0e+00;
	v8 =	vcvt.f32.s32 v8;
	[tilespmem:v2+s7+$0x0] =	vst.idx.add.s32.msk vm5, v1  }
0x235: {  	v5 =	vcvt.f32.s32 v10;
	v10 =	vmul.f32 $8.192000000e+03, v7;
	vm5 =	vgt.f32 v13, $0.0e+00;
	v13 =	vld [tilespmem:s1+$0x70]  }
0x236: {  	v62 =	vmul.f32 $8.192000000e+03, v11;
	vm4 =	vlt.s32 v8, $0x1FFF;
	v2 =	vmul.f32 $8.192000000e+03, v12;
	[tilespmem:v4+s7+$0x0] =	vst.idx.add.s32.msk vm6, v1  }
0x237: {  	v4 =	vmul.f32 $8.192000000e+03, v15;
	v10 =	vtrunc.f32 v10;
	[tilespmem:v9+s7+$0x0] =	vst.idx.add.s32.msk vm1, v1;
	v8 =	vnsel vm4, $0x1FFF, v8  }
0x238: {  	vm1 =	vgt.f32 v11, $0.0e+00;
	vm4 =	vlt.s32 v5, $0x1FFF;
	v63 =	vld [tilespmem:s0+$0x60];
	v2 =	vtrunc.f32 v2  }
0x239: {  	[tilespmem:v3+s7+$0x0] =	vst.idx.add.s32.msk vm2, v1;
	v9 =	vmul.f32 $8.192000000e+03, v14;
	v5 =	vnsel vm4, $0x1FFF, v5;
	v2 =	vcvt.f32.s32 v2  }
0x23a: {  	vm6 =	vgt.f32 v15, $0.0e+00;
	v15 =	vtrunc.f32 v62;
	v11 =	vld [tilespmem:s31+$0x50];
	v4 =	vtrunc.f32 v4  }
0x23b: {  	[tilespmem:v6+s7+$0x0] =	vst.idx.add.s32.msk vm3, v1;
	vm4 =	vgt.f32 v12, $0.0e+00;
	v4 =	vcvt.f32.s32 v4;
	vm2 =	vlt.s32 v2, $0x1FFF  }
0x23c: {  	v9 =	vtrunc.f32 v9;
	v3 =	vmul.f32 $8.192000000e+03, v13;
	[tilespmem:v8+s7+$0x0] =	vst.idx.add.s32.msk vm5, v1;
	v2 =	vnsel vm2, $0x1FFF, v2  }
0x23d: {  	vm2 =	vlt.s32 v4, $0x1FFF;
	v8 =	vmul.f32 $8.192000000e+03, v63;
	vm5 =	vgt.f32 v14, $0.0e+00;
	v12 =	vld [tilespmem:s8+$0x40]  }
0x23e: {  	v3 =	vtrunc.f32 v3;
	[tilespmem:v5+s7+$0x0] =	vst.idx.add.s32.msk vm0, v1;
	v5 =	vcvt.f32.s32 v9;
	v4 =	vnsel vm2, $0x1FFF, v4  }
0x23f: {  	vm2 =	vgt.f32 v7, $0.0e+00;
	v9 =	vmul.f32 $8.192000000e+03, v11;
	v7 =	vld [tilespmem:s18+$0x20];
	v8 =	vtrunc.f32 v8  }
0x240: {  	v14 =	vld [tilespmem:s19+$0x60];
	v3 =	vcvt.f32.s32 v3;
	vm0 =	vlt.s32 v5, $0x1FFF;
	v6 =	vcvt.f32.s32 v8  }
0x241: {  	vm7 =	vgt.f32 v63, $0.0e+00;
	v8 =	vtrunc.f32 v9;
	v5 =	vnsel vm0, $0x1FFF, v5;
	[tilespmem:v2+s7+$0x0] =	vst.idx.add.s32.msk vm4, v1  }
0x242: {  	vm3 =	vlt.s32 v3, $0x1FFF;
	vm4 =	vlt.s32 v6, $0x1FFF;
	v2 =	vmul.f32 $8.192000000e+03, v12;
	v9 =	vld [tilespmem:s16+$0x20]  }
0x243: {  	vm0 =	vgt.f32 v13, $0.0e+00;
	[tilespmem:v4+s7+$0x0] =	vst.idx.add.s32.msk vm6, v1;
	v4 =	vcvt.f32.s32 v8;
	v6 =	vnsel vm4, $0x1FFF, v6  }
0x244: {  	vm6 =	vgt.f32 v11, $0.0e+00;
	v8 =	vmul.f32 $8.192000000e+03, v7;
	v11 =	vld [tilespmem:s28+$0x10];
	v2 =	vtrunc.f32 v2  }
0x245: {  	v13 =	vld [tilespmem:s11+$0x40];
	v3 =	vnsel vm3, $0x1FFF, v3;
	vm3 =	vlt.s32 v4, $0x1FFF;
	v2 =	vcvt.f32.s32 v2  }
0x246: {  	v10 =	vcvt.f32.s32 v10;
	v8 =	vtrunc.f32 v8;
	v4 =	vnsel vm3, $0x1FFF, v4;
	[tilespmem:v5+s7+$0x0] =	vst.idx.add.s32.msk vm5, v1  }
0x247: {  	vm5 =	vgt.f32 v12, $0.0e+00;
	v12 =	vld [tilespmem:s29+$0x10];
	vm3 =	vlt.s32 v2, $0x1FFF;
	v5 =	vmul.f32 $8.192000000e+03, v9  }
0x248: {  	vm4 =	vgt.f32 v7, $0.0e+00;
	v7 =	vcvt.f32.s32 v8;
	[tilespmem:v6+s7+$0x0] =	vst.idx.add.s32.msk vm7, v1;
	v2 =	vnsel vm3, $0x1FFF, v2  }
0x249: {  	vm3 =	vlt.s32 v10, $0x1FFF;
	v6 =	vmul.f32 $8.192000000e+03, v11;
	v8 =	vld [tilespmem:s0+$0x70];
	v5 =	vtrunc.f32 v5  }
0x24a: {  	[tilespmem:v3+s7+$0x0] =	vst.idx.add.s32.msk vm0, v1;
	v10 =	vnsel vm3, $0x1FFF, v10;
	vm3 =	vlt.s32 v7, $0x1FFF;
	v5 =	vcvt.f32.s32 v5  }
0x24b: {  	v3 =	vmul.f32 $8.192000000e+03, v13;
	v7 =	vnsel vm3, $0x1FFF, v7;
	v6 =	vtrunc.f32 v6;
	[tilespmem:v4+s7+$0x0] =	vst.idx.add.s32.msk vm6, v1  }
0x24c: {  	vm7 =	vgt.f32 v9, $0.0e+00;
	v4 =	vcvt.f32.s32 v6;
	v6 =	vld [tilespmem:s31+$0x60];
	vm6 =	vlt.s32 v5, $0x1FFF  }
0x24d: {  	vm0 =	vgt.f32 v14, $0.0e+00;
	v9 =	vcvt.f32.s32 v15;
	[tilespmem:v2+s7+$0x0] =	vst.idx.add.s32.msk vm5, v1;
	v2 =	vnsel vm6, $0x1FFF, v5  }
0x24e: {  	vm5 =	vlt.s32 v4, $0x1FFF;
	vm6 =	vgt.f32 v11, $0.0e+00;
	v5 =	vmul.f32 $8.192000000e+03, v8;
	v11 =	vld [tilespmem:s8+$0x50]  }
0x24f: {  	vm3 =	vgt.f32 v13, $0.0e+00;
	v13 =	vmul.f32 $8.192000000e+03, v12;
	v4 =	vnsel vm5, $0x1FFF, v4;
	[tilespmem:v10+s7+$0x0] =	vst.idx.add.s32.msk vm2, v1  }
0x250: {  	v3 =	vtrunc.f32 v3;
	vm5 =	vgt.f32 v12, $0.0e+00;
	[tilespmem:v7+s7+$0x0] =	vst.idx.add.s32.msk vm4, v1;
	v5 =	vtrunc.f32 v5  }
0x251: {  	v7 =	vtrunc.f32 v13;
	vm4 =	vlt.s32 v9, $0x1FFF;
	v12 =	vld [tilespmem:s18+$0x30];
	v5 =	vcvt.f32.s32 v5  }
0x252: {  	vm8 =	vgt.f32 v8, $0.0e+00;
	v7 =	vcvt.f32.s32 v7;
	v9 =	vnsel vm4, $0x1FFF, v9;
	[tilespmem:v2+s7+$0x0] =	vst.idx.add.s32.msk vm7, v1  }
0x253: {  	v13 =	vmul.f32 $8.192000000e+03, v6;
	vm7 =	vlt.s32 v5, $0x1FFF;
	v2 =	vmul.f32 $8.192000000e+03, v11;
	v8 =	vld [tilespmem:s16+$0x30]  }
0x254: {  	v3 =	vcvt.f32.s32 v3;
	vm4 =	vgt.f32 v6, $0.0e+00;
	[tilespmem:v4+s7+$0x0] =	vst.idx.add.s32.msk vm6, v1;
	v4 =	vnsel vm7, $0x1FFF, v5  }
0x255: {  	v10 =	vtrunc.f32 v13;
	vm6 =	vlt.s32 v7, $0x1FFF;
	v6 =	vld [tilespmem:s28+$0x20];
	v2 =	vtrunc.f32 v2  }
0x256: {  	v13 =	vld [tilespmem:s26+$0x70];
	v5 =	vmul.f32 $8.192000000e+03, v14;
	v7 =	vnsel vm6, $0x1FFF, v7;
	v2 =	vcvt.f32.s32 v2  }
0x257: {  	v10 =	vcvt.f32.s32 v10;
	vm2 =	vgt.f32 v12, $0.0e+00;
	v12 =	vmul.f32 $8.192000000e+03, v12  }
0x258: {  	s1 =	sadd.s32 $0x400, s14;
	vm6 =	vgt.f32 v11, $0.0e+00;
	[tilespmem:v9+s7+$0x0] =	vst.idx.add.s32.msk vm1, v1;
	vm1 =	vlt.s32 v2, $0x1FFF;
	v9 =	vmul.f32 $8.192000000e+03, v8  }
0x259: {  	s26 =	sor.u32 s15, s1;
	vm7 =	vlt.s32 v10, $0x1FFF;
	v12 =	vtrunc.f32 v12;
	[tilespmem:v4+s7+$0x0] =	vst.idx.add.s32.msk vm8, v1;
	v2 =	vnsel vm1, $0x1FFF, v2  }
0x25a: {  	v4 =	vnsel vm7, $0x1FFF, v10;
	v10 =	vmul.f32 $8.192000000e+03, v6;
	v11 =	vld [tilespmem:s26+$0x0];
	v9 =	vtrunc.f32 v9  }
0x25b: {  	v14 =	vmul.f32 $8.192000000e+03, v13;
	vm7 =	vgt.f32 v8, $0.0e+00;
	[tilespmem:v7+s7+$0x0] =	vst.idx.add.s32.msk vm5, v1;
	v7 =	vcvt.f32.s32 v9  }
0x25c: {  	v8 =	vcvt.f32.s32 v12;
	vm1 =	vlt.s32 v3, $0x1FFF;
	v9 =	vld [tilespmem:s29+$0x20];
	v10 =	vtrunc.f32 v10  }
0x25d: {  	v15 =	vld [tilespmem:s12+$0x20];
	v3 =	vnsel vm1, $0x1FFF, v3;
	v10 =	vcvt.f32.s32 v10;
	vm1 =	vlt.s32 v7, $0x1FFF  }
0x25e: {  	vm5 =	vgt.f32 v13, $0.0e+00;
	[tilespmem:v2+s7+$0x0] =	vst.idx.add.s32.msk vm6, v1;
	v2 =	vtrunc.f32 v14;
	v7 =	vnsel vm1, $0x1FFF, v7  }
0x25f: {  	vm1 =	vlt.s32 v10, $0x1FFF;
	vm6 =	vgt.f32 v6, $0.0e+00;
	v6 =	vmul.f32 $8.192000000e+03, v11;
	v12 =	vld [tilespmem:s8+$0x60]  }
0x260: {  	[tilespmem:v4+s7+$0x0] =	vst.idx.add.s32.msk vm4, v1;
	vm4 =	vgt.f32 v11, $0.0e+00;
	v10 =	vnsel vm1, $0x1FFF, v10;
	v2 =	vcvt.f32.s32 v2  }
0x261: {  	v13 =	vld [tilespmem:s31+$0x70];
	vm1 =	vlt.s32 v8, $0x1FFF;
	v4 =	vmul.f32 $8.192000000e+03, v9;
	v6 =	vtrunc.f32 v6  }
0x262: {  	[tilespmem:v3+s7+$0x0] =	vst.idx.add.s32.msk vm3, v1;
	v8 =	vnsel vm1, $0x1FFF, v8;
	vm3 =	vgt.f32 v9, $0.0e+00;
	v6 =	vcvt.f32.s32 v6  }
0x263: {  	v9 =	vmul.f32 $8.192000000e+03, v15;
	vm1 =	vlt.s32 v2, $0x1FFF;
	v3 =	vtrunc.f32 v4;
	[tilespmem:v7+s7+$0x0] =	vst.idx.add.s32.msk vm7, v1  }
0x264: {  	v2 =	vnsel vm1, $0x1FFF, v2;
	vm1 =	vlt.s32 v6, $0x1FFF;
	v4 =	vmul.f32 $8.192000000e+03, v12;
	v7 =	vld [tilespmem:s16+$0x40]  }
0x265: {  	v9 =	vtrunc.f32 v9;
	v3 =	vcvt.f32.s32 v3;
	[tilespmem:v10+s7+$0x0] =	vst.idx.add.s32.msk vm6, v1;
	v6 =	vnsel vm1, $0x1FFF, v6  }
0x266: {  	v11 =	vmul.f32 $8.192000000e+03, v13;
	v10 =	vld [tilespmem:s28+$0x30];
	v4 =	vtrunc.f32 v4  }
0x267: {  	vm1 =	vgt.f32 v15, $0.0e+00;
	vm6 =	vlt.s32 v3, $0x1FFF;
	[tilespmem:v8+s7+$0x0] =	vst.idx.add.s32.msk vm2, v1;
	v4 =	vcvt.f32.s32 v4  }
0x268: {  	v8 =	vcvt.f32.s32 v9;
	v9 =	vtrunc.f32 v11;
	v3 =	vnsel vm6, $0x1FFF, v3;
	v11 =	vld [tilespmem:s18+$0x40]  }
0x269: {  	vm7 =	vgt.f32 v12, $0.0e+00;
	v9 =	vcvt.f32.s32 v9;
	[tilespmem:v2+s7+$0x0] =	vst.idx.add.s32.msk vm5, v1;
	vm6 =	vlt.s32 v4, $0x1FFF  }
0x26a: {  	s17 =	sor.u32 s17, s9;
	v2 =	vmul.f32 $8.192000000e+03, v7;
	[tilespmem:v6+s7+$0x0] =	vst.idx.add.s32.msk vm4, v1;
	vm4 =	vlt.s32 v8, $0x1FFF;
	v4 =	vnsel vm6, $0x1FFF, v4  }
0x26b: {  	vm2 =	vgt.f32 v13, $0.0e+00;
	v13 =	vld [tilespmem:s17+$0x0];
	v6 =	vmul.f32 $8.192000000e+03, v10;
	v8 =	vnsel vm4, $0x1FFF, v8  }
0x26c: {  	v5 =	vtrunc.f32 v5;
	v12 =	vld [tilespmem:s26+$0x10];
	vm4 =	vlt.s32 v9, $0x1FFF;
	v2 =	vtrunc.f32 v2  }
0x26d: {  	[tilespmem:v3+s7+$0x0] =	vst.idx.add.s32.msk vm3, v1;
	v2 =	vcvt.f32.s32 v2;
	v3 =	vtrunc.f32 v6;
	v6 =	vnsel vm4, $0x1FFF, v9  }
0x26e: {  	v5 =	vcvt.f32.s32 v5;
	v9 =	vld [tilespmem:s29+$0x30]  }
0x26f: {  	vm5 =	vgt.f32 v7, $0.0e+00;
	v3 =	vcvt.f32.s32 v3;
	vm3 =	vlt.s32 v2, $0x1FFF;
	[tilespmem:v4+s7+$0x0] =	vst.idx.add.s32.msk vm7, v1  }
0x270: {  	vm6 =	vgt.f32 v10, $0.0e+00;
	v7 =	vmul.f32 $8.192000000e+03, v11;
	v2 =	vnsel vm3, $0x1FFF, v2;
	[tilespmem:v8+s7+$0x0] =	vst.idx.add.s32.msk vm1, v1  }
0x271: {  	vm4 =	vlt.s32 v5, $0x1FFF;
	vm3 =	vlt.s32 v3, $0x1FFF;
	v4 =	vmul.f32 $8.192000000e+03, v12;
	v10 =	vld [tilespmem:s8+$0x70]  }
0x272: {  	v7 =	vtrunc.f32 v7;
	v5 =	vnsel vm4, $0x1FFF, v5;
	v3 =	vnsel vm3, $0x1FFF, v3;
	[tilespmem:v6+s7+$0x0] =	vst.idx.add.s32.msk vm2, v1  }
0x273: {  	s31 =	sor.u32 s13, s1;
	v4 =	vtrunc.f32 v4;
	v6 =	vmul.f32 $8.192000000e+03, v13;
	vm2 =	vgt.f32 v13, $0.0e+00;
	v13 =	vld [tilespmem:s12+$0x30]  }
0x274: {  	vm1 =	vgt.f32 v11, $0.0e+00;
	v11 =	vmul.f32 $8.192000000e+03, v9;
	v8 =	vld [tilespmem:s31+$0x0];
	v4 =	vcvt.f32.s32 v4  }
0x275: {  	v7 =	vcvt.f32.s32 v7;
	vm4 =	vgt.f32 v9, $0.0e+00;
	v6 =	vtrunc.f32 v6;
	[tilespmem:v2+s7+$0x0] =	vst.idx.add.s32.msk vm5, v1  }
0x276: {  	v11 =	vtrunc.f32 v11;
	vm3 =	vlt.s32 v4, $0x1FFF;
	vm5 =	vgt.f32 v12, $0.0e+00;
	v9 =	vld [tilespmem:s16+$0x50]  }
0x277: {  	v6 =	vcvt.f32.s32 v6;
	v2 =	vmul.f32 $8.192000000e+03, v10;
	[tilespmem:v3+s7+$0x0] =	vst.idx.add.s32.msk vm6, v1;
	v3 =	vnsel vm3, $0x1FFF, v4  }
0x278: {  	[tilespmem:v5+s7+$0x0] =	vst.idx.add.s32.msk vm0, v1;
	vm3 =	vlt.s32 v7, $0x1FFF;
	v4 =	vcvt.f32.s32 v11  }
0x279: {  	v11 =	vld [tilespmem:s28+$0x40];
	v7 =	vnsel vm3, $0x1FFF, v7;
	vm0 =	vlt.s32 v6, $0x1FFF;
	v2 =	vtrunc.f32 v2  }
0x27a: {  	v12 =	vmul.f32 $8.192000000e+03, v8;
	v6 =	vnsel vm0, $0x1FFF, v6;
	v2 =	vcvt.f32.s32 v2  }
0x27b: {  	vm15 =	vgt.f32 v10, $0.0e+00;
	vm3 =	vgt.f32 v8, $0.0e+00;
	v8 =	vld [tilespmem:s11+$0x50]  }
0x27c: {  	v5 =	vtrunc.f32 v12;
	vm7 =	vlt.s32 v2, $0x1FFF;
	v10 =	vmul.f32 $8.192000000e+03, v9;
	[tilespmem:v3+s7+$0x0] =	vst.idx.add.s32.msk vm5, v1  }
0x27d: {  	v14 =	vmul.f32 $8.192000000e+03, v13;
	v5 =	vcvt.f32.s32 v5;
	v3 =	vnsel vm7, $0x1FFF, v2;
	v12 =	vld [tilespmem:s26+$0x20]  }
0x27e: {  	vm6 =	vlt.s32 v4, $0x1FFF;
	v2 =	vmul.f32 $8.192000000e+03, v11;
	[tilespmem:v7+s7+$0x0] =	vst.idx.add.s32.msk vm1, v1;
	v10 =	vtrunc.f32 v10  }
0x27f: {  	v4 =	vnsel vm6, $0x1FFF, v4;
	vm5 =	vgt.f32 v9, $0.0e+00;
	[tilespmem:v6+s7+$0x0] =	vst.idx.add.s32.msk vm2, v1;
	v7 =	vcvt.f32.s32 v10  }
0x280: {  	vm1 =	vgt.f32 v13, $0.0e+00;
	vm6 =	vlt.s32 v5, $0x1FFF;
	v2 =	vtrunc.f32 v2;
	v10 =	vld [tilespmem:s18+$0x50]  }
0x281: {  	s9 =	sadd.s32 $0x800, s25;
	v5 =	vnsel vm6, $0x1FFF, v5;
	v13 =	vcvt.f32.s32 v2;
	v2 =	vld [tilespmem:s19+$0x70];
	vm0 =	vlt.s32 v7, $0x1FFF  }
0x282: {  	s24 =	sor.u32 s24, s9;
	vm7 =	vgt.f32 v11, $0.0e+00;
	[tilespmem:v3+s7+$0x0] =	vst.idx.add.s32.msk vm15, v1;
	v3 =	vnsel vm0, $0x1FFF, v7  }
0x283: {  	v7 =	vtrunc.f32 v14;
	vm0 =	vlt.s32 v13, $0x1FFF;
	v9 =	vmul.f32 $8.192000000e+03, v12;
	v14 =	vld [tilespmem:s24+$0x0]  }
0x284: {  	[tilespmem:v4+s7+$0x0] =	vst.idx.add.s32.msk vm4, v1;
	vm6 =	vgt.f32 v12, $0.0e+00;
	v11 =	vnsel vm0, $0x1FFF, v13;
	v4 =	vcvt.f32.s32 v7  }
0x285: {  	v7 =	vld [tilespmem:s29+$0x40];
	v9 =	vtrunc.f32 v9;
	v13 =	vmul.f32 $8.192000000e+03, v10;
	vm4 =	vgt.f32 v10, $0.0e+00  }
0x286: {  	v10 =	vmul.f32 $8.192000000e+03, v8;
	[tilespmem:v5+s7+$0x0] =	vst.idx.add.s32.msk vm3, v1;
	v9 =	vcvt.f32.s32 v9;
	vm0 =	vlt.s32 v4, $0x1FFF  }
0x287: {  	v5 =	vmul.f32 $8.192000000e+03, v2;
	v13 =	vtrunc.f32 v13;
	v4 =	vnsel vm0, $0x1FFF, v4;
	[tilespmem:v3+s7+$0x0] =	vst.idx.add.s32.msk vm5, v1  }
0x288: {  	vm0 =	vgt.f32 v8, $0.0e+00;
	vm2 =	vlt.s32 v9, $0x1FFF;
	v3 =	vmul.f32 $8.192000000e+03, v14;
	v6 =	vld [tilespmem:s16+$0x60]  }
0x289: {  	v10 =	vtrunc.f32 v10;
	v8 =	vcvt.f32.s32 v13;
	[tilespmem:v11+s7+$0x0] =	vst.idx.add.s32.msk vm7, v1;
	v9 =	vnsel vm2, $0x1FFF, v9  }
0x28a: {  	v11 =	vmul.f32 $8.192000000e+03, v7;
	v12 =	vld [tilespmem:s28+$0x50];
	v3 =	vtrunc.f32 v3  }
0x28b: {  	vm5 =	vgt.f32 v7, $0.0e+00;
	vm2 =	vlt.s32 v8, $0x1FFF;
	v15 =	vcvt.f32.s32 v3  }
0x28c: {  	v13 =	vtrunc.f32 v11;
	v11 =	vld [tilespmem:s31+$0x10];
	v3 =	vcvt.f32.s32 v10;
	v10 =	vnsel vm2, $0x1FFF, v8  }
0x28d: {  	vm3 =	vgt.f32 v14, $0.0e+00;
	v7 =	vld [tilespmem:s17+$0x10];
	vm2 =	vlt.s32 v15, $0x1FFF;
	v8 =	vmul.f32 $8.192000000e+03, v6  }
0x28e: {  	s25 =	simm.s32 $0xC;
	s19 =	sor.u32 s23, s9;
	v13 =	vcvt.f32.s32 v13;
	[tilespmem:v9+s7+$0x0] =	vst.idx.add.s32.msk vm6, v1;
	v9 =	vnsel vm2, $0x1FFF, v15;
	vm2 =	vlt.s32 v3, $0x1FFF  }
.LBB2_4:
0x28f: {  	s25 =	sadd.s32 $0x2, s25;
	v14 =	vmul.f32 $8.192000000e+03, v12;
	v15 =	vld [tilespmem:s26+$0x30];
	v8 =	vtrunc.f32 v8;
	v16 =	vnsel vm2, $0x1FFF, v3  }
0x290: {  	s0 =	sshrl.u32 s25, $0x3;
	p0 =	slt.u32 s25, $0x5E;
	vm2 =	vlt.s32 v13, $0x1FFF;
	v3 =	vcvt.f32.s32 v8;
	[tilespmem:v4+s7+$0x0] =	vst.idx.add.s32.msk vm1, v1;
	v4 =	vtrunc.f32 v5  }
0x291: {  	s30 =	sadd.s32 $0x100, s30;
	s1 =	smul.u32 $0x3000, s0;
	v5 =	vnsel vm2, $0x1FFF, v13;
	v8 =	vtrunc.f32 v14;
	v13 =	vmul.f32 $8.192000000e+03, v11;
	[tilespmem:v10+s7+$0x0] =	vst.idx.add.s32.msk vm4, v1  }
0x292: {  	vm6 =	vgt.f32 v6, $0.0e+00;
	s0 =	sand.u32 $0x300, s30;
	v8 =	vcvt.f32.s32 v8;
	v10 =	vld [tilespmem:s18+$0x60];
	vm1 =	vlt.s32 v3, $0x1FFF  }
0x293: {  	vm4 =	vgt.f32 v11, $0.0e+00;
	s8 =	sshra.s32 s1, $0x2;
	s1 =	sor.u32 $0x80, s0;
	v6 =	vtrunc.f32 v13;
	[tilespmem:v9+s7+$0x0] =	vst.idx.add.s32.msk vm3, v1;
	v3 =	vnsel vm1, $0x1FFF, v3  }
0x294: {  	vm3 =	vgt.f32 v12, $0.0e+00;
	s9 =	sor.u32 s0, s8;
	s23 =	sor.u32 s1, s8;
	vm1 =	vlt.s32 v8, $0x1FFF;
	v9 =	vmul.f32 $8.192000000e+03, v15;
	v11 =	vld [tilespmem:s24+$0x10]  }
0x295: {  	v13 =	vmul.f32 $8.192000000e+03, v7;
	v6 =	vcvt.f32.s32 v6;
	v12 =	vld [tilespmem:s23+$0x0];
	v8 =	vnsel vm1, $0x1FFF, v8  }
0x296: {  	v4 =	vcvt.f32.s32 v4;
	vm1 =	vgt.f32 v7, $0.0e+00;
	v14 =	vld [tilespmem:s9+$0x0];
	v9 =	vtrunc.f32 v9  }
0x297: {  	vm2 =	vlt.s32 v6, $0x1FFF;
	[tilespmem:v5+s7+$0x0] =	vst.idx.add.s32.msk vm5, v1;
	v5 =	vcvt.f32.s32 v9;
	v7 =	vmul.f32 $8.192000000e+03, v10  }
0x298: {  	v6 =	vnsel vm2, $0x1FFF, v6;
	vm2 =	vgt.f32 v10, $0.0e+00;
	v9 =	vtrunc.f32 v13;
	[tilespmem:v3+s7+$0x0] =	vst.idx.add.s32.msk vm6, v1  }
0x299: {  	vm6 =	vgt.f32 v15, $0.0e+00;
	vm5 =	vlt.s32 v5, $0x1FFF;
	v3 =	vmul.f32 $8.192000000e+03, v11;
	v10 =	vld [tilespmem:s16+$0x70];
	s16 =	smov.u32 s24  }
0x29a: {  	v7 =	vtrunc.f32 v7;
	v13 =	vmul.f32 $8.192000000e+03, v12;
	[tilespmem:v8+s7+$0x0] =	vst.idx.add.s32.msk vm3, v1;
	v5 =	vnsel vm5, $0x1FFF, v5  }
0x29b: {  	v8 =	vmul.f32 $8.192000000e+03, v14;
	vm3 =	vgt.f32 v14, $0.0e+00;
	v14 =	vld [tilespmem:s28+$0x60];
	v3 =	vtrunc.f32 v3  }
0x29c: {  	vm5 =	vlt.s32 v4, $0x1FFF;
	v13 =	vtrunc.f32 v13;
	v15 =	vld [tilespmem:s29+$0x50];
	v17 =	vcvt.f32.s32 v3  }
0x29d: {  	v3 =	vnsel vm5, $0x1FFF, v4;
	v8 =	vtrunc.f32 v8;
	v13 =	vcvt.f32.s32 v13;
	[tilespmem:v6+s7+$0x0] =	vst.idx.add.s32.msk vm4, v1  }
0x29e: {  	vm7 =	vgt.f32 v11, $0.0e+00;
	v4 =	vld [tilespmem:s31+$0x20];
	vm5 =	vlt.s32 v17, $0x1FFF;
	v6 =	vmul.f32 $8.192000000e+03, v10  }
0x29f: {  	vm4 =	vgt.f32 v12, $0.0e+00;
	v8 =	vcvt.f32.s32 v8;
	[tilespmem:v5+s7+$0x0] =	vst.idx.add.s32.msk vm6, v1;
	v5 =	vnsel vm5, $0x1FFF, v17  }
0x2a0: {  	vm5 =	vlt.s32 v13, $0x1FFF;
	v11 =	vmul.f32 $8.192000000e+03, v14;
	v12 =	vld [tilespmem:s26+$0x40];
	v6 =	vtrunc.f32 v6  }
0x2a1: {  	vm6 =	vlt.s32 v8, $0x1FFF;
	v13 =	vnsel vm5, $0x1FFF, v13;
	v6 =	vcvt.f32.s32 v6;
	v17 =	vld [tilespmem:s12+$0x40]  }
0x2a2: {  	v8 =	vnsel vm6, $0x1FFF, v8;
	v18 =	vmul.f32 $8.192000000e+03, v15;
	v11 =	vtrunc.f32 v11;
	[tilespmem:v16+s7+$0x0] =	vst.idx.add.s32.msk vm0, v1  }
0x2a3: {  	vm6 =	vgt.f32 v10, $0.0e+00;
	v11 =	vcvt.f32.s32 v11;
	vm5 =	vlt.s32 v6, $0x1FFF;
	v10 =	vld [tilespmem:s11+$0x60]  }
0x2a4: {  	vm0 =	vgt.f32 v15, $0.0e+00;
	v16 =	vtrunc.f32 v18;
	[tilespmem:v5+s7+$0x0] =	vst.idx.add.s32.msk vm7, v1;
	v5 =	vnsel vm5, $0x1FFF, v6  }
0x2a5: {  	vm7 =	vgt.f32 v14, $0.0e+00;
	vm5 =	vlt.s32 v11, $0x1FFF;
	v6 =	vmul.f32 $8.192000000e+03, v12;
	v14 =	vld [tilespmem:s16+$0x20]  }
0x2a6: {  	v15 =	vmul.f32 $8.192000000e+03, v4;
	[tilespmem:v13+s7+$0x0] =	vst.idx.add.s32.msk vm4, v1;
	v13 =	vcvt.f32.s32 v16;
	v11 =	vnsel vm5, $0x1FFF, v11  }
0x2a7: {  	vm4 =	vgt.f32 v4, $0.0e+00;
	v16 =	vld [tilespmem:s23+$0x10];
	v4 =	vtrunc.f32 v6;
	v6 =	vcvt.f32.s32 v7  }
0x2a8: {  	v7 =	vtrunc.f32 v15;
	[tilespmem:v8+s7+$0x0] =	vst.idx.add.s32.msk vm3, v1;
	vm3 =	vlt.s32 v13, $0x1FFF;
	v4 =	vcvt.f32.s32 v4  }
0x2a9: {  	v7 =	vcvt.f32.s32 v7;
	v8 =	vnsel vm3, $0x1FFF, v13;
	vm3 =	vlt.s32 v6, $0x1FFF;
	[tilespmem:v5+s7+$0x0] =	vst.idx.add.s32.msk vm6, v1  }
0x2aa: {  	vm6 =	vgt.f32 v12, $0.0e+00;
	v5 =	vld [tilespmem:s9+$0x10];
	vm5 =	vlt.s32 v4, $0x1FFF;
	v12 =	vmul.f32 $8.192000000e+03, v14  }
0x2ab: {  	v6 =	vnsel vm3, $0x1FFF, v6;
	[tilespmem:v11+s7+$0x0] =	vst.idx.add.s32.msk vm7, v1;
	vm7 =	vlt.s32 v7, $0x1FFF;
	v4 =	vnsel vm5, $0x1FFF, v4  }
0x2ac: {  	v11 =	vmul.f32 $8.192000000e+03, v16;
	v13 =	vld [tilespmem:s28+$0x70];
	v7 =	vnsel vm7, $0x1FFF, v7;
	v12 =	vtrunc.f32 v12;
	s28 =	smov.u32 s23  }
0x2ad: {  	v9 =	vcvt.f32.s32 v9;
	vm3 =	vgt.f32 v17, $0.0e+00;
	v12 =	vcvt.f32.s32 v12  }
0x2ae: {  	v11 =	vtrunc.f32 v11;
	[tilespmem:v8+s7+$0x0] =	vst.idx.add.s32.msk vm0, v1;
	v8 =	vmul.f32 $8.192000000e+03, v17;
	vm0 =	vgt.f32 v10, $0.0e+00  }
0x2af: {  	vm8 =	vgt.f32 v14, $0.0e+00;
	v11 =	vcvt.f32.s32 v11;
	v15 =	vld [tilespmem:s29+$0x60];
	vm7 =	vlt.s32 v12, $0x1FFF  }
0x2b0: {  	v14 =	vmul.f32 $8.192000000e+03, v5;
	vm5 =	vgt.f32 v5, $0.0e+00;
	[tilespmem:v4+s7+$0x0] =	vst.idx.add.s32.msk vm6, v1;
	v4 =	vnsel vm7, $0x1FFF, v12  }
0x2b1: {  	vm9 =	vgt.f32 v16, $0.0e+00;
	vm6 =	vlt.s32 v11, $0x1FFF;
	v5 =	vmul.f32 $8.192000000e+03, v13;
	v12 =	vld [tilespmem:s26+$0x50]  }
0x2b2: {  	v14 =	vtrunc.f32 v14;
	v11 =	vnsel vm6, $0x1FFF, v11;
	[tilespmem:v7+s7+$0x0] =	vst.idx.add.s32.msk vm4, v1;
	vm4 =	vlt.s32 v9, $0x1FFF  }
0x2b3: {  	v7 =	vcvt.f32.s32 v14;
	v5 =	vtrunc.f32 v5;
	v14 =	vld [tilespmem:s31+$0x30];
	v9 =	vnsel vm4, $0x1FFF, v9  }
0x2b4: {  	v16 =	vmul.f32 $8.192000000e+03, v15;
	vm4 =	vgt.f32 v15, $0.0e+00;
	v5 =	vcvt.f32.s32 v5;
	[tilespmem:v6+s7+$0x0] =	vst.idx.add.s32.msk vm2, v1  }
0x2b5: {  	vm2 =	vlt.s32 v7, $0x1FFF;
	v6 =	vmul.f32 $8.192000000e+03, v10;
	[tilespmem:v4+s7+$0x0] =	vst.idx.add.s32.msk vm8, v1;
	v4 =	vtrunc.f32 v8  }
0x2b6: {  	vm7 =	vgt.f32 v13, $0.0e+00;
	vm6 =	vlt.s32 v5, $0x1FFF;
	v8 =	vmul.f32 $8.192000000e+03, v12;
	v10 =	vld [tilespmem:s16+$0x30]  }
0x2b7: {  	v7 =	vnsel vm2, $0x1FFF, v7;
	[tilespmem:v11+s7+$0x0] =	vst.idx.add.s32.msk vm9, v1;
	v11 =	vtrunc.f32 v16;
	v5 =	vnsel vm6, $0x1FFF, v5  }
0x2b8: {  	v13 =	vld [tilespmem:s28+$0x20];
	v11 =	vcvt.f32.s32 v11;
	vm2 =	vgt.f32 v14, $0.0e+00;
	v8 =	vtrunc.f32 v8  }
0x2b9: {  	vm6 =	vgt.f32 v2, $0.0e+00;
	v14 =	vmul.f32 $8.192000000e+03, v14;
	v8 =	vcvt.f32.s32 v8;
	v15 =	vld [tilespmem:s18+$0x70];
	s18 =	smov.u32 s31  }
0x2ba: {  	v2 =	vcvt.f32.s32 v4;
	v4 =	vtrunc.f32 v6;
	vm8 =	vlt.s32 v11, $0x1FFF;
	[tilespmem:v9+s7+$0x0] =	vst.idx.add.s32.msk vm1, v1  }
0x2bb: {  	s23 =	sadd.s32 $0x400, s22;
	vm9 =	vgt.f32 v12, $0.0e+00;
	vm1 =	vlt.s32 v8, $0x1FFF;
	v6 =	vmul.f32 $8.192000000e+03, v10;
	v9 =	vld [tilespmem:s17+$0x20]  }
0x2bc: {  	s31 =	sor.u32 s20, s23;
	s23 =	sor.u32 s21, s23;
	v11 =	vnsel vm8, $0x1FFF, v11;
	[tilespmem:v5+s7+$0x0] =	vst.idx.add.s32.msk vm7, v1;
	v5 =	vtrunc.f32 v14;
	v8 =	vnsel vm1, $0x1FFF, v8  }
0x2bd: {  	vm7 =	vlt.s32 v2, $0x1FFF;
	v12 =	vmul.f32 $8.192000000e+03, v13;
	v14 =	vld [tilespmem:s23+$0x0];
	v6 =	vtrunc.f32 v6  }
0x2be: {  	v5 =	vcvt.f32.s32 v5;
	[tilespmem:v7+s7+$0x0] =	vst.idx.add.s32.msk vm5, v1;
	vm1 =	vgt.f32 v15, $0.0e+00;
	v6 =	vcvt.f32.s32 v6  }
0x2bf: {  	v2 =	vnsel vm7, $0x1FFF, v2;
	v15 =	vmul.f32 $8.192000000e+03, v15;
	v7 =	vld [tilespmem:s9+$0x20];
	v12 =	vtrunc.f32 v12  }
0x2c0: {  	vm7 =	vgt.f32 v10, $0.0e+00;
	v12 =	vcvt.f32.s32 v12;
	vm5 =	vlt.s32 v6, $0x1FFF;
	[tilespmem:v3+s7+$0x0] =	vst.idx.add.s32.msk vm6, v1  }
0x2c1: {  	vm6 =	vlt.s32 v5, $0x1FFF;
	v3 =	vtrunc.f32 v15;
	[tilespmem:v8+s7+$0x0] =	vst.idx.add.s32.msk vm9, v1;
	v6 =	vnsel vm5, $0x1FFF, v6  }
0x2c2: {  	vm8 =	vgt.f32 v13, $0.0e+00;
	vm5 =	vlt.s32 v12, $0x1FFF;
	v8 =	vmul.f32 $8.192000000e+03, v14;
	v10 =	vld [tilespmem:s26+$0x60]  }
0x2c3: {  	v5 =	vnsel vm6, $0x1FFF, v5;
	v3 =	vcvt.f32.s32 v3;
	v12 =	vnsel vm5, $0x1FFF, v12;
	[tilespmem:v11+s7+$0x0] =	vst.idx.add.s32.msk vm4, v1  }
0x2c4: {  	v11 =	vmul.f32 $8.192000000e+03, v7;
	vm4 =	vgt.f32 v7, $0.0e+00;
	v7 =	vld [tilespmem:s29+$0x70];
	v8 =	vtrunc.f32 v8;
	s29 =	smov.u32 s9  }
0x2c5: {  	v13 =	vmul.f32 $8.192000000e+03, v9;
	vm5 =	vlt.s32 v3, $0x1FFF;
	v8 =	vcvt.f32.s32 v8;
	[tilespmem:v2+s7+$0x0] =	vst.idx.add.s32.msk vm3, v1  }
0x2c6: {  	v3 =	vnsel vm5, $0x1FFF, v3;
	vm3 =	vgt.f32 v9, $0.0e+00;
	v2 =	vtrunc.f32 v11;
	[tilespmem:v6+s7+$0x0] =	vst.idx.add.s32.msk vm7, v1  }
0x2c7: {  	vm6 =	vgt.f32 v14, $0.0e+00;
	vm5 =	vlt.s32 v8, $0x1FFF;
	v6 =	vmul.f32 $8.192000000e+03, v10;
	v9 =	vld [tilespmem:s16+$0x40]  }
0x2c8: {  	v11 =	vtrunc.f32 v13;
	v2 =	vcvt.f32.s32 v2;
	[tilespmem:v12+s7+$0x0] =	vst.idx.add.s32.msk vm8, v1;
	v8 =	vnsel vm5, $0x1FFF, v8  }
0x2c9: {  	v12 =	vld [tilespmem:s28+$0x30];
	v13 =	vmul.f32 $8.192000000e+03, v7;
	vm5 =	vgt.f32 v7, $0.0e+00;
	v6 =	vtrunc.f32 v6  }
0x2ca: {  	vm7 =	vlt.s32 v2, $0x1FFF;
	[tilespmem:v5+s7+$0x0] =	vst.idx.add.s32.msk vm2, v1;
	v5 =	vcvt.f32.s32 v6;
	v6 =	vcvt.f32.s32 v11  }
0x2cb: {  	v4 =	vcvt.f32.s32 v4;
	v2 =	vnsel vm7, $0x1FFF, v2;
	v7 =	vtrunc.f32 v13;
	v11 =	vld [tilespmem:s18+$0x40]  }
0x2cc: {  	vm7 =	vgt.f32 v10, $0.0e+00;
	vm2 =	vlt.s32 v5, $0x1FFF;
	[tilespmem:v3+s7+$0x0] =	vst.idx.add.s32.msk vm1, v1;
	v3 =	vmul.f32 $8.192000000e+03, v9  }
0x2cd: {  	v7 =	vcvt.f32.s32 v7;
	vm1 =	vlt.s32 v6, $0x1FFF;
	[tilespmem:v8+s7+$0x0] =	vst.idx.add.s32.msk vm6, v1;
	v5 =	vnsel vm2, $0x1FFF, v5  }
0x2ce: {  	v6 =	vnsel vm1, $0x1FFF, v6;
	v8 =	vmul.f32 $8.192000000e+03, v12;
	v10 =	vld [tilespmem:s23+$0x10];
	v3 =	vtrunc.f32 v3  }
0x2cf: {  	vm6 =	vlt.s32 v4, $0x1FFF;
	vm1 =	vlt.s32 v7, $0x1FFF;
	v13 =	vld [tilespmem:s19+$0x0];
	v3 =	vcvt.f32.s32 v3  }
0x2d0: {  	v7 =	vnsel vm1, $0x1FFF, v7;
	[tilespmem:v2+s7+$0x0] =	vst.idx.add.s32.msk vm4, v1;
	v2 =	vtrunc.f32 v8;
	v8 =	vmul.f32 $8.192000000e+03, v11  }
0x2d1: {  	vm8 =	vgt.f32 v9, $0.0e+00;
	v14 =	vld [tilespmem:s29+$0x30];
	v2 =	vcvt.f32.s32 v2;
	vm2 =	vlt.s32 v3, $0x1FFF  }
0x2d2: {  	vm1 =	vgt.f32 v11, $0.0e+00;
	v8 =	vtrunc.f32 v8;
	[tilespmem:v5+s7+$0x0] =	vst.idx.add.s32.msk vm7, v1;
	v3 =	vnsel vm2, $0x1FFF, v3  }
0x2d3: {  	vm7 =	vgt.f32 v12, $0.0e+00;
	vm2 =	vlt.s32 v2, $0x1FFF;
	v5 =	vmul.f32 $8.192000000e+03, v10;
	v9 =	vld [tilespmem:s26+$0x70];
	s26 =	smov.u32 s23  }
0x2d4: {  	v8 =	vcvt.f32.s32 v8;
	v2 =	vnsel vm2, $0x1FFF, v2;
	v11 =	vmul.f32 $8.192000000e+03, v13;
	[tilespmem:v6+s7+$0x0] =	vst.idx.add.s32.msk vm3, v1  }
0x2d5: {  	v4 =	vnsel vm6, $0x1FFF, v4;
	vm2 =	vgt.f32 v13, $0.0e+00;
	[tilespmem:v7+s7+$0x0] =	vst.idx.add.s32.msk vm5, v1;
	v5 =	vtrunc.f32 v5  }
0x2d6: {  	v6 =	vmul.f32 $8.192000000e+03, v14;
	vm4 =	vgt.f32 v14, $0.0e+00;
	v7 =	vld [tilespmem:s31+$0x0];
	v5 =	vcvt.f32.s32 v5  }
0x2d7: {  	vm3 =	vlt.s32 v8, $0x1FFF;
	v11 =	vtrunc.f32 v11;
	[tilespmem:v3+s7+$0x0] =	vst.idx.add.s32.msk vm8, v1  }
0x2d8: {  	vm6 =	vgt.f32 v10, $0.0e+00;
	vm5 =	vlt.s32 v5, $0x1FFF;
	v3 =	vmul.f32 $8.192000000e+03, v9;
	v10 =	vld [tilespmem:s16+$0x50]  }
0x2d9: {  	v6 =	vtrunc.f32 v6;
	[tilespmem:v2+s7+$0x0] =	vst.idx.add.s32.msk vm7, v1;
	v2 =	vnsel vm5, $0x1FFF, v5;
	v5 =	vnsel vm3, $0x1FFF, v8  }
0x2da: {  	v6 =	vcvt.f32.s32 v6;
	v8 =	vld [tilespmem:s28+$0x40];
	v3 =	vtrunc.f32 v3  }
0x2db: {  	v12 =	vmul.f32 $8.192000000e+03, v7;
	vm3 =	vgt.f32 v7, $0.0e+00;
	v3 =	vcvt.f32.s32 v3;
	v7 =	vld [tilespmem:s17+$0x30]  }
0x2dc: {  	v11 =	vcvt.f32.s32 v11;
	vm7 =	vlt.s32 v6, $0x1FFF;
	v13 =	vld [tilespmem:s12+$0x50]  }
0x2dd: {  	vm5 =	vgt.f32 v9, $0.0e+00;
	vm8 =	vlt.s32 v3, $0x1FFF;
	v9 =	vmul.f32 $8.192000000e+03, v10;
	[tilespmem:v4+s7+$0x0] =	vst.idx.add.s32.msk vm0, v1  }
0x2de: {  	v4 =	vnsel vm7, $0x1FFF, v6;
	v6 =	vtrunc.f32 v12;
	[tilespmem:v2+s7+$0x0] =	vst.idx.add.s32.msk vm6, v1;
	v3 =	vnsel vm8, $0x1FFF, v3  }
0x2df: {  	vm0 =	vlt.s32 v11, $0x1FFF;
	v2 =	vmul.f32 $8.192000000e+03, v8;
	v12 =	vld [tilespmem:s26+$0x20];
	v9 =	vtrunc.f32 v9  }
0x2e0: {  	v6 =	vcvt.f32.s32 v6;
	[tilespmem:v5+s7+$0x0] =	vst.idx.add.s32.msk vm1, v1;
	v5 =	vnsel vm0, $0x1FFF, v11;
	v9 =	vcvt.f32.s32 v9  }
0x2e1: {  	v14 =	vmul.f32 $8.192000000e+03, v7;
	vm1 =	vgt.f32 v7, $0.0e+00;
	v2 =	vtrunc.f32 v2;
	v11 =	vld [tilespmem:s18+$0x50]  }
0x2e2: {  	s9 =	sadd.s32 $0x800, s14;
	s14 =	smov.u32 s22;
	s22 =	smov.u32 s8;
	vm0 =	vgt.f32 v10, $0.0e+00;
	v7 =	vcvt.f32.s32 v2;
	vm6 =	vlt.s32 v9, $0x1FFF;
	v2 =	vld [tilespmem:s11+$0x70]  }
0x2e3: {  	s8 =	sor.u32 s13, s9;
	s24 =	sor.u32 s15, s9;
	s13 =	smov.u32 s20;
	vm7 =	vlt.s32 v6, $0x1FFF;
	[tilespmem:v3+s7+$0x0] =	vst.idx.add.s32.msk vm5, v1;
	v3 =	vnsel vm6, $0x1FFF, v9;
	v9 =	vtrunc.f32 v14  }
0x2e4: {  	s20 =	smov.u32 s0;
	s15 =	smov.u32 s21;
	s21 =	smov.u32 s1;
	vm5 =	vgt.f32 v8, $0.0e+00;
	vm6 =	vlt.s32 v7, $0x1FFF;
	v8 =	vmul.f32 $8.192000000e+03, v12;
	v14 =	vld [tilespmem:s24+$0x0]  }
0x2e5: {  	v10 =	vnsel vm7, $0x1FFF, v6;
	s11 =	smov.u32 s12;
	s12 =	smov.u32 s17;
	s17 =	smov.u32 s19;
	[tilespmem:v4+s7+$0x0] =	vst.idx.add.s32.msk vm4, v1;
	v7 =	vnsel vm6, $0x1FFF, v7;
	v4 =	vcvt.f32.s32 v9  }
0x2e6: {  	s19 =	smov.u32 s8;
	v9 =	vld [tilespmem:s29+$0x40];
	v6 =	vtrunc.f32 v8;
	v8 =	vmul.f32 $8.192000000e+03, v11;
	vm4 =	vgt.f32 v11, $0.0e+00  }
0x2e7: {  	v11 =	vcvt.f32.s32 v6;
	[tilespmem:v5+s7+$0x0] =	vst.idx.add.s32.msk vm2, v1;
	vm2 =	vlt.s32 v4, $0x1FFF;
	v5 =	vmul.f32 $8.192000000e+03, v13  }
0x2e8: {  	v8 =	vtrunc.f32 v8;
	[tilespmem:v3+s7+$0x0] =	vst.idx.add.s32.msk vm0, v1;
	v4 =	vnsel vm2, $0x1FFF, v4;
	vm0 =	vgt.f32 v13, $0.0e+00  }
0x2e9: {  	vm6 =	vgt.f32 v12, $0.0e+00;
	vm2 =	vlt.s32 v11, $0x1FFF;
	v3 =	vmul.f32 $8.192000000e+03, v14;
	v6 =	vld [tilespmem:s16+$0x60]  }
0x2ea: {  	v5 =	vtrunc.f32 v5;
	[tilespmem:v7+s7+$0x0] =	vst.idx.add.s32.msk vm5, v1;
	v15 =	vnsel vm2, $0x1FFF, v11;
	v7 =	vcvt.f32.s32 v8  }
.Ltmp1:
0x2eb: {  	v8 =	vmul.f32 $8.192000000e+03, v9;
	vm5 =	vgt.f32 v9, $0.0e+00;
	v12 =	vld [tilespmem:s28+$0x50];
	v3 =	vtrunc.f32 v3;
	(pc) =	sbr.rel @p0 .LBB2_4-.Ltmp1, $4  }
0x2ec: {  	[tilespmem:v10+s7+$0x0] =	vst.idx.add.s32.msk vm3, v1;
	vm2 =	vlt.s32 v7, $0x1FFF;
	v9 =	vcvt.f32.s32 v3;
	v3 =	vcvt.f32.s32 v5  }
0x2ed: {  	v5 =	vmul.f32 $8.192000000e+03, v2;
	v13 =	vtrunc.f32 v8;
	v11 =	vld [tilespmem:s31+$0x10];
	v10 =	vnsel vm2, $0x1FFF, v7  }
0x2ee: {  	vm3 =	vgt.f32 v14, $0.0e+00;
	vm2 =	vlt.s32 v9, $0x1FFF;
	v7 =	vld [tilespmem:s17+$0x10];
	v8 =	vmul.f32 $8.192000000e+03, v6  }
0x2ef: {  	v13 =	vcvt.f32.s32 v13;
	[tilespmem:v15+s7+$0x0] =	vst.idx.add.s32.msk vm6, v1;
	v9 =	vnsel vm2, $0x1FFF, v9;
	vm2 =	vlt.s32 v3, $0x1FFF  }
0x2f0: {  	_ = 	snop  }
0x2f1: {  	vm6 =	vlt.s32 v13, $0x1FFF  }
0x2f2: {  	v14 =	vmul.f32 $8.192000000e+03, v12;
	v13 =	vnsel vm6, $0x1FFF, v13;
	_ =	sdelay $0x1  }
0x2f3: {  	v14 =	vtrunc.f32 v14  }
0x2f4: {  	v14 =	vcvt.f32.s32 v14;
	_ =	sdelay $0x1  }
0x2f5: {  	vm15 =	vgt.f32 v12, $0.0e+00;
	vm14 =	vlt.s32 v14, $0x1FFF;
	[tilespmem:v13+s7+$0x0] =	vst.idx.add.s32.msk vm5, v1  }
0x2f6: {  	v47 =	vnsel vm14, $0x1FFF, v14;
	v13 =	vld [tilespmem:s29+$0x50];
	_ =	sdelay $0x4  }
0x2f7: {  	[tilespmem:v47+s7+$0x0] =	vst.idx.add.s32.msk vm15, v1;
	v48 =	vmul.f32 $8.192000000e+03, v13  }
0x2f8: {  	v12 =	vld [tilespmem:s28+$0x60]  }
0x2f9: {  	v14 =	vtrunc.f32 v48  }
0x2fa: {  	v14 =	vcvt.f32.s32 v14;
	_ =	sdelay $0x1  }
0x2fb: {  	vm9 =	vgt.f32 v13, $0.0e+00;
	vm10 =	vlt.s32 v14, $0x1FFF  }
0x2fc: {  	v50 =	vmul.f32 $8.192000000e+03, v12;
	v49 =	vnsel vm10, $0x1FFF, v14;
	_ =	sdelay $0x1  }
0x2fd: {  	v14 =	vtrunc.f32 v50  }
0x2fe: {  	v14 =	vcvt.f32.s32 v14;
	_ =	sdelay $0x1  }
0x2ff: {  	vm12 =	vgt.f32 v12, $0.0e+00;
	vm11 =	vlt.s32 v14, $0x1FFF;
	[tilespmem:v49+s7+$0x0] =	vst.idx.add.s32.msk vm9, v1  }
0x300: {  	v51 =	vnsel vm11, $0x1FFF, v14;
	v13 =	vld [tilespmem:s29+$0x60];
	_ =	sdelay $0x4  }
0x301: {  	[tilespmem:v51+s7+$0x0] =	vst.idx.add.s32.msk vm12, v1;
	v52 =	vmul.f32 $8.192000000e+03, v13  }
0x302: {  	v12 =	vld [tilespmem:s28+$0x70]  }
0x303: {  	v14 =	vtrunc.f32 v52  }
0x304: {  	v14 =	vcvt.f32.s32 v14;
	_ =	sdelay $0x1  }
0x305: {  	vm13 =	vgt.f32 v13, $0.0e+00;
	vm14 =	vlt.s32 v14, $0x1FFF  }
0x306: {  	v54 =	vmul.f32 $8.192000000e+03, v12;
	v53 =	vnsel vm14, $0x1FFF, v14;
	_ =	sdelay $0x1  }
0x307: {  	v14 =	vtrunc.f32 v54  }
0x308: {  	v14 =	vcvt.f32.s32 v14;
	_ =	sdelay $0x1  }
0x309: {  	vm9 =	vgt.f32 v12, $0.0e+00;
	vm15 =	vlt.s32 v14, $0x1FFF;
	[tilespmem:v53+s7+$0x0] =	vst.idx.add.s32.msk vm13, v1  }
0x30a: {  	v55 =	vnsel vm15, $0x1FFF, v14;
	v13 =	vld [tilespmem:s29+$0x70];
	_ =	sdelay $0x3  }
0x30b: {  	s0 =	sadd.s32 $0x400, s22  }
0x30c: {  	s1 =	sor.u32 s21, s0;
	[tilespmem:v55+s7+$0x0] =	vst.idx.add.s32.msk vm9, v1;
	v56 =	vmul.f32 $8.192000000e+03, v13  }
0x30d: {  	v12 =	vld [tilespmem:s1+$0x0]  }
0x30e: {  	v14 =	vtrunc.f32 v56  }
0x30f: {  	v14 =	vcvt.f32.s32 v14;
	_ =	sdelay $0x1  }
0x310: {  	vm10 =	vgt.f32 v13, $0.0e+00;
	vm11 =	vlt.s32 v14, $0x1FFF  }
0x311: {  	v58 =	vmul.f32 $8.192000000e+03, v12;
	v57 =	vnsel vm11, $0x1FFF, v14;
	_ =	sdelay $0x1  }
0x312: {  	v14 =	vtrunc.f32 v58  }
0x313: {  	v14 =	vcvt.f32.s32 v14;
	_ =	sdelay $0x1  }
0x314: {  	s0 =	sor.u32 s20, s0;
	vm13 =	vgt.f32 v12, $0.0e+00;
	vm12 =	vlt.s32 v14, $0x1FFF;
	[tilespmem:v57+s7+$0x0] =	vst.idx.add.s32.msk vm10, v1  }
0x315: {  	v59 =	vnsel vm12, $0x1FFF, v14;
	v13 =	vld [tilespmem:s0+$0x0];
	_ =	sdelay $0x4  }
0x316: {  	[tilespmem:v59+s7+$0x0] =	vst.idx.add.s32.msk vm13, v1;
	v60 =	vmul.f32 $8.192000000e+03, v13  }
0x317: {  	v12 =	vld [tilespmem:s1+$0x10]  }
0x318: {  	v14 =	vtrunc.f32 v60  }
0x319: {  	v14 =	vcvt.f32.s32 v14  }
0x31a: {  	v15 =	vmul.f32 $8.192000000e+03, v11  }
0x31b: {  	vm14 =	vgt.f32 v13, $0.0e+00;
	vm15 =	vlt.s32 v14, $0x1FFF  }
0x31c: {  	v63 =	vtrunc.f32 v15;
	v62 =	vmul.f32 $8.192000000e+03, v12;
	v61 =	vnsel vm15, $0x1FFF, v14  }
0x31d: {  	vm10 =	vgt.f32 v12, $0.0e+00;
	v12 =	vcvt.f32.s32 v63  }
0x31e: {  	v14 =	vtrunc.f32 v62  }
0x31f: {  	vm11 =	vgt.f32 v11, $0.0e+00;
	vm7 =	vlt.s32 v12, $0x1FFF;
	v14 =	vcvt.f32.s32 v14  }
0x320: {  	v12 =	vnsel vm7, $0x1FFF, v12  }
0x321: {  	vm9 =	vlt.s32 v14, $0x1FFF;
	[tilespmem:v61+s7+$0x0] =	vst.idx.add.s32.msk vm14, v1  }
0x322: {  	v14 =	vnsel vm9, $0x1FFF, v14;
	v13 =	vld [tilespmem:s0+$0x10];
	_ =	sdelay $0x2  }
0x323: {  	[tilespmem:v12+s7+$0x0] =	vst.idx.add.s32.msk vm11, v1  }
0x324: {  	v12 =	vld [tilespmem:s31+$0x20]  }
0x325: {  	[tilespmem:v14+s7+$0x0] =	vst.idx.add.s32.msk vm10, v1;
	v18 =	vmul.f32 $8.192000000e+03, v13  }
0x326: {  	v20 =	vld [tilespmem:s1+$0x20]  }
0x327: {  	v15 =	vtrunc.f32 v18  }
0x328: {  	v19 =	vcvt.f32.s32 v15;
	_ =	sdelay $0x1  }
0x329: {  	vm12 =	vgt.f32 v13, $0.0e+00;
	v22 =	vmul.f32 $8.192000000e+03, v12;
	vm13 =	vlt.s32 v19, $0x1FFF  }
0x32a: {  	v21 =	vmul.f32 $8.192000000e+03, v20;
	v11 =	vnsel vm13, $0x1FFF, v19  }
0x32b: {  	v23 =	vtrunc.f32 v22  }
0x32c: {  	v13 =	vcvt.f32.s32 v23;
	v14 =	vtrunc.f32 v21  }
0x32d: {  	v14 =	vcvt.f32.s32 v14  }
0x32e: {  	v16 =	vld [tilespmem:s26+$0x30];
	vm9 =	vgt.f32 v12, $0.0e+00;
	vm10 =	vlt.s32 v13, $0x1FFF  }
0x32f: {  	vm15 =	vgt.f32 v20, $0.0e+00;
	v13 =	vnsel vm10, $0x1FFF, v13;
	vm14 =	vlt.s32 v14, $0x1FFF;
	[tilespmem:v11+s7+$0x0] =	vst.idx.add.s32.msk vm12, v1  }
0x330: {  	v14 =	vnsel vm14, $0x1FFF, v14;
	v11 =	vld [tilespmem:s0+$0x20];
	_ =	sdelay $0x2  }
0x331: {  	v27 =	vmul.f32 $8.192000000e+03, v16  }
0x332: {  	[tilespmem:v13+s7+$0x0] =	vst.idx.add.s32.msk vm9, v1  }
0x333: {  	[tilespmem:v14+s7+$0x0] =	vst.idx.add.s32.msk vm15, v1;
	v14 =	vtrunc.f32 v27;
	v24 =	vmul.f32 $8.192000000e+03, v11  }
0x334: {  	v26 =	vld [tilespmem:s1+$0x30];
	v28 =	vcvt.f32.s32 v14  }
0x335: {  	v29 =	vld [tilespmem:s31+$0x30];
	v15 =	vtrunc.f32 v24  }
0x336: {  	vm14 =	vgt.f32 v16, $0.0e+00;
	vm13 =	vlt.s32 v28, $0x1FFF;
	v25 =	vcvt.f32.s32 v15  }
0x337: {  	v13 =	vnsel vm13, $0x1FFF, v28  }
0x338: {  	vm11 =	vgt.f32 v11, $0.0e+00;
	vm12 =	vlt.s32 v25, $0x1FFF  }
0x339: {  	v30 =	vmul.f32 $8.192000000e+03, v26;
	v12 =	vnsel vm12, $0x1FFF, v25  }
0x33a: {  	v31 =	vmul.f32 $8.192000000e+03, v29  }
0x33b: {  	v15 =	vtrunc.f32 v30  }
0x33c: {  	v32 =	vtrunc.f32 v31;
	v15 =	vcvt.f32.s32 v15;
	[tilespmem:v13+s7+$0x0] =	vst.idx.add.s32.msk vm14, v1  }
0x33d: {  	v11 =	vcvt.f32.s32 v32;
	v13 =	vld [tilespmem:s26+$0x40]  }
0x33e: {  	vm9 =	vgt.f32 v26, $0.0e+00;
	vm15 =	vlt.s32 v15, $0x1FFF;
	[tilespmem:v12+s7+$0x0] =	vst.idx.add.s32.msk vm11, v1  }
0x33f: {  	vm10 =	vgt.f32 v29, $0.0e+00;
	v15 =	vnsel vm15, $0x1FFF, v15;
	vm11 =	vlt.s32 v11, $0x1FFF;
	v12 =	vld [tilespmem:s0+$0x30]  }
0x340: {  	v11 =	vnsel vm11, $0x1FFF, v11;
	_ =	sdelay $0x1  }
0x341: {  	v36 =	vmul.f32 $8.192000000e+03, v13;
	_ =	sdelay $0x1  }
0x342: {  	[tilespmem:v15+s7+$0x0] =	vst.idx.add.s32.msk vm9, v1;
	v15 =	vtrunc.f32 v36;
	v33 =	vmul.f32 $8.192000000e+03, v12  }
0x343: {  	v37 =	vcvt.f32.s32 v15;
	[tilespmem:v11+s7+$0x0] =	vst.idx.add.s32.msk vm10, v1  }
0x344: {  	v38 =	vld [tilespmem:s31+$0x40];
	v16 =	vtrunc.f32 v33  }
0x345: {  	vm15 =	vgt.f32 v13, $0.0e+00;
	vm14 =	vlt.s32 v37, $0x1FFF;
	v34 =	vcvt.f32.s32 v16  }
0x346: {  	v11 =	vnsel vm14, $0x1FFF, v37  }
0x347: {  	v35 =	vld [tilespmem:s1+$0x40];
	vm12 =	vgt.f32 v12, $0.0e+00;
	vm13 =	vlt.s32 v34, $0x1FFF  }
0x348: {  	v14 =	vnsel vm13, $0x1FFF, v34  }
0x349: {  	v42 =	vmul.f32 $8.192000000e+03, v38;
	_ =	sdelay $0x1  }
0x34a: {  	[tilespmem:v11+s7+$0x0] =	vst.idx.add.s32.msk vm15, v1;
	v43 =	vtrunc.f32 v42  }
0x34b: {  	v39 =	vmul.f32 $8.192000000e+03, v35;
	v46 =	vld [tilespmem:s26+$0x50];
	v45 =	vcvt.f32.s32 v43  }
0x34c: {  	[tilespmem:v14+s7+$0x0] =	vst.idx.add.s32.msk vm12, v1  }
0x34d: {  	v41 =	vtrunc.f32 v39;
	vm11 =	vgt.f32 v38, $0.0e+00;
	vm12 =	vlt.s32 v45, $0x1FFF;
	v40 =	vld [tilespmem:s0+$0x40]  }
0x34e: {  	v14 =	vcvt.f32.s32 v41;
	v11 =	vnsel vm12, $0x1FFF, v45;
	_ =	sdelay $0x1  }
0x34f: {  	vm10 =	vgt.f32 v35, $0.0e+00;
	vm9 =	vlt.s32 v14, $0x1FFF  }
0x350: {  	v50 =	vmul.f32 $8.192000000e+03, v46;
	v14 =	vnsel vm9, $0x1FFF, v14  }
0x351: {  	v44 =	vmul.f32 $8.192000000e+03, v40  }
0x352: {  	v15 =	vtrunc.f32 v50;
	[tilespmem:v11+s7+$0x0] =	vst.idx.add.s32.msk vm11, v1  }
0x353: {  	v51 =	vcvt.f32.s32 v15;
	v52 =	vld [tilespmem:s31+$0x50];
	v16 =	vtrunc.f32 v44  }
0x354: {  	v47 =	vcvt.f32.s32 v16  }
0x355: {  	vm9 =	vgt.f32 v46, $0.0e+00;
	vm15 =	vlt.s32 v51, $0x1FFF;
	[tilespmem:v14+s7+$0x0] =	vst.idx.add.s32.msk vm10, v1  }
0x356: {  	vm13 =	vgt.f32 v40, $0.0e+00;
	v11 =	vnsel vm15, $0x1FFF, v51;
	v48 =	vld [tilespmem:s1+$0x50];
	vm14 =	vlt.s32 v47, $0x1FFF  }
0x357: {  	v49 =	vnsel vm14, $0x1FFF, v47  }
0x358: {  	v56 =	vmul.f32 $8.192000000e+03, v52;
	_ =	sdelay $0x1  }
0x359: {  	v57 =	vtrunc.f32 v56  }
0x35a: {  	[tilespmem:v11+s7+$0x0] =	vst.idx.add.s32.msk vm9, v1;
	v53 =	vmul.f32 $8.192000000e+03, v48;
	v59 =	vcvt.f32.s32 v57  }
0x35b: {  	[tilespmem:v49+s7+$0x0] =	vst.idx.add.s32.msk vm13, v1  }
0x35c: {  	vm12 =	vgt.f32 v52, $0.0e+00;
	v55 =	vtrunc.f32 v53;
	vm13 =	vlt.s32 v59, $0x1FFF;
	v54 =	vld [tilespmem:s0+$0x50]  }
0x35d: {  	v60 =	vld [tilespmem:s26+$0x60];
	v14 =	vcvt.f32.s32 v55;
	v11 =	vnsel vm13, $0x1FFF, v59;
	_ =	sdelay $0x1  }
0x35e: {  	vm11 =	vgt.f32 v48, $0.0e+00;
	vm10 =	vlt.s32 v14, $0x1FFF  }
0x35f: {  	[tilespmem:v10+s7+$0x0] =	vst.idx.add.s32.msk vm4, v1;
	v14 =	vnsel vm10, $0x1FFF, v14  }
0x360: {  	v21 =	vld [tilespmem:s18+$0x60];
	v58 =	vmul.f32 $8.192000000e+03, v54  }
0x361: {  	v20 =	vmul.f32 $8.192000000e+03, v60;
	[tilespmem:v11+s7+$0x0] =	vst.idx.add.s32.msk vm12, v1  }
0x362: {  	v11 =	vld [tilespmem:s31+$0x60];
	v16 =	vtrunc.f32 v58  }
0x363: {  	v10 =	vtrunc.f32 v20;
	v61 =	vcvt.f32.s32 v16  }
0x364: {  	v10 =	vcvt.f32.s32 v10;
	[tilespmem:v14+s7+$0x0] =	vst.idx.add.s32.msk vm11, v1  }
0x365: {  	v24 =	vmul.f32 $8.192000000e+03, v21;
	vm14 =	vgt.f32 v54, $0.0e+00;
	v62 =	vld [tilespmem:s1+$0x60];
	vm15 =	vlt.s32 v61, $0x1FFF  }
0x366: {  	vm10 =	vgt.f32 v60, $0.0e+00;
	vm9 =	vlt.s32 v10, $0x1FFF;
	v63 =	vnsel vm15, $0x1FFF, v61  }
0x367: {  	v10 =	vnsel vm9, $0x1FFF, v10;
	v17 =	vmul.f32 $8.192000000e+03, v11  }
0x368: {  	v14 =	vtrunc.f32 v24  }
0x369: {  	v14 =	vcvt.f32.s32 v14;
	v25 =	vtrunc.f32 v17  }
0x36a: {  	v22 =	vmul.f32 $8.192000000e+03, v62;
	v27 =	vcvt.f32.s32 v25  }
0x36b: {  	vm13 =	vgt.f32 v21, $0.0e+00;
	vm15 =	vgt.f32 v11, $0.0e+00;
	[tilespmem:v63+s7+$0x0] =	vst.idx.add.s32.msk vm14, v1;
	vm14 =	vlt.s32 v14, $0x1FFF  }
0x36c: {  	[tilespmem:v10+s7+$0x0] =	vst.idx.add.s32.msk vm10, v1;
	v16 =	vtrunc.f32 v22;
	vm9 =	vlt.s32 v27, $0x1FFF;
	v28 =	vnsel vm14, $0x1FFF, v14  }
0x36d: {  	v29 =	vld [tilespmem:s26+$0x70];
	v16 =	vcvt.f32.s32 v16;
	v10 =	vnsel vm9, $0x1FFF, v27  }
0x36e: {  	v23 =	vld [tilespmem:s0+$0x60]  }
0x36f: {  	vm12 =	vgt.f32 v62, $0.0e+00;
	vm11 =	vlt.s32 v16, $0x1FFF  }
0x370: {  	v16 =	vnsel vm11, $0x1FFF, v16  }
0x371: {  	[tilespmem:v28+s7+$0x0] =	vst.idx.add.s32.msk vm13, v1  }
0x372: {  	v33 =	vmul.f32 $8.192000000e+03, v29;
	[tilespmem:v10+s7+$0x0] =	vst.idx.add.s32.msk vm15, v1  }
0x373: {  	v26 =	vmul.f32 $8.192000000e+03, v23;
	v34 =	vld [tilespmem:s18+$0x70]  }
0x374: {  	v12 =	vtrunc.f32 v33;
	v36 =	vld [tilespmem:s31+$0x70]  }
0x375: {  	v35 =	vcvt.f32.s32 v12;
	v30 =	vtrunc.f32 v26;
	[tilespmem:v16+s7+$0x0] =	vst.idx.add.s32.msk vm12, v1  }
0x376: {  	v31 =	vcvt.f32.s32 v30;
	v32 =	vld [tilespmem:s1+$0x70]  }
0x377: {  	vm13 =	vgt.f32 v29, $0.0e+00;
	vm12 =	vlt.s32 v35, $0x1FFF  }
0x378: {  	vm10 =	vgt.f32 v23, $0.0e+00;
	v10 =	vnsel vm12, $0x1FFF, v35;
	vm11 =	vlt.s32 v31, $0x1FFF  }
0x379: {  	v11 =	vnsel vm11, $0x1FFF, v31;
	v38 =	vmul.f32 $8.192000000e+03, v34  }
0x37a: {  	v39 =	vmul.f32 $8.192000000e+03, v36  }
0x37b: {  	[tilespmem:v9+s7+$0x0] =	vst.idx.add.s32.msk vm3, v1;
	v37 =	vmul.f32 $8.192000000e+03, v32;
	v14 =	vtrunc.f32 v38  }
0x37c: {  	v41 =	vld [tilespmem:s24+$0x10];
	v42 =	vtrunc.f32 v39;
	v40 =	vcvt.f32.s32 v14  }
0x37d: {  	s26 =	sadd.s32 $0x800, s14;
	vm9 =	vgt.f32 v34, $0.0e+00;
	[tilespmem:v10+s7+$0x0] =	vst.idx.add.s32.msk vm13, v1;
	v44 =	vcvt.f32.s32 v42  }
0x37e: {  	s14 =	sor.u32 s15, s26;
	vm11 =	vgt.f32 v36, $0.0e+00;
	v16 =	vtrunc.f32 v37;
	[tilespmem:v11+s7+$0x0] =	vst.idx.add.s32.msk vm10, v1;
	vm10 =	vlt.s32 v40, $0x1FFF  }
0x37f: {  	v45 =	vld [tilespmem:s14+$0x0];
	v16 =	vcvt.f32.s32 v16;
	vm12 =	vlt.s32 v44, $0x1FFF;
	v9 =	vnsel vm10, $0x1FFF, v40  }
0x380: {  	v10 =	vnsel vm12, $0x1FFF, v44  }
0x381: {  	vm15 =	vgt.f32 v32, $0.0e+00;
	v11 =	vld [tilespmem:s0+$0x70];
	vm14 =	vlt.s32 v16, $0x1FFF  }
0x382: {  	v48 =	vmul.f32 $8.192000000e+03, v41;
	v16 =	vnsel vm14, $0x1FFF, v16;
	_ =	sdelay $0x1  }
0x383: {  	v15 =	vtrunc.f32 v48;
	v50 =	vmul.f32 $8.192000000e+03, v45;
	[tilespmem:v9+s7+$0x0] =	vst.idx.add.s32.msk vm9, v1  }
0x384: {  	v15 =	vcvt.f32.s32 v15;
	[tilespmem:v10+s7+$0x0] =	vst.idx.add.s32.msk vm11, v1  }
0x385: {  	v43 =	vmul.f32 $8.192000000e+03, v11;
	v9 =	vtrunc.f32 v50;
	v51 =	vld [tilespmem:s19+$0x0]  }
0x386: {  	s9 =	sadd.s32 $0x800, s22;
	vm8 =	vgt.f32 v41, $0.0e+00;
	s28 =	sor.u32 s13, s26;
	v9 =	vcvt.f32.s32 v9;
	[tilespmem:v16+s7+$0x0] =	vst.idx.add.s32.msk vm15, v1;
	vm15 =	vlt.s32 v15, $0x1FFF  }
0x387: {  	s8 =	sor.u32 s21, s9;
	v10 =	vld [tilespmem:s28+$0x0];
	v46 =	vtrunc.f32 v43;
	v52 =	vnsel vm15, $0x1FFF, v15  }
0x388: {  	vm10 =	vgt.f32 v45, $0.0e+00;
	v47 =	vcvt.f32.s32 v46;
	v49 =	vld [tilespmem:s8+$0x0];
	vm9 =	vlt.s32 v9, $0x1FFF  }
0x389: {  	v9 =	vnsel vm9, $0x1FFF, v9  }
0x38a: {  	vm13 =	vgt.f32 v11, $0.0e+00;
	vm14 =	vlt.s32 v47, $0x1FFF  }
0x38b: {  	v12 =	vnsel vm14, $0x1FFF, v47;
	v54 =	vmul.f32 $8.192000000e+03, v51  }
0x38c: {  	v55 =	vmul.f32 $8.192000000e+03, v10;
	[tilespmem:v52+s7+$0x0] =	vst.idx.add.s32.msk vm8, v1  }
0x38d: {  	v53 =	vmul.f32 $8.192000000e+03, v49;
	v14 =	vtrunc.f32 v54;
	v57 =	vld [tilespmem:s24+$0x20]  }
0x38e: {  	v56 =	vcvt.f32.s32 v14;
	[tilespmem:v9+s7+$0x0] =	vst.idx.add.s32.msk vm10, v1  }
0x38f: {  	v58 =	vtrunc.f32 v55;
	v15 =	vtrunc.f32 v53;
	v61 =	vld [tilespmem:s14+$0x10]  }
0x390: {  	s29 =	sor.u32 s20, s9;
	[tilespmem:v12+s7+$0x0] =	vst.idx.add.s32.msk vm13, v1;
	v15 =	vcvt.f32.s32 v15;
	vm13 =	vgt.f32 v51, $0.0e+00;
	vm14 =	vlt.s32 v56, $0x1FFF  }
0x391: {  	v60 =	vcvt.f32.s32 v58;
	v12 =	vld [tilespmem:s29+$0x0];
	v13 =	vnsel vm14, $0x1FFF, v56  }
0x392: {  	vm12 =	vgt.f32 v49, $0.0e+00;
	vm11 =	vlt.s32 v15, $0x1FFF  }
0x393: {  	vm15 =	vgt.f32 v10, $0.0e+00;
	vm9 =	vlt.s32 v60, $0x1FFF;
	v15 =	vnsel vm11, $0x1FFF, v15  }
0x394: {  	v9 =	vnsel vm9, $0x1FFF, v60;
	v23 =	vmul.f32 $8.192000000e+03, v61  }
0x395: {  	v25 =	vmul.f32 $8.192000000e+03, v7;
	v20 =	vmul.f32 $8.192000000e+03, v57  }
0x396: {  	v59 =	vmul.f32 $8.192000000e+03, v12;
	[tilespmem:v13+s7+$0x0] =	vst.idx.add.s32.msk vm13, v1;
	v13 =	vtrunc.f32 v23  }
0x397: {  	v22 =	vtrunc.f32 v20;
	v24 =	vld [tilespmem:s19+$0x10];
	v26 =	vcvt.f32.s32 v13  }
0x398: {  	v62 =	vtrunc.f32 v59;
	[tilespmem:v15+s7+$0x0] =	vst.idx.add.s32.msk vm12, v1;
	v15 =	vcvt.f32.s32 v22  }
0x399: {  	[tilespmem:v9+s7+$0x0] =	vst.idx.add.s32.msk vm15, v1;
	vm15 =	vgt.f32 v61, $0.0e+00;
	v63 =	vcvt.f32.s32 v62;
	vm14 =	vlt.s32 v26, $0x1FFF  }
0x39a: {  	vm13 =	vgt.f32 v57, $0.0e+00;
	v21 =	vld [tilespmem:s8+$0x10];
	vm12 =	vlt.s32 v15, $0x1FFF;
	v9 =	vnsel vm14, $0x1FFF, v26  }
0x39b: {  	vm10 =	vgt.f32 v12, $0.0e+00;
	vm11 =	vlt.s32 v63, $0x1FFF;
	v15 =	vnsel vm12, $0x1FFF, v15  }
0x39c: {  	v10 =	vnsel vm11, $0x1FFF, v63  }
0x39d: {  	v28 =	vtrunc.f32 v25;
	v32 =	vmul.f32 $8.192000000e+03, v24  }
0x39e: {  	v30 =	vcvt.f32.s32 v28;
	v27 =	vld [tilespmem:s28+$0x10]  }
0x39f: {  	v29 =	vmul.f32 $8.192000000e+03, v21;
	v14 =	vtrunc.f32 v32;
	[tilespmem:v9+s7+$0x0] =	vst.idx.add.s32.msk vm15, v1  }
0x3a0: {  	v14 =	vcvt.f32.s32 v14;
	[tilespmem:v15+s7+$0x0] =	vst.idx.add.s32.msk vm13, v1  }
0x3a1: {  	vm9 =	vgt.f32 v7, $0.0e+00;
	v17 =	vtrunc.f32 v29;
	[tilespmem:v10+s7+$0x0] =	vst.idx.add.s32.msk vm10, v1;
	vm10 =	vlt.s32 v30, $0x1FFF  }
0x3a2: {  	vm13 =	vgt.f32 v24, $0.0e+00;
	v39 =	vld [tilespmem:s14+$0x20];
	vm14 =	vlt.s32 v14, $0x1FFF;
	v10 =	vnsel vm10, $0x1FFF, v30  }
0x3a3: {  	v33 =	vcvt.f32.s32 v17;
	v31 =	vld [tilespmem:s29+$0x10];
	v14 =	vnsel vm14, $0x1FFF, v14  }
0x3a4: {  	v34 =	vmul.f32 $8.192000000e+03, v27;
	v35 =	vld [tilespmem:s24+$0x30]  }
0x3a5: {  	vm12 =	vgt.f32 v21, $0.0e+00;
	vm11 =	vlt.s32 v33, $0x1FFF  }
0x3a6: {  	v36 =	vtrunc.f32 v34;
	v7 =	vnsel vm11, $0x1FFF, v33  }
0x3a7: {  	v8 =	vtrunc.f32 v8;
	v38 =	vcvt.f32.s32 v36;
	[tilespmem:v10+s7+$0x0] =	vst.idx.add.s32.msk vm9, v1  }
0x3a8: {  	v44 =	vcvt.f32.s32 v8;
	vm15 =	vgt.f32 v27, $0.0e+00;
	v37 =	vmul.f32 $8.192000000e+03, v31;
	[tilespmem:v14+s7+$0x0] =	vst.idx.add.s32.msk vm13, v1  }
0x3a9: {  	v47 =	vmul.f32 $8.192000000e+03, v39;
	v43 =	vmul.f32 $8.192000000e+03, v35;
	vm9 =	vlt.s32 v38, $0x1FFF;
	v42 =	vld [tilespmem:s17+$0x20]  }
0x3aa: {  	vm10 =	vgt.f32 v31, $0.0e+00;
	v9 =	vnsel vm9, $0x1FFF, v38;
	v49 =	vld [tilespmem:s19+$0x20];
	v40 =	vtrunc.f32 v37  }
0x3ab: {  	vm13 =	vgt.f32 v6, $0.0e+00;
	v16 =	vtrunc.f32 v47;
	[tilespmem:v7+s7+$0x0] =	vst.idx.add.s32.msk vm12, v1;
	v41 =	vcvt.f32.s32 v40  }
0x3ac: {  	v46 =	vtrunc.f32 v43;
	v51 =	vcvt.f32.s32 v16;
	vm12 =	vlt.s32 v44, $0x1FFF;
	v45 =	vld [tilespmem:s8+$0x20]  }
0x3ad: {  	vm9 =	vgt.f32 v39, $0.0e+00;
	v7 =	vnsel vm12, $0x1FFF, v44;
	vm11 =	vlt.s32 v41, $0x1FFF  }
0x3ae: {  	v48 =	vcvt.f32.s32 v46;
	vm8 =	vlt.s32 v51, $0x1FFF;
	v10 =	vnsel vm11, $0x1FFF, v41  }
0x3af: {  	v50 =	vmul.f32 $8.192000000e+03, v42;
	[tilespmem:v9+s7+$0x0] =	vst.idx.add.s32.msk vm15, v1;
	v9 =	vnsel vm8, $0x1FFF, v51  }
0x3b0: {  	vm14 =	vlt.s32 v48, $0x1FFF;
	vm15 =	vgt.f32 v35, $0.0e+00;
	v56 =	vmul.f32 $8.192000000e+03, v49  }
0x3b1: {  	v6 =	vnsel vm14, $0x1FFF, v48;
	v52 =	vld [tilespmem:s28+$0x20];
	v14 =	vtrunc.f32 v50;
	v53 =	vmul.f32 $8.192000000e+03, v45  }
0x3b2: {  	[tilespmem:v7+s7+$0x0] =	vst.idx.add.s32.msk vm13, v1;
	v59 =	vtrunc.f32 v56;
	v54 =	vcvt.f32.s32 v14  }
0x3b3: {  	v61 =	vcvt.f32.s32 v59;
	[tilespmem:v10+s7+$0x0] =	vst.idx.add.s32.msk vm10, v1  }
0x3b4: {  	v57 =	vtrunc.f32 v53;
	vm10 =	vgt.f32 v42, $0.0e+00;
	vm11 =	vlt.s32 v54, $0x1FFF;
	[tilespmem:v9+s7+$0x0] =	vst.idx.add.s32.msk vm9, v1  }
0x3b5: {  	v58 =	vcvt.f32.s32 v57;
	v55 =	vld [tilespmem:s29+$0x20];
	v10 =	vnsel vm11, $0x1FFF, v54  }
0x3b6: {  	vm14 =	vgt.f32 v49, $0.0e+00;
	vm13 =	vgt.f32 v45, $0.0e+00;
	[tilespmem:v6+s7+$0x0] =	vst.idx.add.s32.msk vm15, v1;
	vm15 =	vlt.s32 v61, $0x1FFF  }
0x3b7: {  	v60 =	vmul.f32 $8.192000000e+03, v52;
	v20 =	vld [tilespmem:s14+$0x30];
	vm12 =	vlt.s32 v58, $0x1FFF;
	v6 =	vnsel vm15, $0x1FFF, v61  }
0x3b8: {  	v62 =	vld [tilespmem:s24+$0x40];
	v7 =	vnsel vm12, $0x1FFF, v58  }
0x3b9: {  	[tilespmem:v4+s7+$0x0] =	vst.idx.add.s32.msk vm1, v1;
	v63 =	vtrunc.f32 v60  }
0x3ba: {  	v19 =	vcvt.f32.s32 v63;
	v18 =	vmul.f32 $8.192000000e+03, v55;
	[tilespmem:v10+s7+$0x0] =	vst.idx.add.s32.msk vm10, v1  }
0x3bb: {  	v3 =	vnsel vm2, $0x1FFF, v3;
	vm8 =	vgt.f32 v52, $0.0e+00;
	v23 =	vld [tilespmem:s17+$0x30]  }
0x3bc: {  	vm9 =	vlt.s32 v19, $0x1FFF;
	v25 =	vmul.f32 $8.192000000e+03, v20;
	[tilespmem:v6+s7+$0x0] =	vst.idx.add.s32.msk vm14, v1;
	v21 =	vtrunc.f32 v18  }
0x3bd: {  	v9 =	vnsel vm9, $0x1FFF, v19;
	v24 =	vmul.f32 $8.192000000e+03, v62;
	[tilespmem:v7+s7+$0x0] =	vst.idx.add.s32.msk vm13, v1;
	v22 =	vcvt.f32.s32 v21  }
0x3be: {  	vm10 =	vgt.f32 v55, $0.0e+00;
	v27 =	vld [tilespmem:s19+$0x30]  }
0x3bf: {  	v14 =	vtrunc.f32 v25;
	v7 =	vld [tilespmem:s8+$0x30];
	v13 =	vtrunc.f32 v24;
	vm11 =	vlt.s32 v22, $0x1FFF  }
0x3c0: {  	[tilespmem:v3+s7+$0x0] =	vst.idx.add.s32.msk vm0, v1;
	v29 =	vcvt.f32.s32 v14;
	v26 =	vcvt.f32.s32 v13;
	v10 =	vnsel vm11, $0x1FFF, v22  }
0x3c1: {  	v34 =	vld [tilespmem:s12+$0x40];
	vm15 =	vgt.f32 v20, $0.0e+00;
	v28 =	vmul.f32 $8.192000000e+03, v23  }
0x3c2: {  	vm13 =	vgt.f32 v62, $0.0e+00;
	vm14 =	vlt.s32 v29, $0x1FFF;
	[tilespmem:v9+s7+$0x0] =	vst.idx.add.s32.msk vm8, v1;
	vm12 =	vlt.s32 v26, $0x1FFF  }
0x3c3: {  	v8 =	vnsel vm14, $0x1FFF, v29;
	v9 =	vld [tilespmem:s28+$0x30];
	v35 =	vmul.f32 $8.192000000e+03, v27;
	v30 =	vtrunc.f32 v28  }
0x3c4: {  	v36 =	vld [tilespmem:s11+$0x60];
	v6 =	vnsel vm12, $0x1FFF, v26;
	v31 =	vmul.f32 $8.192000000e+03, v7;
	v32 =	vcvt.f32.s32 v30  }
0x3c5: {  	vm6 =	vgt.f32 v23, $0.0e+00;
	v37 =	vtrunc.f32 v35;
	[tilespmem:v10+s7+$0x0] =	vst.idx.add.s32.msk vm10, v1  }
0x3c6: {  	v15 =	vtrunc.f32 v31;
	v39 =	vcvt.f32.s32 v37;
	vm7 =	vlt.s32 v32, $0x1FFF;
	v33 =	vld [tilespmem:s29+$0x30]  }
0x3c7: {  	v5 =	vtrunc.f32 v5;
	v4 =	vld [tilespmem:s16+$0x70];
	v3 =	vcvt.f32.s32 v15;
	v10 =	vnsel vm7, $0x1FFF, v32  }
0x3c8: {  	[tilespmem:v8+s7+$0x0] =	vst.idx.add.s32.msk vm15, v1;
	vm10 =	vgt.f32 v27, $0.0e+00;
	v38 =	vmul.f32 $8.192000000e+03, v9;
	vm11 =	vlt.s32 v39, $0x1FFF  }
0x3c9: {  	vm9 =	vgt.f32 v7, $0.0e+00;
	[tilespmem:v6+s7+$0x0] =	vst.idx.add.s32.msk vm13, v1;
	vm8 =	vlt.s32 v3, $0x1FFF;
	v6 =	vnsel vm11, $0x1FFF, v39  }
0x3ca: {  	v50 =	vmul.f32 $8.192000000e+03, v34;
	v45 =	vld [tilespmem:s14+$0x40];
	v3 =	vnsel vm8, $0x1FFF, v3;
	v41 =	vtrunc.f32 v38  }
0x3cb: {  	v40 =	vld [tilespmem:s24+$0x50];
	v43 =	vcvt.f32.s32 v41;
	v42 =	vmul.f32 $8.192000000e+03, v33  }
0x3cc: {  	v47 =	vcvt.f32.s32 v5;
	v52 =	vtrunc.f32 v50;
	vm12 =	vgt.f32 v9, $0.0e+00;
	[tilespmem:v10+s7+$0x0] =	vst.idx.add.s32.msk vm6, v1  }
0x3cd: {  	vm13 =	vlt.s32 v43, $0x1FFF;
	v10 =	vcvt.f32.s32 v52;
	v49 =	vld [tilespmem:s17+$0x40];
	v16 =	vtrunc.f32 v42  }
0x3ce: {  	v54 =	vmul.f32 $8.192000000e+03, v36;
	v8 =	vnsel vm13, $0x1FFF, v43;
	[tilespmem:v6+s7+$0x0] =	vst.idx.add.s32.msk vm10, v1;
	v46 =	vcvt.f32.s32 v16  }
0x3cf: {  	v53 =	vmul.f32 $8.192000000e+03, v45;
	[tilespmem:v3+s7+$0x0] =	vst.idx.add.s32.msk vm9, v1;
	vm9 =	vgt.f32 v34, $0.0e+00;
	vm10 =	vlt.s32 v10, $0x1FFF  }
0x3d0: {  	vm14 =	vgt.f32 v33, $0.0e+00;
	v55 =	vld [tilespmem:s19+$0x40];
	v10 =	vnsel vm10, $0x1FFF, v10;
	vm15 =	vlt.s32 v46, $0x1FFF  }
0x3d1: {  	v44 =	vmul.f32 $8.192000000e+03, v4;
	v16 =	vtrunc.f32 v53;
	v9 =	vnsel vm15, $0x1FFF, v46  }
0x3d2: {  	vm0 =	vgt.f32 v36, $0.0e+00;
	v51 =	vld [tilespmem:s8+$0x40];
	v16 =	vcvt.f32.s32 v16;
	v56 =	vmul.f32 $8.192000000e+03, v49  }
0x3d3: {  	vm8 =	vlt.s32 v47, $0x1FFF;
	v57 =	vmul.f32 $8.192000000e+03, v40;
	v6 =	vtrunc.f32 v54;
	[tilespmem:v8+s7+$0x0] =	vst.idx.add.s32.msk vm12, v1  }
0x3d4: {  	vm11 =	vlt.s32 v16, $0x1FFF;
	vm12 =	vgt.f32 v45, $0.0e+00;
	v58 =	vld [tilespmem:s28+$0x40];
	v12 =	vtrunc.f32 v56  }
0x3d5: {  	v61 =	vnsel vm11, $0x1FFF, v16;
	v62 =	vmul.f32 $8.192000000e+03, v55;
	[tilespmem:v10+s7+$0x0] =	vst.idx.add.s32.msk vm9, v1;
	v59 =	vcvt.f32.s32 v12  }
0x3d6: {  	v6 =	vcvt.f32.s32 v6;
	vm13 =	vgt.f32 v49, $0.0e+00;
	v8 =	vtrunc.f32 v57;
	[tilespmem:v9+s7+$0x0] =	vst.idx.add.s32.msk vm14, v1  }
0x3d7: {  	v18 =	vmul.f32 $8.192000000e+03, v51;
	v16 =	vtrunc.f32 v62;
	vm14 =	vlt.s32 v59, $0x1FFF;
	v60 =	vld [tilespmem:s29+$0x40]  }
0x3d8: {  	v8 =	vcvt.f32.s32 v8;
	v23 =	vld [tilespmem:s12+$0x50];
	v22 =	vcvt.f32.s32 v16;
	v9 =	vnsel vm14, $0x1FFF, v59  }
0x3d9: {  	v3 =	vnsel vm8, $0x1FFF, v47;
	v18 =	vtrunc.f32 v18;
	v21 =	vmul.f32 $8.192000000e+03, v58  }
0x3da: {  	vm9 =	vgt.f32 v55, $0.0e+00;
	v63 =	vcvt.f32.s32 v18;
	[tilespmem:v61+s7+$0x0] =	vst.idx.add.s32.msk vm12, v1;
	vm10 =	vlt.s32 v22, $0x1FFF  }
0x3db: {  	vm8 =	vgt.f32 v51, $0.0e+00;
	v15 =	vld [tilespmem:s14+$0x50];
	v10 =	vnsel vm10, $0x1FFF, v22;
	v24 =	vtrunc.f32 v21  }
0x3dc: {  	vm15 =	vlt.s32 v63, $0x1FFF;
	v26 =	vcvt.f32.s32 v24;
	v25 =	vmul.f32 $8.192000000e+03, v60  }
0x3dd: {  	vm11 =	vgt.f32 v58, $0.0e+00;
	v13 =	vnsel vm15, $0x1FFF, v63;
	v30 =	vmul.f32 $8.192000000e+03, v23;
	[tilespmem:v9+s7+$0x0] =	vst.idx.add.s32.msk vm13, v1  }
0x3de: {  	vm15 =	vlt.s32 v8, $0x1FFF;
	vm12 =	vlt.s32 v26, $0x1FFF;
	v29 =	vld [tilespmem:s17+$0x50];
	v27 =	vtrunc.f32 v25  }
0x3df: {  	v32 =	vtrunc.f32 v30;
	v14 =	vnsel vm12, $0x1FFF, v26;
	v28 =	vcvt.f32.s32 v27  }
0x3e0: {  	vm13 =	vgt.f32 v60, $0.0e+00;
	v33 =	vmul.f32 $8.192000000e+03, v15;
	[tilespmem:v10+s7+$0x0] =	vst.idx.add.s32.msk vm9, v1;
	vm9 =	vlt.s32 v6, $0x1FFF  }
0x3e1: {  	v7 =	vcvt.f32.s32 v32;
	v10 =	vld [tilespmem:s19+$0x50];
	v6 =	vnsel vm9, $0x1FFF, v6;
	vm14 =	vlt.s32 v28, $0x1FFF  }
0x3e2: {  	[tilespmem:v13+s7+$0x0] =	vst.idx.add.s32.msk vm8, v1;
	vm8 =	vgt.f32 v40, $0.0e+00;
	v13 =	vtrunc.f32 v33;
	v9 =	vnsel vm14, $0x1FFF, v28  }
0x3e3: {  	v8 =	vnsel vm15, $0x1FFF, v8;
	v31 =	vld [tilespmem:s8+$0x50];
	v35 =	vcvt.f32.s32 v13;
	v34 =	vmul.f32 $8.192000000e+03, v29  }
0x3e4: {  	v48 =	vtrunc.f32 v44;
	vm10 =	vgt.f32 v23, $0.0e+00;
	[tilespmem:v14+s7+$0x0] =	vst.idx.add.s32.msk vm11, v1  }
0x3e5: {  	vm11 =	vlt.s32 v7, $0x1FFF;
	vm12 =	vlt.s32 v35, $0x1FFF;
	v36 =	vld [tilespmem:s28+$0x50];
	v37 =	vtrunc.f32 v34  }
0x3e6: {  	v7 =	vnsel vm11, $0x1FFF, v7;
	v43 =	vmul.f32 $8.192000000e+03, v10;
	[tilespmem:v6+s7+$0x0] =	vst.idx.add.s32.msk vm0, v1;
	v39 =	vcvt.f32.s32 v37  }
0x3e7: {  	vm14 =	vgt.f32 v29, $0.0e+00;
	v41 =	vnsel vm12, $0x1FFF, v35;
	[tilespmem:v9+s7+$0x0] =	vst.idx.add.s32.msk vm13, v1;
	vm13 =	vgt.f32 v15, $0.0e+00  }
0x3e8: {  	v38 =	vmul.f32 $8.192000000e+03, v31;
	[tilespmem:v8+s7+$0x0] =	vst.idx.add.s32.msk vm8, v1;
	v46 =	vtrunc.f32 v43;
	vm15 =	vlt.s32 v39, $0x1FFF  }
0x3e9: {  	v5 =	vcvt.f32.s32 v48;
	v44 =	vld [tilespmem:s24+$0x60];
	v48 =	vcvt.f32.s32 v46;
	v45 =	vnsel vm15, $0x1FFF, v39  }
0x3ea: {  	v42 =	vtrunc.f32 v38;
	v40 =	vld [tilespmem:s29+$0x50]  }
0x3eb: {  	v11 =	vcvt.f32.s32 v42;
	[tilespmem:v7+s7+$0x0] =	vst.idx.add.s32.msk vm10, v1;
	vm10 =	vgt.f32 v10, $0.0e+00;
	vm11 =	vlt.s32 v48, $0x1FFF  }
0x3ec: {  	v47 =	vmul.f32 $8.192000000e+03, v36;
	v49 =	vld [tilespmem:s12+$0x60];
	v7 =	vnsel vm11, $0x1FFF, v48  }
0x3ed: {  	vm9 =	vgt.f32 v31, $0.0e+00;
	vm8 =	vlt.s32 v11, $0x1FFF;
	[tilespmem:v41+s7+$0x0] =	vst.idx.add.s32.msk vm13, v1  }
0x3ee: {  	v11 =	vnsel vm8, $0x1FFF, v11;
	v50 =	vtrunc.f32 v47;
	[tilespmem:v45+s7+$0x0] =	vst.idx.add.s32.msk vm14, v1  }
0x3ef: {  	v53 =	vmul.f32 $8.192000000e+03, v44;
	v51 =	vmul.f32 $8.192000000e+03, v40;
	v54 =	vld [tilespmem:s14+$0x60]  }
0x3f0: {  	vm0 =	vgt.f32 v4, $0.0e+00;
	v52 =	vcvt.f32.s32 v50;
	v56 =	vld [tilespmem:s17+$0x60]  }
0x3f1: {  	vm12 =	vgt.f32 v36, $0.0e+00;
	v10 =	vtrunc.f32 v53;
	[tilespmem:v7+s7+$0x0] =	vst.idx.add.s32.msk vm10, v1;
	v15 =	vtrunc.f32 v51  }
0x3f2: {  	vm13 =	vlt.s32 v52, $0x1FFF;
	vm14 =	vlt.s32 v5, $0x1FFF;
	v63 =	vld [tilespmem:s19+$0x60];
	v55 =	vcvt.f32.s32 v15  }
0x3f3: {  	vm15 =	vgt.f32 v40, $0.0e+00;
	v8 =	vnsel vm13, $0x1FFF, v52;
	v57 =	vmul.f32 $8.192000000e+03, v49;
	[tilespmem:v11+s7+$0x0] =	vst.idx.add.s32.msk vm9, v1  }
0x3f4: {  	v58 =	vcvt.f32.s32 v10;
	v5 =	vnsel vm14, $0x1FFF, v5;
	v59 =	vld [tilespmem:s8+$0x60];
	vm8 =	vlt.s32 v55, $0x1FFF  }
0x3f5: {  	vm10 =	vgt.f32 v44, $0.0e+00;
	v60 =	vtrunc.f32 v57;
	v6 =	vnsel vm8, $0x1FFF, v55  }
0x3f6: {  	vm11 =	vgt.f32 v49, $0.0e+00;
	v61 =	vmul.f32 $8.192000000e+03, v54;
	v18 =	vmul.f32 $8.192000000e+03, v56  }
0x3f7: {  	vm9 =	vlt.s32 v58, $0x1FFF;
	v62 =	vcvt.f32.s32 v60;
	v26 =	vmul.f32 $8.192000000e+03, v63  }
0x3f8: {  	v4 =	vnsel vm9, $0x1FFF, v58;
	[tilespmem:v8+s7+$0x0] =	vst.idx.add.s32.msk vm12, v1;
	v14 =	vtrunc.f32 v61;
	v21 =	vtrunc.f32 v18  }
0x3f9: {  	vm12 =	vlt.s32 v62, $0x1FFF;
	v20 =	vld [tilespmem:s28+$0x60];
	v22 =	vmul.f32 $8.192000000e+03, v59;
	v19 =	vcvt.f32.s32 v14  }
0x3fa: {  	vm14 =	vgt.f32 v54, $0.0e+00;
	v7 =	vnsel vm12, $0x1FFF, v62;
	v23 =	vcvt.f32.s32 v21;
	[tilespmem:v6+s7+$0x0] =	vst.idx.add.s32.msk vm15, v1  }
0x3fb: {  	v29 =	vtrunc.f32 v26;
	v15 =	vtrunc.f32 v22;
	vm13 =	vlt.s32 v19, $0x1FFF;
	v24 =	vld [tilespmem:s29+$0x60]  }
0x3fc: {  	v25 =	vld [tilespmem:s11+$0x70];
	vm15 =	vgt.f32 v56, $0.0e+00;
	vm8 =	vlt.s32 v23, $0x1FFF;
	v8 =	vnsel vm13, $0x1FFF, v19  }
0x3fd: {  	[tilespmem:v4+s7+$0x0] =	vst.idx.add.s32.msk vm10, v1;
	v31 =	vcvt.f32.s32 v29;
	v27 =	vcvt.f32.s32 v15;
	v6 =	vnsel vm8, $0x1FFF, v23  }
0x3fe: {  	vm10 =	vgt.f32 v59, $0.0e+00;
	v28 =	vld [tilespmem:s24+$0x70];
	v30 =	vmul.f32 $8.192000000e+03, v20  }
0x3ff: {  	[tilespmem:v7+s7+$0x0] =	vst.idx.add.s32.msk vm11, v1;
	vm11 =	vgt.f32 v63, $0.0e+00;
	vm12 =	vlt.s32 v31, $0x1FFF;
	vm9 =	vlt.s32 v27, $0x1FFF  }
0x400: {  	v32 =	vld [tilespmem:s12+$0x70];
	v7 =	vnsel vm12, $0x1FFF, v31;
	v33 =	vtrunc.f32 v30;
	v34 =	vmul.f32 $8.192000000e+03, v24  }
0x401: {  	v4 =	vnsel vm9, $0x1FFF, v27;
	v35 =	vcvt.f32.s32 v33;
	[tilespmem:v8+s7+$0x0] =	vst.idx.add.s32.msk vm14, v1  }
0x402: {  	v36 =	vmul.f32 $8.192000000e+03, v25;
	[tilespmem:v6+s7+$0x0] =	vst.idx.add.s32.msk vm15, v1;
	v16 =	vtrunc.f32 v34  }
0x403: {  	vm13 =	vgt.f32 v20, $0.0e+00;
	vm14 =	vlt.s32 v35, $0x1FFF;
	v37 =	vld [tilespmem:s14+$0x70];
	v38 =	vcvt.f32.s32 v16  }
0x404: {  	v39 =	vtrunc.f32 v36;
	v40 =	vmul.f32 $8.192000000e+03, v28;
	v41 =	vld [tilespmem:s17+$0x70];
	v8 =	vnsel vm14, $0x1FFF, v35  }
0x405: {  	v9 =	vcvt.f32.s32 v39;
	vm15 =	vgt.f32 v24, $0.0e+00;
	[tilespmem:v7+s7+$0x0] =	vst.idx.add.s32.msk vm11, v1;
	vm7 =	vlt.s32 v38, $0x1FFF  }
0x406: {  	v42 =	vtrunc.f32 v40;
	v43 =	vmul.f32 $8.192000000e+03, v32;
	[tilespmem:v4+s7+$0x0] =	vst.idx.add.s32.msk vm10, v1;
	v6 =	vnsel vm7, $0x1FFF, v38  }
0x407: {  	vm1 =	vgt.f32 v2, $0.0e+00;
	vm8 =	vlt.s32 v9, $0x1FFF;
	v2 =	vcvt.f32.s32 v42;
	v48 =	vld [tilespmem:s19+$0x70]  }
0x408: {  	v45 =	vnsel vm8, $0x1FFF, v9;
	vm12 =	vgt.f32 v25, $0.0e+00;
	v44 =	vld [tilespmem:s8+$0x70];
	v46 =	vtrunc.f32 v43  }
0x409: {  	vm3 =	vgt.f32 v32, $0.0e+00;
	vm9 =	vlt.s32 v2, $0x1FFF;
	v7 =	vcvt.f32.s32 v46;
	[tilespmem:v8+s7+$0x0] =	vst.idx.add.s32.msk vm13, v1  }
0x40a: {  	vm10 =	vgt.f32 v28, $0.0e+00;
	v2 =	vnsel vm9, $0x1FFF, v2;
	v47 =	vmul.f32 $8.192000000e+03, v37;
	v51 =	vld [tilespmem:s28+$0x70]  }
0x40b: {  	v50 =	vmul.f32 $8.192000000e+03, v41;
	vm11 =	vlt.s32 v7, $0x1FFF;
	vm5 =	vgt.f32 v37, $0.0e+00;
	[tilespmem:v6+s7+$0x0] =	vst.idx.add.s32.msk vm15, v1  }
0x40c: {  	vm9 =	vgt.f32 v41, $0.0e+00;
	v57 =	vmul.f32 $8.192000000e+03, v48;
	v49 =	vtrunc.f32 v47;
	v55 =	vld [tilespmem:s29+$0x70]  }
0x40d: {  	v53 =	vnsel vm11, $0x1FFF, v7;
	v52 =	vmul.f32 $8.192000000e+03, v44;
	v54 =	vtrunc.f32 v50  }
0x40e: {  	vm11 =	vgt.f32 v48, $0.0e+00;
	v8 =	vcvt.f32.s32 v49;
	v7 =	vcvt.f32.s32 v54  }
0x40f: {  	[tilespmem:v5+s7+$0x0] =	vst.idx.add.s32.msk vm0, v1;
	vm0 =	vgt.f32 v44, $0.0e+00;
	v10 =	vtrunc.f32 v57;
	v56 =	vtrunc.f32 v52  }
0x410: {  	v60 =	vcvt.f32.s32 v10;
	vm13 =	vlt.s32 v8, $0x1FFF;
	v58 =	vmul.f32 $8.192000000e+03, v51  }
0x411: {  	v14 =	vcvt.f32.s32 v56;
	vm14 =	vlt.s32 v7, $0x1FFF;
	v59 =	vmul.f32 $8.192000000e+03, v55  }
0x412: {  	[tilespmem:v3+s7+$0x0] =	vst.idx.add.s32.msk vm1, v1;
	v8 =	vnsel vm13, $0x1FFF, v8;
	v7 =	vnsel vm14, $0x1FFF, v7;
	v61 =	vtrunc.f32 v58  }
0x413: {  	[tilespmem:v2+s7+$0x0] =	vst.idx.add.s32.msk vm10, v1;
	vm10 =	vlt.s32 v60, $0x1FFF;
	v3 =	vcvt.f32.s32 v61;
	v62 =	vtrunc.f32 v59  }
0x414: {  	vm15 =	vlt.s32 v14, $0x1FFF;
	v63 =	vnsel vm10, $0x1FFF, v60;
	v2 =	vcvt.f32.s32 v62  }
0x415: {  	[tilespmem:v45+s7+$0x0] =	vst.idx.add.s32.msk vm12, v1;
	vm13 =	vgt.f32 v51, $0.0e+00;
	v14 =	vnsel vm15, $0x1FFF, v14;
	vm12 =	vlt.s32 v3, $0x1FFF  }
0x416: {  	[tilespmem:v53+s7+$0x0] =	vst.idx.add.s32.msk vm3, v1;
	vm15 =	vgt.f32 v55, $0.0e+00;
	v3 =	vnsel vm12, $0x1FFF, v3;
	vm14 =	vlt.s32 v2, $0x1FFF  }
0x417: {  	[tilespmem:v8+s7+$0x0] =	vst.idx.add.s32.msk vm5, v1;
	v2 =	vnsel vm14, $0x1FFF, v2  }
0x418: {  	[tilespmem:v7+s7+$0x0] =	vst.idx.add.s32.msk vm9, v1  }
0x419: {  	[tilespmem:v63+s7+$0x0] =	vst.idx.add.s32.msk vm11, v1  }
0x41a: {  	s10 =	sadd.s32 $0x1, s10;
	[tilespmem:v14+s7+$0x0] =	vst.idx.add.s32.msk vm0, v1  }
0x41b: {  	p0 =	sne.s32 s10, s6;
	[tilespmem:v3+s7+$0x0] =	vst.idx.add.s32.msk vm13, v1  }
.Ltmp2:
0x41c: {  	s30 =	simm.s32 $0x80;
	s31 =	simm.s32 $0x400;
	[tilespmem:v2+s7+$0x0] =	vst.idx.add.s32.msk vm15, v1;
	(pc) =	sbr.rel @p0 .LBB2_1-.Ltmp2, $4  }
0x41d: {  	[hbm4b:s5+s30] =	stream.strided.scatter [tilespmem:s7], [sflag:$0x1], $0x2000, s31, s30, $0x38;
	[tilespmem:$0xB000] =	vst v63  }
0x41e: {  	_ =	swait.ge [sflag:s3], $0x2000  }
0x41f: {  	[sflag:s3] =	ssyncset.done $0x0  }
0x420: {  	[sflag:s3] =	ssyncadd.s32 $0xFFFFE000  }
0x421: {  	_ =	sfence.sel $0x180000  }
0x422: {  	[bflag:$0x0] =	sbarrier.arrive $0xFFFF  }
0x423: {  	_ =	strace $0x90000047  }
0x424: {  	s0 =	stileid.u32;
	[bflag:$0x2] =	sbarrier.arrive $0xFFFF  }
0x425: {  	p0 =	sne.s32 s0, $0x0;
	s0 =	rddreg [dreg:$0x2]  }
0x426: {  	s0 =	sadd.s32 @!p0 $0x100000, s0  }
0x427: {  	[sflag:s0] =	ssyncadd.tile.s32 @!p0 $0x1;
	_ =	shalt  }
.Lfunc_end2:
_tile_overlayer_lowered:
.L_overlay_start_2:
0x428: {  	(tag) =	ssettag $0x2  }
0x429: {  	s0 =	rddreg [dreg:$0x0];
	s2 =	stileid.u32  }
0x42a: {  	s1 =	rddreg [dreg:$0x1];
	p0 =	sne.s32 s2, $0x0  }
0x42b: {  	s3 =	rddreg [dreg:$0x2];
	[bflag:$0x3] =	sbarrier.arrive $0xFFFF;
	s2 =	simm.s32 @!p0 $0x1C01  }
0x42c: {  	[timem:s3], [sflag:s2] =	dma.local @!p0 [hbm:s0], s1  }
0x42d: {  	s0 =	simm.s32 @!p0 $0x1  }
0x42e: {  	_ =	swait.ge @!p0 [sflag:s0], s1  }
0x42f: {  	s1 =	ssub.s32 @!p0 $0x0, s1;
	[sflag:s0] =	ssyncset.done @!p0 $0x0  }
0x430: {  	[sflag:s0] =	ssyncadd.s32 @!p0 s1  }
0x431: {  	[bflag:$0x3] =	sbarrier.arrive $0xFFFF  }
0x432: {  	_ =	shalt  }

</sc_bundles>
